<compile_context>
chip_gen: v7x
topology: tpu7x:2x2x1
jax: 0.10.2.dev20260603
libtpu: 0.0.44.dev20260713+nightly
codegen_flags: <defaults>
</compile_context>

<pallas_src>
import functools

import jax
import jax.numpy as jnp
from jax import lax
from jax.experimental import pallas as pl
from jax.experimental.pallas import tpu as pltpu
from jax.experimental.pallas import tpu_sc as plsc

N = 10000
D = 128
DP = 144
NPAD = 10112
E = 320000
Q = 100000
CK = 128
NW = 32
ERows = (E + NW * CK - 1) // (NW * CK) * NW
REPT = ERows // NW
QRows = (Q + NW * CK - 1) // (NW * CK) * NW
RQPT = QRows // NW
EPAD = ERows * CK
QPAD = QRows * CK
ROWS_PER_TILE = NPAD // 16
NEG = 0.2

_f32 = jnp.float32
_i32 = jnp.int32



def _t1_body(x_ref, w_ref, a_ref, hp_ref, al_ref):
    _t1_body_from(x_ref[...], w_ref, a_ref, hp_ref, al_ref)


def _t2_body(acc_ref, den_ref, b_ref, gam_ref, bet_ref, mean_ref, var_ref,
             w_ref, a_ref, hp_ref, al_ref):
    accs = acc_ref[0] + acc_ref[1]
    dens = den_ref[0] + den_ref[1]
    x = accs[0:N, :] / (dens[0:N, 0:1] + 1e-16) + b_ref[...]
    x = (x - mean_ref[...]) * lax.rsqrt(var_ref[...] + 1e-5) * gam_ref[...] \
        + bet_ref[...]
    x = jnp.maximum(x, 0.0)
    _t1_body_from(x, w_ref, a_ref, hp_ref, al_ref)


def _t1_body_from(x, w_ref, a_ref, hp_ref, al_ref):
    h = jnp.dot(x, w_ref[...], preferred_element_type=_f32)
    al = jnp.dot(h, a_ref[...], preferred_element_type=_f32)
    hp_ref[...] = h
    al_ref[0:N, :] = al
    al_ref[N:NPAD, :] = jnp.zeros((NPAD - N, 2), _f32)


def _t3_body(acc_ref, den_ref, b_ref, x_ref):
    accs = acc_ref[0] + acc_ref[1]
    dens = den_ref[0] + den_ref[1]
    x_ref[...] = accs[0:N, :] / (dens[0:N, 0:1] + 1e-16) + b_ref[...]


BQ = QPAD // 10


def _t4_body(prod_ref, w1_ref, b1_ref, w2_ref, b2_ref, out_ref):
    t = jnp.dot(prod_ref[...], w1_ref[...], preferred_element_type=_f32)
    t = jnp.maximum(t + b1_ref[...], 0.0)
    o = jnp.dot(t, w2_ref[...], preferred_element_type=_f32) + b2_ref[...]
    out_ref[...] = jax.nn.sigmoid(o)



_MESH = plsc.VectorSubcoreMesh(core_axis_name="c", subcore_axis_name="s")
_SC_PARAMS = pltpu.CompilerParams(use_tc_tiling_on_sc=False,
                                  needs_layout_passes=False)


@functools.partial(
    pl.kernel,
    out_type=[jax.ShapeDtypeStruct((2, NPAD, D), _f32),
              jax.ShapeDtypeStruct((2, NPAD, 16), _f32)],
    mesh=_MESH,
    scratch_types=[
        pltpu.VMEM((2, CK), _i32),
        pltpu.VMEM((2 * NPAD,), _f32),
        pltpu.VMEM((CK, D), _f32),
        pltpu.VMEM((CK, 16), _f32),
        pltpu.VMEM_SHARED((NPAD, D), _f32),
        pltpu.VMEM_SHARED((NPAD, 16), _f32),
        pltpu.SemaphoreType.DMA,
    ],
    compiler_params=_SC_PARAMS,
)
def _sc_conv(hp_hbm, al_hbm, sd_hbm, acc_out, den_out,
             idx_v, al_v, rowg_v, wx_v, acc_sh, den_sh, sem):
    c = lax.axis_index("c")
    s = lax.axis_index("s")
    wid = c * 16 + s
    pltpu.sync_copy(al_hbm, al_v)

    zero16 = jnp.zeros((16,), _f32)

    def zrow(r, carry):
        rr = rowg_v.at[r]
        for q in range(D // 16):
            rr[pl.ds(q * 16, 16)] = zero16
        wx_v.at[r][pl.ds(0, 16)] = zero16
        return carry

    lax.fori_loop(0, CK, zrow, 0)

    base = s * ROWS_PER_TILE
    nfull = ROWS_PER_TILE // CK
    for k in range(nfull):
        pltpu.sync_copy(rowg_v, acc_sh.at[pl.ds(base + k * CK, CK)])
        pltpu.sync_copy(wx_v, den_sh.at[pl.ds(base + k * CK, CK)])
    rem = ROWS_PER_TILE - nfull * CK
    if rem:
        pltpu.sync_copy(rowg_v.at[pl.ds(0, rem)],
                        acc_sh.at[pl.ds(base + nfull * CK, rem)])
        pltpu.sync_copy(wx_v.at[pl.ds(0, rem)],
                        den_sh.at[pl.ds(base + nfull * CK, rem)])
    plsc.subcore_barrier()

    lane = lax.iota(_i32, 16)
    zeros_i = jnp.zeros((16,), _i32)

    def chunk(j, carry):
        pltpu.sync_copy(sd_hbm.at[wid, j], idx_v)
        cp = pltpu.async_copy(hp_hbm.at[idx_v.at[0]], rowg_v, sem)
        srow = idx_v.at[0]
        drow = idx_v.at[1]
        for g in range(CK // 16):
            s16 = srow[pl.ds(g * 16, 16)]
            d16 = drow[pl.ds(g * 16, 16)]
            als = plsc.load_gather(al_v, [s16 * 2])
            ald = plsc.load_gather(al_v, [d16 * 2 + 1])
            e = als + ald
            e = jnp.where(e > 0.0, e, NEG * e)
            plsc.store_scatter(wx_v, [lane + 16 * g, zeros_i], jnp.exp(e))
        cp.wait()

        def scale(r, cc):
            wr = plsc.load_gather(wx_v, [jnp.full((16,), r, _i32), zeros_i])
            rg = rowg_v.at[r]
            for q in range(D // 16):
                rg[pl.ds(q * 16, 16)] = rg[pl.ds(q * 16, 16)] * wr
            return cc

        lax.fori_loop(0, CK, scale, 0)
        pltpu.sync_copy(rowg_v, acc_sh.at[drow], add=True)
        pltpu.sync_copy(wx_v, den_sh.at[drow], add=True)
        return carry

    lax.fori_loop(0, REPT, chunk, 0)
    plsc.subcore_barrier()
    pltpu.sync_copy(acc_sh.at[pl.ds(base, ROWS_PER_TILE)],
                    acc_out.at[c, pl.ds(base, ROWS_PER_TILE)])
    pltpu.sync_copy(den_sh.at[pl.ds(base, ROWS_PER_TILE)],
                    den_out.at[c, pl.ds(base, ROWS_PER_TILE)])


@functools.partial(
    pl.kernel,
    out_type=jax.ShapeDtypeStruct((QPAD, D), _f32),
    mesh=_MESH,
    scratch_types=[
        pltpu.VMEM((RQPT, CK), _i32),
        pltpu.VMEM((RQPT, CK), _i32),
        pltpu.VMEM((CK, D), _f32),
        pltpu.VMEM((CK, D), _f32),
        pltpu.SemaphoreType.DMA,
        pltpu.SemaphoreType.DMA,
    ],
    compiler_params=_SC_PARAMS,
)
def _sc_link(x_hbm, ei_hbm, ej_hbm, prod_hbm, ei_v, ej_v, ra_v, rb_v,
             sema, semb):
    c = lax.axis_index("c")
    s = lax.axis_index("s")
    wid = c * 16 + s
    pltpu.sync_copy(ei_hbm.at[wid], ei_v)
    pltpu.sync_copy(ej_hbm.at[wid], ej_v)

    def chunk(j, carry):
        ca = pltpu.async_copy(x_hbm.at[ei_v.at[j]], ra_v, sema)
        cb = pltpu.async_copy(x_hbm.at[ej_v.at[j]], rb_v, semb)
        ca.wait()
        cb.wait()

        def mrow(r, cc):
            rra = ra_v.at[r]
            rrb = rb_v.at[r]
            for q in range(D // 16):
                rra[pl.ds(q * 16, 16)] = rra[pl.ds(q * 16, 16)] * \
                    rrb[pl.ds(q * 16, 16)]
            return cc

        lax.fori_loop(0, CK, mrow, 0)
        pltpu.sync_copy(ra_v, prod_hbm.at[pl.ds((wid * RQPT + j) * CK, CK)])
        return carry

    lax.fori_loop(0, RQPT, chunk, 0)



def kernel(adj_t, edges, emb, W1, a_src1, a_dst1, b1, bn_gamma, bn_beta,
           bn_mean, bn_var, W2, a_src2, a_dst2, b2, Wp1, bp1, Wp2, bp2):
    src = jnp.concatenate(
        [adj_t[0], jnp.zeros((EPAD - E,), _i32)]).reshape(NW, REPT, CK)
    dst = jnp.concatenate(
        [adj_t[1], jnp.full((EPAD - E,), N, _i32)]).reshape(NW, REPT, CK)
    sd = jnp.stack([src, dst], axis=2)
    ei = jnp.concatenate(
        [edges[0], jnp.zeros((QPAD - Q,), _i32)]).reshape(NW, RQPT, CK)
    ej = jnp.concatenate(
        [edges[1], jnp.zeros((QPAD - Q,), _i32)]).reshape(NW, RQPT, CK)
    a1 = jnp.stack([a_src1, a_dst1], axis=1)
    a2 = jnp.stack([a_src2, a_dst2], axis=1)
    b1r = b1.reshape(1, D)
    b2r = b2.reshape(1, D)
    gam = bn_gamma.reshape(1, D)
    bet = bn_beta.reshape(1, D)
    mean = bn_mean.reshape(1, D)
    var = bn_var.reshape(1, D)
    bp1r = bp1.reshape(1, D)
    bp2r = bp2.reshape(1, 1)

    hp1, al1 = pl.pallas_call(
        _t1_body,
        out_shape=[jax.ShapeDtypeStruct((N, D), _f32),
                   jax.ShapeDtypeStruct((NPAD, 2), _f32)],
    )(emb, W1, a1)

    acc1, den1 = _sc_conv(hp1, al1.reshape(2 * NPAD), sd)

    hp2, al2 = pl.pallas_call(
        _t2_body,
        out_shape=[jax.ShapeDtypeStruct((N, D), _f32),
                   jax.ShapeDtypeStruct((NPAD, 2), _f32)],
    )(acc1, den1, b1r, gam, bet, mean, var, W2, a2)

    acc2, den2 = _sc_conv(hp2, al2.reshape(2 * NPAD), sd)

    x2 = pl.pallas_call(
        _t3_body,
        out_shape=jax.ShapeDtypeStruct((N, D), _f32),
    )(acc2, den2, b2r)

    prod = _sc_link(x2, ei, ej)

    out = pl.pallas_call(
        _t4_body,
        grid=(QPAD // BQ,),
        in_specs=[
            pl.BlockSpec((BQ, D), lambda i: (i, 0)),
            pl.BlockSpec((D, D), lambda i: (0, 0)),
            pl.BlockSpec((1, D), lambda i: (0, 0)),
            pl.BlockSpec((D, 1), lambda i: (0, 0)),
            pl.BlockSpec((1, 1), lambda i: (0, 0)),
        ],
        out_specs=pl.BlockSpec((BQ, 1), lambda i: (i, 0)),
        out_shape=jax.ShapeDtypeStruct((QPAD, 1), _f32),
    )(prod, Wp1, bp1r, Wp2, bp2r)

    return out[:Q, 0]

# --- scband reference (transcript-rebuilt; emitter-appended) ---
"""Pipeline reference for scband-gat-44504451121630 (READ-ONLY COPY).

The authoritative reference and input builder live on the scoring server;
editing this copy changes nothing except your own understanding.
"""

import jax, jax.numpy as jnp
import numpy as np

N = 10000
E = 320000
Q = 100000
D = 128
NEG_SLOPE = 0.2


def setup_inputs(seed: int = 0) -> dict:
    key = jax.random.key(seed)
    ks = jax.random.split(key, 20)
    adj_t = jax.random.randint(ks[0], (2, E), 0, N)
    edges = jax.random.randint(ks[1], (2, Q), 0, N)
    emb = jax.random.normal(ks[2], (N, D), dtype=jnp.float32) * 0.1
    W1 = jax.random.normal(ks[3], (D, D), dtype=jnp.float32) / np.sqrt(D)
    a_src1 = jax.random.normal(ks[4], (D,), dtype=jnp.float32) * 0.1
    a_dst1 = jax.random.normal(ks[5], (D,), dtype=jnp.float32) * 0.1
    b1 = jnp.zeros((D,), dtype=jnp.float32)
    bn_gamma = jnp.ones((D,), dtype=jnp.float32)
    bn_beta = jnp.zeros((D,), dtype=jnp.float32)
    bn_mean = jnp.zeros((D,), dtype=jnp.float32)
    bn_var = jnp.ones((D,), dtype=jnp.float32)
    W2 = jax.random.normal(ks[6], (D, D), dtype=jnp.float32) / np.sqrt(D)
    a_src2 = jax.random.normal(ks[7], (D,), dtype=jnp.float32) * 0.1
    a_dst2 = jax.random.normal(ks[8], (D,), dtype=jnp.float32) * 0.1
    b2 = jnp.zeros((D,), dtype=jnp.float32)
    Wp1 = jax.random.normal(ks[9], (D, D), dtype=jnp.float32) / np.sqrt(D)
    bp1 = jnp.zeros((D,), dtype=jnp.float32)
    Wp2 = jax.random.normal(ks[10], (D, 1), dtype=jnp.float32) / np.sqrt(D)
    bp2 = jnp.zeros((1,), dtype=jnp.float32)
    return {"adj_t": adj_t, "edges": edges, "emb": emb, "W1": W1, "a_src1": a_src1,
            "a_dst1": a_dst1, "b1": b1, "bn_gamma": bn_gamma, "bn_beta": bn_beta,
            "bn_mean": bn_mean, "bn_var": bn_var, "W2": W2, "a_src2": a_src2,
            "a_dst2": a_dst2, "b2": b2, "Wp1": Wp1, "bp1": bp1, "Wp2": Wp2, "bp2": bp2}


def gat_conv(x, src, dst, W, a_src, a_dst, b, n):
    # GATConv, heads=1, concat=True (single head so identical output)
    h = x @ W
    alpha_src = h @ a_src  # [N]
    alpha_dst = h @ a_dst  # [N]
    e = alpha_src[src] + alpha_dst[dst]  # gather per edge
    e = jnp.where(e > 0, e, NEG_SLOPE * e)  # leaky_relu
    # softmax over incoming edges per destination node
    e_max = jax.ops.segment_max(e, dst, num_segments=n)
    e_max = jnp.where(jnp.isfinite(e_max), e_max, 0.0)
    e_exp = jnp.exp(e - jax.lax.stop_gradient(e_max)[dst])
    denom = jax.ops.segment_sum(e_exp, dst, num_segments=n)
    alpha = e_exp / (denom[dst] + 1e-16)
    out = jax.ops.segment_sum(alpha[:, None] * h[src], dst, num_segments=n)
    return out + b


def reference(adj_t, edges, emb, W1, a_src1, a_dst1, b1, bn_gamma, bn_beta,
              bn_mean, bn_var, W2, a_src2, a_dst2, b2, Wp1, bp1, Wp2, bp2):
    src, dst = adj_t[0], adj_t[1]
    # layer 1: conv -> batchnorm (eval) -> relu -> dropout(eval=identity)
    x = gat_conv(emb, src, dst, W1, a_src1, a_dst1, b1, N)
    x = (x - bn_mean) / jnp.sqrt(bn_var + 1e-5) * bn_gamma + bn_beta
    x = jax.nn.relu(x)
    # layer 2 (final conv, concat=False but heads=1 so same)
    x = gat_conv(x, src, dst, W2, a_src2, a_dst2, b2, N)
    # LinkPredictor: elementwise product of endpoint embeddings -> MLP -> sigmoid
    xi = x[edges[0]]
    xj = x[edges[1]]
    h = xi * xj
    h = jax.nn.relu(h @ Wp1 + bp1)
    out = jax.nn.sigmoid(h @ Wp2 + bp2)
    return out[:, 0]

if __name__ == "__main__":
    import jax
    _d = setup_inputs()
    print(jax.jit(kernel)(*tuple(_d.values())))

</pallas_src>

<mosaic_0001>
#map = affine_map<(d0, d1) -> (0, 0)>
#map1 = affine_map<(d0, d1) -> (0)>
#map2 = affine_map<(d0, d1) -> (0, 0, 0, 0)>
#map3 = affine_map<(d0, d1) -> (0, 0, 0)>
module attributes {stable_mosaic.version = 14 : i64} {
  func.func @_sc_conv(%arg0: i32, %arg1: i32, %arg2: memref<10000x128xf32, #tpu.memory_space<hbm>>, %arg3: memref<20224xf32, #tpu.memory_space<hbm>>, %arg4: memref<32x79x2x128xi32, #tpu.memory_space<hbm>>, %arg5: memref<2x10112x128xf32, #tpu.memory_space<hbm>>, %arg6: memref<2x10112x16xf32, #tpu.memory_space<hbm>>, %arg7: memref<2x128xi32, #tpu.memory_space<vmem>>, %arg8: memref<20224xf32, #tpu.memory_space<vmem>>, %arg9: memref<128x128xf32, #tpu.memory_space<vmem>>, %arg10: memref<128x16xf32, #tpu.memory_space<vmem>>, %arg11: memref<10112x128xf32, #tpu.memory_space<vmem_shared>>, %arg12: memref<10112x16xf32, #tpu.memory_space<vmem_shared>>, %arg13: memref<!tpu.dma_semaphore, #tpu.memory_space<semaphore_mem>>) attributes {dimension_semantics = [#tpu.dimension_semantics<core_parallel>, #tpu.dimension_semantics<subcore_parallel>], iteration_bounds = array<i64: 2, 16>, scalar_prefetch = 0 : i64, scratch_operands = 7 : i64, tpu.core_type = #tpu.core_type<sc_vector_subcore>, window_params = [{transform_indices = #map}, {transform_indices = #map1}, {transform_indices = #map2}, {transform_indices = #map3}, {transform_indices = #map3}]} {
    %mul3A = arith.constant 16 : i32
    %mul3A_0 = arith.muli %arg0, %mul3A : i32
    %add3A = arith.addi %mul3A_0, %arg1 : i32
    "tpu.region"() ({
      %run_scoped3A = tpu.sem_alloc : memref<!tpu.dma_semaphore, #tpu.memory_space<semaphore_mem>>
      tpu.enqueue_dma source(%arg3 : memref<20224xf32, #tpu.memory_space<hbm>>) target(%arg8 : memref<20224xf32, #tpu.memory_space<vmem>>) target_semaphore(%run_scoped3A : memref<!tpu.dma_semaphore, #tpu.memory_space<semaphore_mem>>)
      tpu.wait_dma2 semaphore(%run_scoped3A : memref<!tpu.dma_semaphore, #tpu.memory_space<semaphore_mem>>) src(%arg3 : memref<20224xf32, #tpu.memory_space<hbm>>) dst(%arg8 : memref<20224xf32, #tpu.memory_space<vmem>>)
      tpu.yield
    }) : () -> ()
    %broadcast_in_dim3A = arith.constant 0.000000e+00 : f32
    %broadcast_in_dim3A_1 = vector.broadcast %broadcast_in_dim3A : f32 to vector<16xf32>
    %scan3A = arith.constant 0 : i32
    %scan3A_2 = arith.constant 0 : i32
    %scan3A_3 = arith.constant 128 : i32
    %scan3A_4 = arith.addi %scan3A_2, %scan3A_3 : i32
    %scan3A_5 = arith.constant 1 : i32
    scf.for %scan3A_38 = %scan3A_2 to %scan3A_4 step %scan3A_5  : i32 {
      %swap3A = arith.constant 0 : i32
      %swap3A_39 = tpu.memref_slice %arg9[%scan3A_38, %swap3A] : memref<128x128xf32, #tpu.memory_space<vmem>> -> memref<1x128xf32, #tpu.memory_space<vmem>>
      %swap3A_40 = tpu.memref_squeeze %swap3A_39 : memref<1x128xf32, #tpu.memory_space<vmem>> -> memref<128xf32, #tpu.memory_space<vmem>>
      %swap3A_41 = arith.constant 0 : index
      %swap3A_42 = tpu.vector_load %swap3A_40[%swap3A_41] {strides = array<i32>} : memref<128xf32, #tpu.memory_space<vmem>>, vector<16xf32>,
      tpu.vector_store %swap3A_40[%swap3A_41], %broadcast_in_dim3A_1 {strides = array<i32>} : memref<128xf32, #tpu.memory_space<vmem>>, vector<16xf32>,
      %swap3A_43 = arith.constant 0 : i32
      %swap3A_44 = tpu.memref_slice %arg9[%scan3A_38, %swap3A_43] : memref<128x128xf32, #tpu.memory_space<vmem>> -> memref<1x128xf32, #tpu.memory_space<vmem>>
      %swap3A_45 = tpu.memref_squeeze %swap3A_44 : memref<1x128xf32, #tpu.memory_space<vmem>> -> memref<128xf32, #tpu.memory_space<vmem>>
      %swap3A_46 = arith.constant 16 : index
      %swap3A_47 = tpu.vector_load %swap3A_45[%swap3A_46] {strides = array<i32>} : memref<128xf32, #tpu.memory_space<vmem>>, vector<16xf32>,
      tpu.vector_store %swap3A_45[%swap3A_46], %broadcast_in_dim3A_1 {strides = array<i32>} : memref<128xf32, #tpu.memory_space<vmem>>, vector<16xf32>,
      %swap3A_48 = arith.constant 0 : i32
      %swap3A_49 = tpu.memref_slice %arg9[%scan3A_38, %swap3A_48] : memref<128x128xf32, #tpu.memory_space<vmem>> -> memref<1x128xf32, #tpu.memory_space<vmem>>
      %swap3A_50 = tpu.memref_squeeze %swap3A_49 : memref<1x128xf32, #tpu.memory_space<vmem>> -> memref<128xf32, #tpu.memory_space<vmem>>
      %swap3A_51 = arith.constant 32 : index
      %swap3A_52 = tpu.vector_load %swap3A_50[%swap3A_51] {strides = array<i32>} : memref<128xf32, #tpu.memory_space<vmem>>, vector<16xf32>,
      tpu.vector_store %swap3A_50[%swap3A_51], %broadcast_in_dim3A_1 {strides = array<i32>} : memref<128xf32, #tpu.memory_space<vmem>>, vector<16xf32>,
      %swap3A_53 = arith.constant 0 : i32
      %swap3A_54 = tpu.memref_slice %arg9[%scan3A_38, %swap3A_53] : memref<128x128xf32, #tpu.memory_space<vmem>> -> memref<1x128xf32, #tpu.memory_space<vmem>>
      %swap3A_55 = tpu.memref_squeeze %swap3A_54 : memref<1x128xf32, #tpu.memory_space<vmem>> -> memref<128xf32, #tpu.memory_space<vmem>>
      %swap3A_56 = arith.constant 48 : index
      %swap3A_57 = tpu.vector_load %swap3A_55[%swap3A_56] {strides = array<i32>} : memref<128xf32, #tpu.memory_space<vmem>>, vector<16xf32>,
      tpu.vector_store %swap3A_55[%swap3A_56], %broadcast_in_dim3A_1 {strides = array<i32>} : memref<128xf32, #tpu.memory_space<vmem>>, vector<16xf32>,
      %swap3A_58 = arith.constant 0 : i32
      %swap3A_59 = tpu.memref_slice %arg9[%scan3A_38, %swap3A_58] : memref<128x128xf32, #tpu.memory_space<vmem>> -> memref<1x128xf32, #tpu.memory_space<vmem>>
      %swap3A_60 = tpu.memref_squeeze %swap3A_59 : memref<1x128xf32, #tpu.memory_space<vmem>> -> memref<128xf32, #tpu.memory_space<vmem>>
      %swap3A_61 = arith.constant 64 : index
      %swap3A_62 = tpu.vector_load %swap3A_60[%swap3A_61] {strides = array<i32>} : memref<128xf32, #tpu.memory_space<vmem>>, vector<16xf32>,
      tpu.vector_store %swap3A_60[%swap3A_61], %broadcast_in_dim3A_1 {strides = array<i32>} : memref<128xf32, #tpu.memory_space<vmem>>, vector<16xf32>,
      %swap3A_63 = arith.constant 0 : i32
      %swap3A_64 = tpu.memref_slice %arg9[%scan3A_38, %swap3A_63] : memref<128x128xf32, #tpu.memory_space<vmem>> -> memref<1x128xf32, #tpu.memory_space<vmem>>
      %swap3A_65 = tpu.memref_squeeze %swap3A_64 : memref<1x128xf32, #tpu.memory_space<vmem>> -> memref<128xf32, #tpu.memory_space<vmem>>
      %swap3A_66 = arith.constant 80 : index
      %swap3A_67 = tpu.vector_load %swap3A_65[%swap3A_66] {strides = array<i32>} : memref<128xf32, #tpu.memory_space<vmem>>, vector<16xf32>,
      tpu.vector_store %swap3A_65[%swap3A_66], %broadcast_in_dim3A_1 {strides = array<i32>} : memref<128xf32, #tpu.memory_space<vmem>>, vector<16xf32>,
      %swap3A_68 = arith.constant 0 : i32
      %swap3A_69 = tpu.memref_slice %arg9[%scan3A_38, %swap3A_68] : memref<128x128xf32, #tpu.memory_space<vmem>> -> memref<1x128xf32, #tpu.memory_space<vmem>>
      %swap3A_70 = tpu.memref_squeeze %swap3A_69 : memref<1x128xf32, #tpu.memory_space<vmem>> -> memref<128xf32, #tpu.memory_space<vmem>>
      %swap3A_71 = arith.constant 96 : index
      %swap3A_72 = tpu.vector_load %swap3A_70[%swap3A_71] {strides = array<i32>} : memref<128xf32, #tpu.memory_space<vmem>>, vector<16xf32>,
      tpu.vector_store %swap3A_70[%swap3A_71], %broadcast_in_dim3A_1 {strides = array<i32>} : memref<128xf32, #tpu.memory_space<vmem>>, vector<16xf32>,
      %swap3A_73 = arith.constant 0 : i32
      %swap3A_74 = tpu.memref_slice %arg9[%scan3A_38, %swap3A_73] : memref<128x128xf32, #tpu.memory_space<vmem>> -> memref<1x128xf32, #tpu.memory_space<vmem>>
      %swap3A_75 = tpu.memref_squeeze %swap3A_74 : memref<1x128xf32, #tpu.memory_space<vmem>> -> memref<128xf32, #tpu.memory_space<vmem>>
      %swap3A_76 = arith.constant 112 : index
      %swap3A_77 = tpu.vector_load %swap3A_75[%swap3A_76] {strides = array<i32>} : memref<128xf32, #tpu.memory_space<vmem>>, vector<16xf32>,
      tpu.vector_store %swap3A_75[%swap3A_76], %broadcast_in_dim3A_1 {strides = array<i32>} : memref<128xf32, #tpu.memory_space<vmem>>, vector<16xf32>,
      %swap3A_78 = arith.constant 0 : i32
      %swap3A_79 = tpu.memref_slice %arg10[%scan3A_38, %swap3A_78] : memref<128x16xf32, #tpu.memory_space<vmem>> -> memref<1x16xf32, #tpu.memory_space<vmem>>
      %swap3A_80 = tpu.memref_squeeze %swap3A_79 : memref<1x16xf32, #tpu.memory_space<vmem>> -> memref<16xf32, #tpu.memory_space<vmem>>
      %swap3A_81 = arith.constant 0 : index
      %swap3A_82 = tpu.vector_load %swap3A_80[%swap3A_81] {strides = array<i32>} : memref<16xf32, #tpu.memory_space<vmem>>, vector<16xf32>,
      tpu.vector_store %swap3A_80[%swap3A_81], %broadcast_in_dim3A_1 {strides = array<i32>} : memref<16xf32, #tpu.memory_space<vmem>>, vector<16xf32>,
    }
    %scan3A_6 = arith.constant 128 : i32
    %mul3A_7 = arith.constant 632 : i32
    %mul3A_8 = arith.muli %arg1, %mul3A_7 : i32
    %add3A_9 = arith.constant 0 : i32
    %add3A_10 = arith.addi %mul3A_8, %add3A_9 : i32
    "tpu.region"() ({
      %run_scoped3A = tpu.sem_alloc : memref<!tpu.dma_semaphore, #tpu.memory_space<semaphore_mem>>
      %dma_start3A = arith.constant 0 : i32
      %dma_start3A_38 = tpu.memref_slice %arg11[%add3A_10, %dma_start3A] : memref<10112x128xf32, #tpu.memory_space<vmem_shared>> -> memref<128x128xf32, #tpu.memory_space<vmem_shared>>
      %dma_start3A_39 = arith.constant 0 : i32
      %dma_start3A_40 = tpu.memref_slice %arg11[%add3A_10, %dma_start3A_39] : memref<10112x128xf32, #tpu.memory_space<vmem_shared>> -> memref<128x128xf32, #tpu.memory_space<vmem_shared>>
      tpu.enqueue_dma source(%arg9 : memref<128x128xf32, #tpu.memory_space<vmem>>) target(%dma_start3A_40 : memref<128x128xf32, #tpu.memory_space<vmem_shared>>) target_semaphore(%run_scoped3A : memref<!tpu.dma_semaphore, #tpu.memory_space<semaphore_mem>>)
      %dma_wait3A = arith.constant 0 : i32
      %dma_wait3A_41 = tpu.memref_slice %arg11[%add3A_10, %dma_wait3A] : memref<10112x128xf32, #tpu.memory_space<vmem_shared>> -> memref<128x128xf32, #tpu.memory_space<vmem_shared>>
      %dma_wait3A_42 = arith.constant 0 : i32
      %dma_wait3A_43 = tpu.memref_slice %arg11[%add3A_10, %dma_wait3A_42] : memref<10112x128xf32, #tpu.memory_space<vmem_shared>> -> memref<128x128xf32, #tpu.memory_space<vmem_shared>>
      tpu.wait_dma2 semaphore(%run_scoped3A : memref<!tpu.dma_semaphore, #tpu.memory_space<semaphore_mem>>) src(%arg9 : memref<128x128xf32, #tpu.memory_space<vmem>>) dst(%dma_wait3A_43 : memref<128x128xf32, #tpu.memory_space<vmem_shared>>)
      tpu.yield
    }) : () -> ()
    %add3A_11 = arith.constant 0 : i32
    %add3A_12 = arith.addi %mul3A_8, %add3A_11 : i32
    "tpu.region"() ({
      %run_scoped3A = tpu.sem_alloc : memref<!tpu.dma_semaphore, #tpu.memory_space<semaphore_mem>>
      %dma_start3A = arith.constant 0 : i32
      %dma_start3A_38 = tpu.memref_slice %arg12[%add3A_12, %dma_start3A] : memref<10112x16xf32, #tpu.memory_space<vmem_shared>> -> memref<128x16xf32, #tpu.memory_space<vmem_shared>>
      %dma_start3A_39 = arith.constant 0 : i32
      %dma_start3A_40 = tpu.memref_slice %arg12[%add3A_12, %dma_start3A_39] : memref<10112x16xf32, #tpu.memory_space<vmem_shared>> -> memref<128x16xf32, #tpu.memory_space<vmem_shared>>
      tpu.enqueue_dma source(%arg10 : memref<128x16xf32, #tpu.memory_space<vmem>>) target(%dma_start3A_40 : memref<128x16xf32, #tpu.memory_space<vmem_shared>>) target_semaphore(%run_scoped3A : memref<!tpu.dma_semaphore, #tpu.memory_space<semaphore_mem>>)
      %dma_wait3A = arith.constant 0 : i32
      %dma_wait3A_41 = tpu.memref_slice %arg12[%add3A_12, %dma_wait3A] : memref<10112x16xf32, #tpu.memory_space<vmem_shared>> -> memref<128x16xf32, #tpu.memory_space<vmem_shared>>
      %dma_wait3A_42 = arith.constant 0 : i32
      %dma_wait3A_43 = tpu.memref_slice %arg12[%add3A_12, %dma_wait3A_42] : memref<10112x16xf32, #tpu.memory_space<vmem_shared>> -> memref<128x16xf32, #tpu.memory_space<vmem_shared>>
      tpu.wait_dma2 semaphore(%run_scoped3A : memref<!tpu.dma_semaphore, #tpu.memory_space<semaphore_mem>>) src(%arg10 : memref<128x16xf32, #tpu.memory_space<vmem>>) dst(%dma_wait3A_43 : memref<128x16xf32, #tpu.memory_space<vmem_shared>>)
      tpu.yield
    }) : () -> ()
    %add3A_13 = arith.constant 128 : i32
    %add3A_14 = arith.addi %mul3A_8, %add3A_13 : i32
    "tpu.region"() ({
      %run_scoped3A = tpu.sem_alloc : memref<!tpu.dma_semaphore, #tpu.memory_space<semaphore_mem>>
      %dma_start3A = arith.constant 0 : i32
      %dma_start3A_38 = tpu.memref_slice %arg11[%add3A_14, %dma_start3A] : memref<10112x128xf32, #tpu.memory_space<vmem_shared>> -> memref<128x128xf32, #tpu.memory_space<vmem_shared>>
      %dma_start3A_39 = arith.constant 0 : i32
      %dma_start3A_40 = tpu.memref_slice %arg11[%add3A_14, %dma_start3A_39] : memref<10112x128xf32, #tpu.memory_space<vmem_shared>> -> memref<128x128xf32, #tpu.memory_space<vmem_shared>>
      tpu.enqueue_dma source(%arg9 : memref<128x128xf32, #tpu.memory_space<vmem>>) target(%dma_start3A_40 : memref<128x128xf32, #tpu.memory_space<vmem_shared>>) target_semaphore(%run_scoped3A : memref<!tpu.dma_semaphore, #tpu.memory_space<semaphore_mem>>)
      %dma_wait3A = arith.constant 0 : i32
      %dma_wait3A_41 = tpu.memref_slice %arg11[%add3A_14, %dma_wait3A] : memref<10112x128xf32, #tpu.memory_space<vmem_shared>> -> memref<128x128xf32, #tpu.memory_space<vmem_shared>>
      %dma_wait3A_42 = arith.constant 0 : i32
      %dma_wait3A_43 = tpu.memref_slice %arg11[%add3A_14, %dma_wait3A_42] : memref<10112x128xf32, #tpu.memory_space<vmem_shared>> -> memref<128x128xf32, #tpu.memory_space<vmem_shared>>
      tpu.wait_dma2 semaphore(%run_scoped3A : memref<!tpu.dma_semaphore, #tpu.memory_space<semaphore_mem>>) src(%arg9 : memref<128x128xf32, #tpu.memory_space<vmem>>) dst(%dma_wait3A_43 : memref<128x128xf32, #tpu.memory_space<vmem_shared>>)
      tpu.yield
    }) : () -> ()
    %add3A_15 = arith.constant 128 : i32
    %add3A_16 = arith.addi %mul3A_8, %add3A_15 : i32
    "tpu.region"() ({
      %run_scoped3A = tpu.sem_alloc : memref<!tpu.dma_semaphore, #tpu.memory_space<semaphore_mem>>
      %dma_start3A = arith.constant 0 : i32
      %dma_start3A_38 = tpu.memref_slice %arg12[%add3A_16, %dma_start3A] : memref<10112x16xf32, #tpu.memory_space<vmem_shared>> -> memref<128x16xf32, #tpu.memory_space<vmem_shared>>
      %dma_start3A_39 = arith.constant 0 : i32
      %dma_start3A_40 = tpu.memref_slice %arg12[%add3A_16, %dma_start3A_39] : memref<10112x16xf32, #tpu.memory_space<vmem_shared>> -> memref<128x16xf32, #tpu.memory_space<vmem_shared>>
      tpu.enqueue_dma source(%arg10 : memref<128x16xf32, #tpu.memory_space<vmem>>) target(%dma_start3A_40 : memref<128x16xf32, #tpu.memory_space<vmem_shared>>) target_semaphore(%run_scoped3A : memref<!tpu.dma_semaphore, #tpu.memory_space<semaphore_mem>>)
      %dma_wait3A = arith.constant 0 : i32
      %dma_wait3A_41 = tpu.memref_slice %arg12[%add3A_16, %dma_wait3A] : memref<10112x16xf32, #tpu.memory_space<vmem_shared>> -> memref<128x16xf32, #tpu.memory_space<vmem_shared>>
      %dma_wait3A_42 = arith.constant 0 : i32
      %dma_wait3A_43 = tpu.memref_slice %arg12[%add3A_16, %dma_wait3A_42] : memref<10112x16xf32, #tpu.memory_space<vmem_shared>> -> memref<128x16xf32, #tpu.memory_space<vmem_shared>>
      tpu.wait_dma2 semaphore(%run_scoped3A : memref<!tpu.dma_semaphore, #tpu.memory_space<semaphore_mem>>) src(%arg10 : memref<128x16xf32, #tpu.memory_space<vmem>>) dst(%dma_wait3A_43 : memref<128x16xf32, #tpu.memory_space<vmem_shared>>)
      tpu.yield
    }) : () -> ()
    %add3A_17 = arith.constant 256 : i32
    %add3A_18 = arith.addi %mul3A_8, %add3A_17 : i32
    "tpu.region"() ({
      %run_scoped3A = tpu.sem_alloc : memref<!tpu.dma_semaphore, #tpu.memory_space<semaphore_mem>>
      %dma_start3A = arith.constant 0 : i32
      %dma_start3A_38 = tpu.memref_slice %arg11[%add3A_18, %dma_start3A] : memref<10112x128xf32, #tpu.memory_space<vmem_shared>> -> memref<128x128xf32, #tpu.memory_space<vmem_shared>>
      %dma_start3A_39 = arith.constant 0 : i32
      %dma_start3A_40 = tpu.memref_slice %arg11[%add3A_18, %dma_start3A_39] : memref<10112x128xf32, #tpu.memory_space<vmem_shared>> -> memref<128x128xf32, #tpu.memory_space<vmem_shared>>
      tpu.enqueue_dma source(%arg9 : memref<128x128xf32, #tpu.memory_space<vmem>>) target(%dma_start3A_40 : memref<128x128xf32, #tpu.memory_space<vmem_shared>>) target_semaphore(%run_scoped3A : memref<!tpu.dma_semaphore, #tpu.memory_space<semaphore_mem>>)
      %dma_wait3A = arith.constant 0 : i32
      %dma_wait3A_41 = tpu.memref_slice %arg11[%add3A_18, %dma_wait3A] : memref<10112x128xf32, #tpu.memory_space<vmem_shared>> -> memref<128x128xf32, #tpu.memory_space<vmem_shared>>
      %dma_wait3A_42 = arith.constant 0 : i32
      %dma_wait3A_43 = tpu.memref_slice %arg11[%add3A_18, %dma_wait3A_42] : memref<10112x128xf32, #tpu.memory_space<vmem_shared>> -> memref<128x128xf32, #tpu.memory_space<vmem_shared>>
      tpu.wait_dma2 semaphore(%run_scoped3A : memref<!tpu.dma_semaphore, #tpu.memory_space<semaphore_mem>>) src(%arg9 : memref<128x128xf32, #tpu.memory_space<vmem>>) dst(%dma_wait3A_43 : memref<128x128xf32, #tpu.memory_space<vmem_shared>>)
      tpu.yield
    }) : () -> ()
    %add3A_19 = arith.constant 256 : i32
    %add3A_20 = arith.addi %mul3A_8, %add3A_19 : i32
    "tpu.region"() ({
      %run_scoped3A = tpu.sem_alloc : memref<!tpu.dma_semaphore, #tpu.memory_space<semaphore_mem>>
      %dma_start3A = arith.constant 0 : i32
      %dma_start3A_38 = tpu.memref_slice %arg12[%add3A_20, %dma_start3A] : memref<10112x16xf32, #tpu.memory_space<vmem_shared>> -> memref<128x16xf32, #tpu.memory_space<vmem_shared>>
      %dma_start3A_39 = arith.constant 0 : i32
      %dma_start3A_40 = tpu.memref_slice %arg12[%add3A_20, %dma_start3A_39] : memref<10112x16xf32, #tpu.memory_space<vmem_shared>> -> memref<128x16xf32, #tpu.memory_space<vmem_shared>>
      tpu.enqueue_dma source(%arg10 : memref<128x16xf32, #tpu.memory_space<vmem>>) target(%dma_start3A_40 : memref<128x16xf32, #tpu.memory_space<vmem_shared>>) target_semaphore(%run_scoped3A : memref<!tpu.dma_semaphore, #tpu.memory_space<semaphore_mem>>)
      %dma_wait3A = arith.constant 0 : i32
      %dma_wait3A_41 = tpu.memref_slice %arg12[%add3A_20, %dma_wait3A] : memref<10112x16xf32, #tpu.memory_space<vmem_shared>> -> memref<128x16xf32, #tpu.memory_space<vmem_shared>>
      %dma_wait3A_42 = arith.constant 0 : i32
      %dma_wait3A_43 = tpu.memref_slice %arg12[%add3A_20, %dma_wait3A_42] : memref<10112x16xf32, #tpu.memory_space<vmem_shared>> -> memref<128x16xf32, #tpu.memory_space<vmem_shared>>
      tpu.wait_dma2 semaphore(%run_scoped3A : memref<!tpu.dma_semaphore, #tpu.memory_space<semaphore_mem>>) src(%arg10 : memref<128x16xf32, #tpu.memory_space<vmem>>) dst(%dma_wait3A_43 : memref<128x16xf32, #tpu.memory_space<vmem_shared>>)
      tpu.yield
    }) : () -> ()
    %add3A_21 = arith.constant 384 : i32
    %add3A_22 = arith.addi %mul3A_8, %add3A_21 : i32
    "tpu.region"() ({
      %run_scoped3A = tpu.sem_alloc : memref<!tpu.dma_semaphore, #tpu.memory_space<semaphore_mem>>
      %dma_start3A = arith.constant 0 : i32
      %dma_start3A_38 = tpu.memref_slice %arg11[%add3A_22, %dma_start3A] : memref<10112x128xf32, #tpu.memory_space<vmem_shared>> -> memref<128x128xf32, #tpu.memory_space<vmem_shared>>
      %dma_start3A_39 = arith.constant 0 : i32
      %dma_start3A_40 = tpu.memref_slice %arg11[%add3A_22, %dma_start3A_39] : memref<10112x128xf32, #tpu.memory_space<vmem_shared>> -> memref<128x128xf32, #tpu.memory_space<vmem_shared>>
      tpu.enqueue_dma source(%arg9 : memref<128x128xf32, #tpu.memory_space<vmem>>) target(%dma_start3A_40 : memref<128x128xf32, #tpu.memory_space<vmem_shared>>) target_semaphore(%run_scoped3A : memref<!tpu.dma_semaphore, #tpu.memory_space<semaphore_mem>>)
      %dma_wait3A = arith.constant 0 : i32
      %dma_wait3A_41 = tpu.memref_slice %arg11[%add3A_22, %dma_wait3A] : memref<10112x128xf32, #tpu.memory_space<vmem_shared>> -> memref<128x128xf32, #tpu.memory_space<vmem_shared>>
      %dma_wait3A_42 = arith.constant 0 : i32
      %dma_wait3A_43 = tpu.memref_slice %arg11[%add3A_22, %dma_wait3A_42] : memref<10112x128xf32, #tpu.memory_space<vmem_shared>> -> memref<128x128xf32, #tpu.memory_space<vmem_shared>>
      tpu.wait_dma2 semaphore(%run_scoped3A : memref<!tpu.dma_semaphore, #tpu.memory_space<semaphore_mem>>) src(%arg9 : memref<128x128xf32, #tpu.memory_space<vmem>>) dst(%dma_wait3A_43 : memref<128x128xf32, #tpu.memory_space<vmem_shared>>)
      tpu.yield
    }) : () -> ()
    %add3A_23 = arith.constant 384 : i32
    %add3A_24 = arith.addi %mul3A_8, %add3A_23 : i32
    "tpu.region"() ({
      %run_scoped3A = tpu.sem_alloc : memref<!tpu.dma_semaphore, #tpu.memory_space<semaphore_mem>>
      %dma_start3A = arith.constant 0 : i32
      %dma_start3A_38 = tpu.memref_slice %arg12[%add3A_24, %dma_start3A] : memref<10112x16xf32, #tpu.memory_space<vmem_shared>> -> memref<128x16xf32, #tpu.memory_space<vmem_shared>>
      %dma_start3A_39 = arith.constant 0 : i32
      %dma_start3A_40 = tpu.memref_slice %arg12[%add3A_24, %dma_start3A_39] : memref<10112x16xf32, #tpu.memory_space<vmem_shared>> -> memref<128x16xf32, #tpu.memory_space<vmem_shared>>
      tpu.enqueue_dma source(%arg10 : memref<128x16xf32, #tpu.memory_space<vmem>>) target(%dma_start3A_40 : memref<128x16xf32, #tpu.memory_space<vmem_shared>>) target_semaphore(%run_scoped3A : memref<!tpu.dma_semaphore, #tpu.memory_space<semaphore_mem>>)
      %dma_wait3A = arith.constant 0 : i32
      %dma_wait3A_41 = tpu.memref_slice %arg12[%add3A_24, %dma_wait3A] : memref<10112x16xf32, #tpu.memory_space<vmem_shared>> -> memref<128x16xf32, #tpu.memory_space<vmem_shared>>
      %dma_wait3A_42 = arith.constant 0 : i32
      %dma_wait3A_43 = tpu.memref_slice %arg12[%add3A_24, %dma_wait3A_42] : memref<10112x16xf32, #tpu.memory_space<vmem_shared>> -> memref<128x16xf32, #tpu.memory_space<vmem_shared>>
      tpu.wait_dma2 semaphore(%run_scoped3A : memref<!tpu.dma_semaphore, #tpu.memory_space<semaphore_mem>>) src(%arg10 : memref<128x16xf32, #tpu.memory_space<vmem>>) dst(%dma_wait3A_43 : memref<128x16xf32, #tpu.memory_space<vmem_shared>>)
      tpu.yield
    }) : () -> ()
    %add3A_25 = arith.constant 512 : i32
    %add3A_26 = arith.addi %mul3A_8, %add3A_25 : i32
    "tpu.region"() ({
      %run_scoped3A = tpu.sem_alloc : memref<!tpu.dma_semaphore, #tpu.memory_space<semaphore_mem>>
      %dma_start3A = arith.constant 0 : i32
      %dma_start3A_38 = arith.constant 0 : i32
      %dma_start3A_39 = tpu.memref_slice %arg9[%dma_start3A, %dma_start3A_38] : memref<128x128xf32, #tpu.memory_space<vmem>> -> memref<120x128xf32, #tpu.memory_space<vmem>>
      %dma_start3A_40 = arith.constant 0 : i32
      %dma_start3A_41 = tpu.memref_slice %arg11[%add3A_26, %dma_start3A_40] : memref<10112x128xf32, #tpu.memory_space<vmem_shared>> -> memref<120x128xf32, #tpu.memory_space<vmem_shared>>
      %dma_start3A_42 = arith.constant 0 : i32
      %dma_start3A_43 = tpu.memref_slice %arg11[%add3A_26, %dma_start3A_42] : memref<10112x128xf32, #tpu.memory_space<vmem_shared>> -> memref<120x128xf32, #tpu.memory_space<vmem_shared>>
      %dma_start3A_44 = arith.constant 0 : i32
      %dma_start3A_45 = arith.constant 0 : i32
      %dma_start3A_46 = tpu.memref_slice %arg9[%dma_start3A_44, %dma_start3A_45] : memref<128x128xf32, #tpu.memory_space<vmem>> -> memref<120x128xf32, #tpu.memory_space<vmem>>
      tpu.enqueue_dma source(%dma_start3A_46 : memref<120x128xf32, #tpu.memory_space<vmem>>) target(%dma_start3A_43 : memref<120x128xf32, #tpu.memory_space<vmem_shared>>) target_semaphore(%run_scoped3A : memref<!tpu.dma_semaphore, #tpu.memory_space<semaphore_mem>>)
      %dma_wait3A = arith.constant 0 : i32
      %dma_wait3A_47 = arith.constant 0 : i32
      %dma_wait3A_48 = tpu.memref_slice %arg9[%dma_wait3A, %dma_wait3A_47] : memref<128x128xf32, #tpu.memory_space<vmem>> -> memref<120x128xf32, #tpu.memory_space<vmem>>
      %dma_wait3A_49 = arith.constant 0 : i32
      %dma_wait3A_50 = tpu.memref_slice %arg11[%add3A_26, %dma_wait3A_49] : memref<10112x128xf32, #tpu.memory_space<vmem_shared>> -> memref<120x128xf32, #tpu.memory_space<vmem_shared>>
      %dma_wait3A_51 = arith.constant 0 : i32
      %dma_wait3A_52 = tpu.memref_slice %arg11[%add3A_26, %dma_wait3A_51] : memref<10112x128xf32, #tpu.memory_space<vmem_shared>> -> memref<120x128xf32, #tpu.memory_space<vmem_shared>>
      %dma_wait3A_53 = arith.constant 0 : i32
      %dma_wait3A_54 = arith.constant 0 : i32
      %dma_wait3A_55 = tpu.memref_slice %arg9[%dma_wait3A_53, %dma_wait3A_54] : memref<128x128xf32, #tpu.memory_space<vmem>> -> memref<120x128xf32, #tpu.memory_space<vmem>>
      tpu.wait_dma2 semaphore(%run_scoped3A : memref<!tpu.dma_semaphore, #tpu.memory_space<semaphore_mem>>) src(%dma_wait3A_55 : memref<120x128xf32, #tpu.memory_space<vmem>>) dst(%dma_wait3A_52 : memref<120x128xf32, #tpu.memory_space<vmem_shared>>)
      tpu.yield
    }) : () -> ()
    %add3A_27 = arith.constant 512 : i32
    %add3A_28 = arith.addi %mul3A_8, %add3A_27 : i32
    "tpu.region"() ({
      %run_scoped3A = tpu.sem_alloc : memref<!tpu.dma_semaphore, #tpu.memory_space<semaphore_mem>>
      %dma_start3A = arith.constant 0 : i32
      %dma_start3A_38 = arith.constant 0 : i32
      %dma_start3A_39 = tpu.memref_slice %arg10[%dma_start3A, %dma_start3A_38] : memref<128x16xf32, #tpu.memory_space<vmem>> -> memref<120x16xf32, #tpu.memory_space<vmem>>
      %dma_start3A_40 = arith.constant 0 : i32
      %dma_start3A_41 = tpu.memref_slice %arg12[%add3A_28, %dma_start3A_40] : memref<10112x16xf32, #tpu.memory_space<vmem_shared>> -> memref<120x16xf32, #tpu.memory_space<vmem_shared>>
      %dma_start3A_42 = arith.constant 0 : i32
      %dma_start3A_43 = tpu.memref_slice %arg12[%add3A_28, %dma_start3A_42] : memref<10112x16xf32, #tpu.memory_space<vmem_shared>> -> memref<120x16xf32, #tpu.memory_space<vmem_shared>>
      %dma_start3A_44 = arith.constant 0 : i32
      %dma_start3A_45 = arith.constant 0 : i32
      %dma_start3A_46 = tpu.memref_slice %arg10[%dma_start3A_44, %dma_start3A_45] : memref<128x16xf32, #tpu.memory_space<vmem>> -> memref<120x16xf32, #tpu.memory_space<vmem>>
      tpu.enqueue_dma source(%dma_start3A_46 : memref<120x16xf32, #tpu.memory_space<vmem>>) target(%dma_start3A_43 : memref<120x16xf32, #tpu.memory_space<vmem_shared>>) target_semaphore(%run_scoped3A : memref<!tpu.dma_semaphore, #tpu.memory_space<semaphore_mem>>)
      %dma_wait3A = arith.constant 0 : i32
      %dma_wait3A_47 = arith.constant 0 : i32
      %dma_wait3A_48 = tpu.memref_slice %arg10[%dma_wait3A, %dma_wait3A_47] : memref<128x16xf32, #tpu.memory_space<vmem>> -> memref<120x16xf32, #tpu.memory_space<vmem>>
      %dma_wait3A_49 = arith.constant 0 : i32
      %dma_wait3A_50 = tpu.memref_slice %arg12[%add3A_28, %dma_wait3A_49] : memref<10112x16xf32, #tpu.memory_space<vmem_shared>> -> memref<120x16xf32, #tpu.memory_space<vmem_shared>>
      %dma_wait3A_51 = arith.constant 0 : i32
      %dma_wait3A_52 = tpu.memref_slice %arg12[%add3A_28, %dma_wait3A_51] : memref<10112x16xf32, #tpu.memory_space<vmem_shared>> -> memref<120x16xf32, #tpu.memory_space<vmem_shared>>
      %dma_wait3A_53 = arith.constant 0 : i32
      %dma_wait3A_54 = arith.constant 0 : i32
      %dma_wait3A_55 = tpu.memref_slice %arg10[%dma_wait3A_53, %dma_wait3A_54] : memref<128x16xf32, #tpu.memory_space<vmem>> -> memref<120x16xf32, #tpu.memory_space<vmem>>
      tpu.wait_dma2 semaphore(%run_scoped3A : memref<!tpu.dma_semaphore, #tpu.memory_space<semaphore_mem>>) src(%dma_wait3A_55 : memref<120x16xf32, #tpu.memory_space<vmem>>) dst(%dma_wait3A_52 : memref<120x16xf32, #tpu.memory_space<vmem_shared>>)
      tpu.yield
    }) : () -> ()
    %barrier3A = arith.constant 0 : index
    tpu.barrier barrier_id(%barrier3A)
    %iota3A = tpu.iota {dimensions = array<i32: 0>} : vector<16xi32>
    %broadcast_in_dim3A_29 = arith.constant 0 : i32
    %broadcast_in_dim3A_30 = vector.broadcast %broadcast_in_dim3A_29 : i32 to vector<16xi32>
    %scan3A_31 = arith.constant 0 : i32
    %scan3A_32 = arith.constant 0 : i32
    %scan3A_33 = arith.constant 79 : i32
    %scan3A_34 = arith.addi %scan3A_32, %scan3A_33 : i32
    %scan3A_35 = arith.constant 1 : i32
    scf.for %scan3A_38 = %scan3A_32 to %scan3A_34 step %scan3A_35  : i32 {
      "tpu.region"() ({
        %run_scoped3A_333 = tpu.sem_alloc : memref<!tpu.dma_semaphore, #tpu.memory_space<semaphore_mem>>
        %dma_start3A_334 = arith.constant 0 : i32
        %dma_start3A_335 = arith.constant 0 : i32
        %dma_start3A_336 = tpu.memref_slice %arg4[%add3A, %scan3A_38, %dma_start3A_334, %dma_start3A_335] : memref<32x79x2x128xi32, #tpu.memory_space<hbm>> -> memref<1x1x2x128xi32, #tpu.memory_space<hbm>>
        %dma_start3A_337 = tpu.memref_squeeze %dma_start3A_336 : memref<1x1x2x128xi32, #tpu.memory_space<hbm>> -> memref<2x128xi32, #tpu.memory_space<hbm>>
        %dma_start3A_338 = arith.constant 0 : i32
        %dma_start3A_339 = arith.constant 0 : i32
        %dma_start3A_340 = tpu.memref_slice %arg4[%add3A, %scan3A_38, %dma_start3A_338, %dma_start3A_339] : memref<32x79x2x128xi32, #tpu.memory_space<hbm>> -> memref<1x1x2x128xi32, #tpu.memory_space<hbm>>
        %dma_start3A_341 = tpu.memref_squeeze %dma_start3A_340 : memref<1x1x2x128xi32, #tpu.memory_space<hbm>> -> memref<2x128xi32, #tpu.memory_space<hbm>>
        tpu.enqueue_dma source(%dma_start3A_341 : memref<2x128xi32, #tpu.memory_space<hbm>>) target(%arg7 : memref<2x128xi32, #tpu.memory_space<vmem>>) target_semaphore(%run_scoped3A_333 : memref<!tpu.dma_semaphore, #tpu.memory_space<semaphore_mem>>)
        %dma_wait3A_342 = arith.constant 0 : i32
        %dma_wait3A_343 = arith.constant 0 : i32
        %dma_wait3A_344 = tpu.memref_slice %arg4[%add3A, %scan3A_38, %dma_wait3A_342, %dma_wait3A_343] : memref<32x79x2x128xi32, #tpu.memory_space<hbm>> -> memref<1x1x2x128xi32, #tpu.memory_space<hbm>>
        %dma_wait3A_345 = tpu.memref_squeeze %dma_wait3A_344 : memref<1x1x2x128xi32, #tpu.memory_space<hbm>> -> memref<2x128xi32, #tpu.memory_space<hbm>>
        %dma_wait3A_346 = arith.constant 0 : i32
        %dma_wait3A_347 = arith.constant 0 : i32
        %dma_wait3A_348 = tpu.memref_slice %arg4[%add3A, %scan3A_38, %dma_wait3A_346, %dma_wait3A_347] : memref<32x79x2x128xi32, #tpu.memory_space<hbm>> -> memref<1x1x2x128xi32, #tpu.memory_space<hbm>>
        %dma_wait3A_349 = tpu.memref_squeeze %dma_wait3A_348 : memref<1x1x2x128xi32, #tpu.memory_space<hbm>> -> memref<2x128xi32, #tpu.memory_space<hbm>>
        tpu.wait_dma2 semaphore(%run_scoped3A_333 : memref<!tpu.dma_semaphore, #tpu.memory_space<semaphore_mem>>) src(%dma_wait3A_349 : memref<2x128xi32, #tpu.memory_space<hbm>>) dst(%arg7 : memref<2x128xi32, #tpu.memory_space<vmem>>)
        tpu.yield
      }) : () -> ()
      %dma_start3A = arith.constant 0 : i32
      %dma_start3A_39 = arith.constant 0 : i32
      %dma_start3A_40 = tpu.memref_slice %arg7[%dma_start3A, %dma_start3A_39] : memref<2x128xi32, #tpu.memory_space<vmem>> -> memref<1x128xi32, #tpu.memory_space<vmem>>
      %dma_start3A_41 = tpu.memref_squeeze %dma_start3A_40 : memref<1x128xi32, #tpu.memory_space<vmem>> -> memref<128xi32, #tpu.memory_space<vmem>>
      %dma_start3A_42 = arith.constant 0 : i32
      %dma_start3A_43 = arith.constant 0 : i32
      %dma_start3A_44 = tpu.memref_slice %arg2[%dma_start3A_42, %dma_start3A_43] : memref<10000x128xf32, #tpu.memory_space<hbm>> -> memref<10000x128xf32, #tpu.memory_space<hbm>>
      tpu.enqueue_indirect_dma source(%dma_start3A_44 : memref<10000x128xf32, #tpu.memory_space<hbm>>) target(%arg9 : memref<128x128xf32, #tpu.memory_space<vmem>>) offsets(%dma_start3A_41 : memref<128xi32, #tpu.memory_space<vmem>>) semaphore(%arg13 : memref<!tpu.dma_semaphore, #tpu.memory_space<semaphore_mem>>)
      %get3A = arith.constant 0 : i32
      %get3A_45 = arith.constant 0 : i32
      %get3A_46 = tpu.memref_slice %arg7[%get3A, %get3A_45] : memref<2x128xi32, #tpu.memory_space<vmem>> -> memref<1x128xi32, #tpu.memory_space<vmem>>
      %get3A_47 = tpu.memref_squeeze %get3A_46 : memref<1x128xi32, #tpu.memory_space<vmem>> -> memref<128xi32, #tpu.memory_space<vmem>>
      %get3A_48 = arith.constant 0 : index
      %get3A_49 = tpu.vector_load %get3A_47[%get3A_48] {strides = array<i32>} : memref<128xi32, #tpu.memory_space<vmem>>, vector<16xi32>,
      %get3A_50 = arith.constant 1 : i32
      %get3A_51 = arith.constant 0 : i32
      %get3A_52 = tpu.memref_slice %arg7[%get3A_50, %get3A_51] : memref<2x128xi32, #tpu.memory_space<vmem>> -> memref<1x128xi32, #tpu.memory_space<vmem>>
      %get3A_53 = tpu.memref_squeeze %get3A_52 : memref<1x128xi32, #tpu.memory_space<vmem>> -> memref<128xi32, #tpu.memory_space<vmem>>
      %get3A_54 = arith.constant 0 : index
      %get3A_55 = tpu.vector_load %get3A_53[%get3A_54] {strides = array<i32>} : memref<128xi32, #tpu.memory_space<vmem>>, vector<16xi32>,
      %mul3A_56 = arith.constant 2 : i32
      %mul3A_57 = vector.broadcast %mul3A_56 : i32 to vector<16xi32>
      %mul3A_58 = arith.muli %get3A_49, %mul3A_57 : vector<16xi32>
      %gather3A = tpu.vector_load_idx %arg8[%mul3A_58] : memref<20224xf32, #tpu.memory_space<vmem>>[vector<16xi32>], vector<16xf32>,
      %mul3A_59 = arith.constant 2 : i32
      %mul3A_60 = vector.broadcast %mul3A_59 : i32 to vector<16xi32>
      %mul3A_61 = arith.muli %get3A_55, %mul3A_60 : vector<16xi32>
      %add3A_62 = arith.constant 1 : i32
      %add3A_63 = vector.broadcast %add3A_62 : i32 to vector<16xi32>
      %add3A_64 = arith.addi %mul3A_61, %add3A_63 : vector<16xi32>
      %gather3A_65 = tpu.vector_load_idx %arg8[%add3A_64] : memref<20224xf32, #tpu.memory_space<vmem>>[vector<16xi32>], vector<16xf32>,
      %add3A_66 = arith.addf %gather3A, %gather3A_65 : vector<16xf32>
      %gt3A = arith.constant 0.000000e+00 : f32
      %gt3A_67 = vector.broadcast %gt3A : f32 to vector<16xf32>
      %gt3A_68 = arith.cmpf ogt, %add3A_66, %gt3A_67 : vector<16xf32>
      %mul3A_69 = arith.constant 2.000000e-01 : f32
      %mul3A_70 = vector.broadcast %mul3A_69 : f32 to vector<16xf32>
      %mul3A_71 = arith.mulf %mul3A_70, %add3A_66 : vector<16xf32>
      %select_n3A = arith.select %gt3A_68, %add3A_66, %mul3A_71 : vector<16xi1>, vector<16xf32>
      %add3A_72 = arith.constant 0 : i32
      %add3A_73 = vector.broadcast %add3A_72 : i32 to vector<16xi32>
      %add3A_74 = arith.addi %iota3A, %add3A_73 : vector<16xi32>
      %exp3A = math.exp %select_n3A : vector<16xf32>
      tpu.vector_store_idx %arg10[%add3A_74, %broadcast_in_dim3A_30], %exp3A : memref<128x16xf32, #tpu.memory_space<vmem>>[vector<16xi32>, vector<16xi32>], vector<16xf32>,
      %get3A_75 = arith.constant 0 : i32
      %get3A_76 = arith.constant 0 : i32
      %get3A_77 = tpu.memref_slice %arg7[%get3A_75, %get3A_76] : memref<2x128xi32, #tpu.memory_space<vmem>> -> memref<1x128xi32, #tpu.memory_space<vmem>>
      %get3A_78 = tpu.memref_squeeze %get3A_77 : memref<1x128xi32, #tpu.memory_space<vmem>> -> memref<128xi32, #tpu.memory_space<vmem>>
      %get3A_79 = arith.constant 16 : index
      %get3A_80 = tpu.vector_load %get3A_78[%get3A_79] {strides = array<i32>} : memref<128xi32, #tpu.memory_space<vmem>>, vector<16xi32>,
      %get3A_81 = arith.constant 1 : i32
      %get3A_82 = arith.constant 0 : i32
      %get3A_83 = tpu.memref_slice %arg7[%get3A_81, %get3A_82] : memref<2x128xi32, #tpu.memory_space<vmem>> -> memref<1x128xi32, #tpu.memory_space<vmem>>
      %get3A_84 = tpu.memref_squeeze %get3A_83 : memref<1x128xi32, #tpu.memory_space<vmem>> -> memref<128xi32, #tpu.memory_space<vmem>>
      %get3A_85 = arith.constant 16 : index
      %get3A_86 = tpu.vector_load %get3A_84[%get3A_85] {strides = array<i32>} : memref<128xi32, #tpu.memory_space<vmem>>, vector<16xi32>,
      %mul3A_87 = arith.constant 2 : i32
      %mul3A_88 = vector.broadcast %mul3A_87 : i32 to vector<16xi32>
      %mul3A_89 = arith.muli %get3A_80, %mul3A_88 : vector<16xi32>
      %gather3A_90 = tpu.vector_load_idx %arg8[%mul3A_89] : memref<20224xf32, #tpu.memory_space<vmem>>[vector<16xi32>], vector<16xf32>,
      %mul3A_91 = arith.constant 2 : i32
      %mul3A_92 = vector.broadcast %mul3A_91 : i32 to vector<16xi32>
      %mul3A_93 = arith.muli %get3A_86, %mul3A_92 : vector<16xi32>
      %add3A_94 = arith.constant 1 : i32
      %add3A_95 = vector.broadcast %add3A_94 : i32 to vector<16xi32>
      %add3A_96 = arith.addi %mul3A_93, %add3A_95 : vector<16xi32>
      %gather3A_97 = tpu.vector_load_idx %arg8[%add3A_96] : memref<20224xf32, #tpu.memory_space<vmem>>[vector<16xi32>], vector<16xf32>,
      %add3A_98 = arith.addf %gather3A_90, %gather3A_97 : vector<16xf32>
      %gt3A_99 = arith.constant 0.000000e+00 : f32
      %gt3A_100 = vector.broadcast %gt3A_99 : f32 to vector<16xf32>
      %gt3A_101 = arith.cmpf ogt, %add3A_98, %gt3A_100 : vector<16xf32>
      %mul3A_102 = arith.constant 2.000000e-01 : f32
      %mul3A_103 = vector.broadcast %mul3A_102 : f32 to vector<16xf32>
      %mul3A_104 = arith.mulf %mul3A_103, %add3A_98 : vector<16xf32>
      %select_n3A_105 = arith.select %gt3A_101, %add3A_98, %mul3A_104 : vector<16xi1>, vector<16xf32>
      %add3A_106 = arith.constant 16 : i32
      %add3A_107 = vector.broadcast %add3A_106 : i32 to vector<16xi32>
      %add3A_108 = arith.addi %iota3A, %add3A_107 : vector<16xi32>
      %exp3A_109 = math.exp %select_n3A_105 : vector<16xf32>
      tpu.vector_store_idx %arg10[%add3A_108, %broadcast_in_dim3A_30], %exp3A_109 : memref<128x16xf32, #tpu.memory_space<vmem>>[vector<16xi32>, vector<16xi32>], vector<16xf32>,
      %get3A_110 = arith.constant 0 : i32
      %get3A_111 = arith.constant 0 : i32
      %get3A_112 = tpu.memref_slice %arg7[%get3A_110, %get3A_111] : memref<2x128xi32, #tpu.memory_space<vmem>> -> memref<1x128xi32, #tpu.memory_space<vmem>>
      %get3A_113 = tpu.memref_squeeze %get3A_112 : memref<1x128xi32, #tpu.memory_space<vmem>> -> memref<128xi32, #tpu.memory_space<vmem>>
      %get3A_114 = arith.constant 32 : index
      %get3A_115 = tpu.vector_load %get3A_113[%get3A_114] {strides = array<i32>} : memref<128xi32, #tpu.memory_space<vmem>>, vector<16xi32>,
      %get3A_116 = arith.constant 1 : i32
      %get3A_117 = arith.constant 0 : i32
      %get3A_118 = tpu.memref_slice %arg7[%get3A_116, %get3A_117] : memref<2x128xi32, #tpu.memory_space<vmem>> -> memref<1x128xi32, #tpu.memory_space<vmem>>
      %get3A_119 = tpu.memref_squeeze %get3A_118 : memref<1x128xi32, #tpu.memory_space<vmem>> -> memref<128xi32, #tpu.memory_space<vmem>>
      %get3A_120 = arith.constant 32 : index
      %get3A_121 = tpu.vector_load %get3A_119[%get3A_120] {strides = array<i32>} : memref<128xi32, #tpu.memory_space<vmem>>, vector<16xi32>,
      %mul3A_122 = arith.constant 2 : i32
      %mul3A_123 = vector.broadcast %mul3A_122 : i32 to vector<16xi32>
      %mul3A_124 = arith.muli %get3A_115, %mul3A_123 : vector<16xi32>
      %gather3A_125 = tpu.vector_load_idx %arg8[%mul3A_124] : memref<20224xf32, #tpu.memory_space<vmem>>[vector<16xi32>], vector<16xf32>,
      %mul3A_126 = arith.constant 2 : i32
      %mul3A_127 = vector.broadcast %mul3A_126 : i32 to vector<16xi32>
      %mul3A_128 = arith.muli %get3A_121, %mul3A_127 : vector<16xi32>
      %add3A_129 = arith.constant 1 : i32
      %add3A_130 = vector.broadcast %add3A_129 : i32 to vector<16xi32>
      %add3A_131 = arith.addi %mul3A_128, %add3A_130 : vector<16xi32>
      %gather3A_132 = tpu.vector_load_idx %arg8[%add3A_131] : memref<20224xf32, #tpu.memory_space<vmem>>[vector<16xi32>], vector<16xf32>,
      %add3A_133 = arith.addf %gather3A_125, %gather3A_132 : vector<16xf32>
      %gt3A_134 = arith.constant 0.000000e+00 : f32
      %gt3A_135 = vector.broadcast %gt3A_134 : f32 to vector<16xf32>
      %gt3A_136 = arith.cmpf ogt, %add3A_133, %gt3A_135 : vector<16xf32>
      %mul3A_137 = arith.constant 2.000000e-01 : f32
      %mul3A_138 = vector.broadcast %mul3A_137 : f32 to vector<16xf32>
      %mul3A_139 = arith.mulf %mul3A_138, %add3A_133 : vector<16xf32>
      %select_n3A_140 = arith.select %gt3A_136, %add3A_133, %mul3A_139 : vector<16xi1>, vector<16xf32>
      %add3A_141 = arith.constant 32 : i32
      %add3A_142 = vector.broadcast %add3A_141 : i32 to vector<16xi32>
      %add3A_143 = arith.addi %iota3A, %add3A_142 : vector<16xi32>
      %exp3A_144 = math.exp %select_n3A_140 : vector<16xf32>
      tpu.vector_store_idx %arg10[%add3A_143, %broadcast_in_dim3A_30], %exp3A_144 : memref<128x16xf32, #tpu.memory_space<vmem>>[vector<16xi32>, vector<16xi32>], vector<16xf32>,
      %get3A_145 = arith.constant 0 : i32
      %get3A_146 = arith.constant 0 : i32
      %get3A_147 = tpu.memref_slice %arg7[%get3A_145, %get3A_146] : memref<2x128xi32, #tpu.memory_space<vmem>> -> memref<1x128xi32, #tpu.memory_space<vmem>>
      %get3A_148 = tpu.memref_squeeze %get3A_147 : memref<1x128xi32, #tpu.memory_space<vmem>> -> memref<128xi32, #tpu.memory_space<vmem>>
      %get3A_149 = arith.constant 48 : index
      %get3A_150 = tpu.vector_load %get3A_148[%get3A_149] {strides = array<i32>} : memref<128xi32, #tpu.memory_space<vmem>>, vector<16xi32>,
      %get3A_151 = arith.constant 1 : i32
      %get3A_152 = arith.constant 0 : i32
      %get3A_153 = tpu.memref_slice %arg7[%get3A_151, %get3A_152] : memref<2x128xi32, #tpu.memory_space<vmem>> -> memref<1x128xi32, #tpu.memory_space<vmem>>
      %get3A_154 = tpu.memref_squeeze %get3A_153 : memref<1x128xi32, #tpu.memory_space<vmem>> -> memref<128xi32, #tpu.memory_space<vmem>>
      %get3A_155 = arith.constant 48 : index
      %get3A_156 = tpu.vector_load %get3A_154[%get3A_155] {strides = array<i32>} : memref<128xi32, #tpu.memory_space<vmem>>, vector<16xi32>,
      %mul3A_157 = arith.constant 2 : i32
      %mul3A_158 = vector.broadcast %mul3A_157 : i32 to vector<16xi32>
      %mul3A_159 = arith.muli %get3A_150, %mul3A_158 : vector<16xi32>
      %gather3A_160 = tpu.vector_load_idx %arg8[%mul3A_159] : memref<20224xf32, #tpu.memory_space<vmem>>[vector<16xi32>], vector<16xf32>,
      %mul3A_161 = arith.constant 2 : i32
      %mul3A_162 = vector.broadcast %mul3A_161 : i32 to vector<16xi32>
      %mul3A_163 = arith.muli %get3A_156, %mul3A_162 : vector<16xi32>
      %add3A_164 = arith.constant 1 : i32
      %add3A_165 = vector.broadcast %add3A_164 : i32 to vector<16xi32>
      %add3A_166 = arith.addi %mul3A_163, %add3A_165 : vector<16xi32>
      %gather3A_167 = tpu.vector_load_idx %arg8[%add3A_166] : memref<20224xf32, #tpu.memory_space<vmem>>[vector<16xi32>], vector<16xf32>,
      %add3A_168 = arith.addf %gather3A_160, %gather3A_167 : vector<16xf32>
      %gt3A_169 = arith.constant 0.000000e+00 : f32
      %gt3A_170 = vector.broadcast %gt3A_169 : f32 to vector<16xf32>
      %gt3A_171 = arith.cmpf ogt, %add3A_168, %gt3A_170 : vector<16xf32>
      %mul3A_172 = arith.constant 2.000000e-01 : f32
      %mul3A_173 = vector.broadcast %mul3A_172 : f32 to vector<16xf32>
      %mul3A_174 = arith.mulf %mul3A_173, %add3A_168 : vector<16xf32>
      %select_n3A_175 = arith.select %gt3A_171, %add3A_168, %mul3A_174 : vector<16xi1>, vector<16xf32>
      %add3A_176 = arith.constant 48 : i32
      %add3A_177 = vector.broadcast %add3A_176 : i32 to vector<16xi32>
      %add3A_178 = arith.addi %iota3A, %add3A_177 : vector<16xi32>
      %exp3A_179 = math.exp %select_n3A_175 : vector<16xf32>
      tpu.vector_store_idx %arg10[%add3A_178, %broadcast_in_dim3A_30], %exp3A_179 : memref<128x16xf32, #tpu.memory_space<vmem>>[vector<16xi32>, vector<16xi32>], vector<16xf32>,
      %get3A_180 = arith.constant 0 : i32
      %get3A_181 = arith.constant 0 : i32
      %get3A_182 = tpu.memref_slice %arg7[%get3A_180, %get3A_181] : memref<2x128xi32, #tpu.memory_space<vmem>> -> memref<1x128xi32, #tpu.memory_space<vmem>>
      %get3A_183 = tpu.memref_squeeze %get3A_182 : memref<1x128xi32, #tpu.memory_space<vmem>> -> memref<128xi32, #tpu.memory_space<vmem>>
      %get3A_184 = arith.constant 64 : index
      %get3A_185 = tpu.vector_load %get3A_183[%get3A_184] {strides = array<i32>} : memref<128xi32, #tpu.memory_space<vmem>>, vector<16xi32>,
      %get3A_186 = arith.constant 1 : i32
      %get3A_187 = arith.constant 0 : i32
      %get3A_188 = tpu.memref_slice %arg7[%get3A_186, %get3A_187] : memref<2x128xi32, #tpu.memory_space<vmem>> -> memref<1x128xi32, #tpu.memory_space<vmem>>
      %get3A_189 = tpu.memref_squeeze %get3A_188 : memref<1x128xi32, #tpu.memory_space<vmem>> -> memref<128xi32, #tpu.memory_space<vmem>>
      %get3A_190 = arith.constant 64 : index
      %get3A_191 = tpu.vector_load %get3A_189[%get3A_190] {strides = array<i32>} : memref<128xi32, #tpu.memory_space<vmem>>, vector<16xi32>,
      %mul3A_192 = arith.constant 2 : i32
      %mul3A_193 = vector.broadcast %mul3A_192 : i32 to vector<16xi32>
      %mul3A_194 = arith.muli %get3A_185, %mul3A_193 : vector<16xi32>
      %gather3A_195 = tpu.vector_load_idx %arg8[%mul3A_194] : memref<20224xf32, #tpu.memory_space<vmem>>[vector<16xi32>], vector<16xf32>,
      %mul3A_196 = arith.constant 2 : i32
      %mul3A_197 = vector.broadcast %mul3A_196 : i32 to vector<16xi32>
      %mul3A_198 = arith.muli %get3A_191, %mul3A_197 : vector<16xi32>
      %add3A_199 = arith.constant 1 : i32
      %add3A_200 = vector.broadcast %add3A_199 : i32 to vector<16xi32>
      %add3A_201 = arith.addi %mul3A_198, %add3A_200 : vector<16xi32>
      %gather3A_202 = tpu.vector_load_idx %arg8[%add3A_201] : memref<20224xf32, #tpu.memory_space<vmem>>[vector<16xi32>], vector<16xf32>,
      %add3A_203 = arith.addf %gather3A_195, %gather3A_202 : vector<16xf32>
      %gt3A_204 = arith.constant 0.000000e+00 : f32
      %gt3A_205 = vector.broadcast %gt3A_204 : f32 to vector<16xf32>
      %gt3A_206 = arith.cmpf ogt, %add3A_203, %gt3A_205 : vector<16xf32>
      %mul3A_207 = arith.constant 2.000000e-01 : f32
      %mul3A_208 = vector.broadcast %mul3A_207 : f32 to vector<16xf32>
      %mul3A_209 = arith.mulf %mul3A_208, %add3A_203 : vector<16xf32>
      %select_n3A_210 = arith.select %gt3A_206, %add3A_203, %mul3A_209 : vector<16xi1>, vector<16xf32>
      %add3A_211 = arith.constant 64 : i32
      %add3A_212 = vector.broadcast %add3A_211 : i32 to vector<16xi32>
      %add3A_213 = arith.addi %iota3A, %add3A_212 : vector<16xi32>
      %exp3A_214 = math.exp %select_n3A_210 : vector<16xf32>
      tpu.vector_store_idx %arg10[%add3A_213, %broadcast_in_dim3A_30], %exp3A_214 : memref<128x16xf32, #tpu.memory_space<vmem>>[vector<16xi32>, vector<16xi32>], vector<16xf32>,
      %get3A_215 = arith.constant 0 : i32
      %get3A_216 = arith.constant 0 : i32
      %get3A_217 = tpu.memref_slice %arg7[%get3A_215, %get3A_216] : memref<2x128xi32, #tpu.memory_space<vmem>> -> memref<1x128xi32, #tpu.memory_space<vmem>>
      %get3A_218 = tpu.memref_squeeze %get3A_217 : memref<1x128xi32, #tpu.memory_space<vmem>> -> memref<128xi32, #tpu.memory_space<vmem>>
      %get3A_219 = arith.constant 80 : index
      %get3A_220 = tpu.vector_load %get3A_218[%get3A_219] {strides = array<i32>} : memref<128xi32, #tpu.memory_space<vmem>>, vector<16xi32>,
      %get3A_221 = arith.constant 1 : i32
      %get3A_222 = arith.constant 0 : i32
      %get3A_223 = tpu.memref_slice %arg7[%get3A_221, %get3A_222] : memref<2x128xi32, #tpu.memory_space<vmem>> -> memref<1x128xi32, #tpu.memory_space<vmem>>
      %get3A_224 = tpu.memref_squeeze %get3A_223 : memref<1x128xi32, #tpu.memory_space<vmem>> -> memref<128xi32, #tpu.memory_space<vmem>>
      %get3A_225 = arith.constant 80 : index
      %get3A_226 = tpu.vector_load %get3A_224[%get3A_225] {strides = array<i32>} : memref<128xi32, #tpu.memory_space<vmem>>, vector<16xi32>,
      %mul3A_227 = arith.constant 2 : i32
      %mul3A_228 = vector.broadcast %mul3A_227 : i32 to vector<16xi32>
      %mul3A_229 = arith.muli %get3A_220, %mul3A_228 : vector<16xi32>
      %gather3A_230 = tpu.vector_load_idx %arg8[%mul3A_229] : memref<20224xf32, #tpu.memory_space<vmem>>[vector<16xi32>], vector<16xf32>,
      %mul3A_231 = arith.constant 2 : i32
      %mul3A_232 = vector.broadcast %mul3A_231 : i32 to vector<16xi32>
      %mul3A_233 = arith.muli %get3A_226, %mul3A_232 : vector<16xi32>
      %add3A_234 = arith.constant 1 : i32
      %add3A_235 = vector.broadcast %add3A_234 : i32 to vector<16xi32>
      %add3A_236 = arith.addi %mul3A_233, %add3A_235 : vector<16xi32>
      %gather3A_237 = tpu.vector_load_idx %arg8[%add3A_236] : memref<20224xf32, #tpu.memory_space<vmem>>[vector<16xi32>], vector<16xf32>,
      %add3A_238 = arith.addf %gather3A_230, %gather3A_237 : vector<16xf32>
      %gt3A_239 = arith.constant 0.000000e+00 : f32
      %gt3A_240 = vector.broadcast %gt3A_239 : f32 to vector<16xf32>
      %gt3A_241 = arith.cmpf ogt, %add3A_238, %gt3A_240 : vector<16xf32>
      %mul3A_242 = arith.constant 2.000000e-01 : f32
      %mul3A_243 = vector.broadcast %mul3A_242 : f32 to vector<16xf32>
      %mul3A_244 = arith.mulf %mul3A_243, %add3A_238 : vector<16xf32>
      %select_n3A_245 = arith.select %gt3A_241, %add3A_238, %mul3A_244 : vector<16xi1>, vector<16xf32>
      %add3A_246 = arith.constant 80 : i32
      %add3A_247 = vector.broadcast %add3A_246 : i32 to vector<16xi32>
      %add3A_248 = arith.addi %iota3A, %add3A_247 : vector<16xi32>
      %exp3A_249 = math.exp %select_n3A_245 : vector<16xf32>
      tpu.vector_store_idx %arg10[%add3A_248, %broadcast_in_dim3A_30], %exp3A_249 : memref<128x16xf32, #tpu.memory_space<vmem>>[vector<16xi32>, vector<16xi32>], vector<16xf32>,
      %get3A_250 = arith.constant 0 : i32
      %get3A_251 = arith.constant 0 : i32
      %get3A_252 = tpu.memref_slice %arg7[%get3A_250, %get3A_251] : memref<2x128xi32, #tpu.memory_space<vmem>> -> memref<1x128xi32, #tpu.memory_space<vmem>>
      %get3A_253 = tpu.memref_squeeze %get3A_252 : memref<1x128xi32, #tpu.memory_space<vmem>> -> memref<128xi32, #tpu.memory_space<vmem>>
      %get3A_254 = arith.constant 96 : index
      %get3A_255 = tpu.vector_load %get3A_253[%get3A_254] {strides = array<i32>} : memref<128xi32, #tpu.memory_space<vmem>>, vector<16xi32>,
      %get3A_256 = arith.constant 1 : i32
      %get3A_257 = arith.constant 0 : i32
      %get3A_258 = tpu.memref_slice %arg7[%get3A_256, %get3A_257] : memref<2x128xi32, #tpu.memory_space<vmem>> -> memref<1x128xi32, #tpu.memory_space<vmem>>
      %get3A_259 = tpu.memref_squeeze %get3A_258 : memref<1x128xi32, #tpu.memory_space<vmem>> -> memref<128xi32, #tpu.memory_space<vmem>>
      %get3A_260 = arith.constant 96 : index
      %get3A_261 = tpu.vector_load %get3A_259[%get3A_260] {strides = array<i32>} : memref<128xi32, #tpu.memory_space<vmem>>, vector<16xi32>,
      %mul3A_262 = arith.constant 2 : i32
      %mul3A_263 = vector.broadcast %mul3A_262 : i32 to vector<16xi32>
      %mul3A_264 = arith.muli %get3A_255, %mul3A_263 : vector<16xi32>
      %gather3A_265 = tpu.vector_load_idx %arg8[%mul3A_264] : memref<20224xf32, #tpu.memory_space<vmem>>[vector<16xi32>], vector<16xf32>,
      %mul3A_266 = arith.constant 2 : i32
      %mul3A_267 = vector.broadcast %mul3A_266 : i32 to vector<16xi32>
      %mul3A_268 = arith.muli %get3A_261, %mul3A_267 : vector<16xi32>
      %add3A_269 = arith.constant 1 : i32
      %add3A_270 = vector.broadcast %add3A_269 : i32 to vector<16xi32>
      %add3A_271 = arith.addi %mul3A_268, %add3A_270 : vector<16xi32>
      %gather3A_272 = tpu.vector_load_idx %arg8[%add3A_271] : memref<20224xf32, #tpu.memory_space<vmem>>[vector<16xi32>], vector<16xf32>,
      %add3A_273 = arith.addf %gather3A_265, %gather3A_272 : vector<16xf32>
      %gt3A_274 = arith.constant 0.000000e+00 : f32
      %gt3A_275 = vector.broadcast %gt3A_274 : f32 to vector<16xf32>
      %gt3A_276 = arith.cmpf ogt, %add3A_273, %gt3A_275 : vector<16xf32>
      %mul3A_277 = arith.constant 2.000000e-01 : f32
      %mul3A_278 = vector.broadcast %mul3A_277 : f32 to vector<16xf32>
      %mul3A_279 = arith.mulf %mul3A_278, %add3A_273 : vector<16xf32>
      %select_n3A_280 = arith.select %gt3A_276, %add3A_273, %mul3A_279 : vector<16xi1>, vector<16xf32>
      %add3A_281 = arith.constant 96 : i32
      %add3A_282 = vector.broadcast %add3A_281 : i32 to vector<16xi32>
      %add3A_283 = arith.addi %iota3A, %add3A_282 : vector<16xi32>
      %exp3A_284 = math.exp %select_n3A_280 : vector<16xf32>
      tpu.vector_store_idx %arg10[%add3A_283, %broadcast_in_dim3A_30], %exp3A_284 : memref<128x16xf32, #tpu.memory_space<vmem>>[vector<16xi32>, vector<16xi32>], vector<16xf32>,
      %get3A_285 = arith.constant 0 : i32
      %get3A_286 = arith.constant 0 : i32
      %get3A_287 = tpu.memref_slice %arg7[%get3A_285, %get3A_286] : memref<2x128xi32, #tpu.memory_space<vmem>> -> memref<1x128xi32, #tpu.memory_space<vmem>>
      %get3A_288 = tpu.memref_squeeze %get3A_287 : memref<1x128xi32, #tpu.memory_space<vmem>> -> memref<128xi32, #tpu.memory_space<vmem>>
      %get3A_289 = arith.constant 112 : index
      %get3A_290 = tpu.vector_load %get3A_288[%get3A_289] {strides = array<i32>} : memref<128xi32, #tpu.memory_space<vmem>>, vector<16xi32>,
      %get3A_291 = arith.constant 1 : i32
      %get3A_292 = arith.constant 0 : i32
      %get3A_293 = tpu.memref_slice %arg7[%get3A_291, %get3A_292] : memref<2x128xi32, #tpu.memory_space<vmem>> -> memref<1x128xi32, #tpu.memory_space<vmem>>
      %get3A_294 = tpu.memref_squeeze %get3A_293 : memref<1x128xi32, #tpu.memory_space<vmem>> -> memref<128xi32, #tpu.memory_space<vmem>>
      %get3A_295 = arith.constant 112 : index
      %get3A_296 = tpu.vector_load %get3A_294[%get3A_295] {strides = array<i32>} : memref<128xi32, #tpu.memory_space<vmem>>, vector<16xi32>,
      %mul3A_297 = arith.constant 2 : i32
      %mul3A_298 = vector.broadcast %mul3A_297 : i32 to vector<16xi32>
      %mul3A_299 = arith.muli %get3A_290, %mul3A_298 : vector<16xi32>
      %gather3A_300 = tpu.vector_load_idx %arg8[%mul3A_299] : memref<20224xf32, #tpu.memory_space<vmem>>[vector<16xi32>], vector<16xf32>,
      %mul3A_301 = arith.constant 2 : i32
      %mul3A_302 = vector.broadcast %mul3A_301 : i32 to vector<16xi32>
      %mul3A_303 = arith.muli %get3A_296, %mul3A_302 : vector<16xi32>
      %add3A_304 = arith.constant 1 : i32
      %add3A_305 = vector.broadcast %add3A_304 : i32 to vector<16xi32>
      %add3A_306 = arith.addi %mul3A_303, %add3A_305 : vector<16xi32>
      %gather3A_307 = tpu.vector_load_idx %arg8[%add3A_306] : memref<20224xf32, #tpu.memory_space<vmem>>[vector<16xi32>], vector<16xf32>,
      %add3A_308 = arith.addf %gather3A_300, %gather3A_307 : vector<16xf32>
      %gt3A_309 = arith.constant 0.000000e+00 : f32
      %gt3A_310 = vector.broadcast %gt3A_309 : f32 to vector<16xf32>
      %gt3A_311 = arith.cmpf ogt, %add3A_308, %gt3A_310 : vector<16xf32>
      %mul3A_312 = arith.constant 2.000000e-01 : f32
      %mul3A_313 = vector.broadcast %mul3A_312 : f32 to vector<16xf32>
      %mul3A_314 = arith.mulf %mul3A_313, %add3A_308 : vector<16xf32>
      %select_n3A_315 = arith.select %gt3A_311, %add3A_308, %mul3A_314 : vector<16xi1>, vector<16xf32>
      %add3A_316 = arith.constant 112 : i32
      %add3A_317 = vector.broadcast %add3A_316 : i32 to vector<16xi32>
      %add3A_318 = arith.addi %iota3A, %add3A_317 : vector<16xi32>
      %exp3A_319 = math.exp %select_n3A_315 : vector<16xf32>
      tpu.vector_store_idx %arg10[%add3A_318, %broadcast_in_dim3A_30], %exp3A_319 : memref<128x16xf32, #tpu.memory_space<vmem>>[vector<16xi32>, vector<16xi32>], vector<16xf32>,
      %dma_wait3A = arith.constant 0 : i32
      %dma_wait3A_320 = arith.constant 0 : i32
      %dma_wait3A_321 = tpu.memref_slice %arg7[%dma_wait3A, %dma_wait3A_320] : memref<2x128xi32, #tpu.memory_space<vmem>> -> memref<1x128xi32, #tpu.memory_space<vmem>>
      %dma_wait3A_322 = tpu.memref_squeeze %dma_wait3A_321 : memref<1x128xi32, #tpu.memory_space<vmem>> -> memref<128xi32, #tpu.memory_space<vmem>>
      %dma_wait3A_323 = arith.constant 0 : i32
      %dma_wait3A_324 = arith.constant 0 : i32
      %dma_wait3A_325 = tpu.memref_slice %arg2[%dma_wait3A_323, %dma_wait3A_324] : memref<10000x128xf32, #tpu.memory_space<hbm>> -> memref<10000x128xf32, #tpu.memory_space<hbm>>
      tpu.wait_indirect_dma semaphore(%arg13 : memref<!tpu.dma_semaphore, #tpu.memory_space<semaphore_mem>>) src(%dma_wait3A_325 : memref<10000x128xf32, #tpu.memory_space<hbm>>) dst(%arg9 : memref<128x128xf32, #tpu.memory_space<vmem>>)
      %scan3A_326 = arith.constant 0 : i32
      %scan3A_327 = arith.constant 0 : i32
      %scan3A_328 = arith.constant 128 : i32
      %scan3A_329 = arith.addi %scan3A_327, %scan3A_328 : i32
      %scan3A_330 = arith.constant 1 : i32
      scf.for %scan3A_333 = %scan3A_327 to %scan3A_329 step %scan3A_330  : i32 {
        %broadcast_in_dim3A_334 = vector.broadcast %scan3A_333 : i32 to vector<16xi32>
        %gather3A_335 = tpu.vector_load_idx %arg10[%broadcast_in_dim3A_334, %broadcast_in_dim3A_30] : memref<128x16xf32, #tpu.memory_space<vmem>>[vector<16xi32>, vector<16xi32>], vector<16xf32>,
        %get3A_336 = arith.constant 0 : i32
        %get3A_337 = tpu.memref_slice %arg9[%scan3A_333, %get3A_336] : memref<128x128xf32, #tpu.memory_space<vmem>> -> memref<1x128xf32, #tpu.memory_space<vmem>>
        %get3A_338 = tpu.memref_squeeze %get3A_337 : memref<1x128xf32, #tpu.memory_space<vmem>> -> memref<128xf32, #tpu.memory_space<vmem>>
        %get3A_339 = arith.constant 0 : index
        %get3A_340 = tpu.vector_load %get3A_338[%get3A_339] {strides = array<i32>} : memref<128xf32, #tpu.memory_space<vmem>>, vector<16xf32>,
        %mul3A_341 = arith.mulf %get3A_340, %gather3A_335 : vector<16xf32>
        %swap3A = arith.constant 0 : i32
        %swap3A_342 = tpu.memref_slice %arg9[%scan3A_333, %swap3A] : memref<128x128xf32, #tpu.memory_space<vmem>> -> memref<1x128xf32, #tpu.memory_space<vmem>>
        %swap3A_343 = tpu.memref_squeeze %swap3A_342 : memref<1x128xf32, #tpu.memory_space<vmem>> -> memref<128xf32, #tpu.memory_space<vmem>>
        %swap3A_344 = arith.constant 0 : index
        %swap3A_345 = tpu.vector_load %swap3A_343[%swap3A_344] {strides = array<i32>} : memref<128xf32, #tpu.memory_space<vmem>>, vector<16xf32>,
        tpu.vector_store %swap3A_343[%swap3A_344], %mul3A_341 {strides = array<i32>} : memref<128xf32, #tpu.memory_space<vmem>>, vector<16xf32>,
        %get3A_346 = arith.constant 0 : i32
        %get3A_347 = tpu.memref_slice %arg9[%scan3A_333, %get3A_346] : memref<128x128xf32, #tpu.memory_space<vmem>> -> memref<1x128xf32, #tpu.memory_space<vmem>>
        %get3A_348 = tpu.memref_squeeze %get3A_347 : memref<1x128xf32, #tpu.memory_space<vmem>> -> memref<128xf32, #tpu.memory_space<vmem>>
        %get3A_349 = arith.constant 16 : index
        %get3A_350 = tpu.vector_load %get3A_348[%get3A_349] {strides = array<i32>} : memref<128xf32, #tpu.memory_space<vmem>>, vector<16xf32>,
        %mul3A_351 = arith.mulf %get3A_350, %gather3A_335 : vector<16xf32>
        %swap3A_352 = arith.constant 0 : i32
        %swap3A_353 = tpu.memref_slice %arg9[%scan3A_333, %swap3A_352] : memref<128x128xf32, #tpu.memory_space<vmem>> -> memref<1x128xf32, #tpu.memory_space<vmem>>
        %swap3A_354 = tpu.memref_squeeze %swap3A_353 : memref<1x128xf32, #tpu.memory_space<vmem>> -> memref<128xf32, #tpu.memory_space<vmem>>
        %swap3A_355 = arith.constant 16 : index
        %swap3A_356 = tpu.vector_load %swap3A_354[%swap3A_355] {strides = array<i32>} : memref<128xf32, #tpu.memory_space<vmem>>, vector<16xf32>,
        tpu.vector_store %swap3A_354[%swap3A_355], %mul3A_351 {strides = array<i32>} : memref<128xf32, #tpu.memory_space<vmem>>, vector<16xf32>,
        %get3A_357 = arith.constant 0 : i32
        %get3A_358 = tpu.memref_slice %arg9[%scan3A_333, %get3A_357] : memref<128x128xf32, #tpu.memory_space<vmem>> -> memref<1x128xf32, #tpu.memory_space<vmem>>
        %get3A_359 = tpu.memref_squeeze %get3A_358 : memref<1x128xf32, #tpu.memory_space<vmem>> -> memref<128xf32, #tpu.memory_space<vmem>>
        %get3A_360 = arith.constant 32 : index
        %get3A_361 = tpu.vector_load %get3A_359[%get3A_360] {strides = array<i32>} : memref<128xf32, #tpu.memory_space<vmem>>, vector<16xf32>,
        %mul3A_362 = arith.mulf %get3A_361, %gather3A_335 : vector<16xf32>
        %swap3A_363 = arith.constant 0 : i32
        %swap3A_364 = tpu.memref_slice %arg9[%scan3A_333, %swap3A_363] : memref<128x128xf32, #tpu.memory_space<vmem>> -> memref<1x128xf32, #tpu.memory_space<vmem>>
        %swap3A_365 = tpu.memref_squeeze %swap3A_364 : memref<1x128xf32, #tpu.memory_space<vmem>> -> memref<128xf32, #tpu.memory_space<vmem>>
        %swap3A_366 = arith.constant 32 : index
        %swap3A_367 = tpu.vector_load %swap3A_365[%swap3A_366] {strides = array<i32>} : memref<128xf32, #tpu.memory_space<vmem>>, vector<16xf32>,
        tpu.vector_store %swap3A_365[%swap3A_366], %mul3A_362 {strides = array<i32>} : memref<128xf32, #tpu.memory_space<vmem>>, vector<16xf32>,
        %get3A_368 = arith.constant 0 : i32
        %get3A_369 = tpu.memref_slice %arg9[%scan3A_333, %get3A_368] : memref<128x128xf32, #tpu.memory_space<vmem>> -> memref<1x128xf32, #tpu.memory_space<vmem>>
        %get3A_370 = tpu.memref_squeeze %get3A_369 : memref<1x128xf32, #tpu.memory_space<vmem>> -> memref<128xf32, #tpu.memory_space<vmem>>
        %get3A_371 = arith.constant 48 : index
        %get3A_372 = tpu.vector_load %get3A_370[%get3A_371] {strides = array<i32>} : memref<128xf32, #tpu.memory_space<vmem>>, vector<16xf32>,
        %mul3A_373 = arith.mulf %get3A_372, %gather3A_335 : vector<16xf32>
        %swap3A_374 = arith.constant 0 : i32
        %swap3A_375 = tpu.memref_slice %arg9[%scan3A_333, %swap3A_374] : memref<128x128xf32, #tpu.memory_space<vmem>> -> memref<1x128xf32, #tpu.memory_space<vmem>>
        %swap3A_376 = tpu.memref_squeeze %swap3A_375 : memref<1x128xf32, #tpu.memory_space<vmem>> -> memref<128xf32, #tpu.memory_space<vmem>>
        %swap3A_377 = arith.constant 48 : index
        %swap3A_378 = tpu.vector_load %swap3A_376[%swap3A_377] {strides = array<i32>} : memref<128xf32, #tpu.memory_space<vmem>>, vector<16xf32>,
        tpu.vector_store %swap3A_376[%swap3A_377], %mul3A_373 {strides = array<i32>} : memref<128xf32, #tpu.memory_space<vmem>>, vector<16xf32>,
        %get3A_379 = arith.constant 0 : i32
        %get3A_380 = tpu.memref_slice %arg9[%scan3A_333, %get3A_379] : memref<128x128xf32, #tpu.memory_space<vmem>> -> memref<1x128xf32, #tpu.memory_space<vmem>>
        %get3A_381 = tpu.memref_squeeze %get3A_380 : memref<1x128xf32, #tpu.memory_space<vmem>> -> memref<128xf32, #tpu.memory_space<vmem>>
        %get3A_382 = arith.constant 64 : index
        %get3A_383 = tpu.vector_load %get3A_381[%get3A_382] {strides = array<i32>} : memref<128xf32, #tpu.memory_space<vmem>>, vector<16xf32>,
        %mul3A_384 = arith.mulf %get3A_383, %gather3A_335 : vector<16xf32>
        %swap3A_385 = arith.constant 0 : i32
        %swap3A_386 = tpu.memref_slice %arg9[%scan3A_333, %swap3A_385] : memref<128x128xf32, #tpu.memory_space<vmem>> -> memref<1x128xf32, #tpu.memory_space<vmem>>
        %swap3A_387 = tpu.memref_squeeze %swap3A_386 : memref<1x128xf32, #tpu.memory_space<vmem>> -> memref<128xf32, #tpu.memory_space<vmem>>
        %swap3A_388 = arith.constant 64 : index
        %swap3A_389 = tpu.vector_load %swap3A_387[%swap3A_388] {strides = array<i32>} : memref<128xf32, #tpu.memory_space<vmem>>, vector<16xf32>,
        tpu.vector_store %swap3A_387[%swap3A_388], %mul3A_384 {strides = array<i32>} : memref<128xf32, #tpu.memory_space<vmem>>, vector<16xf32>,
        %get3A_390 = arith.constant 0 : i32
        %get3A_391 = tpu.memref_slice %arg9[%scan3A_333, %get3A_390] : memref<128x128xf32, #tpu.memory_space<vmem>> -> memref<1x128xf32, #tpu.memory_space<vmem>>
        %get3A_392 = tpu.memref_squeeze %get3A_391 : memref<1x128xf32, #tpu.memory_space<vmem>> -> memref<128xf32, #tpu.memory_space<vmem>>
        %get3A_393 = arith.constant 80 : index
        %get3A_394 = tpu.vector_load %get3A_392[%get3A_393] {strides = array<i32>} : memref<128xf32, #tpu.memory_space<vmem>>, vector<16xf32>,
        %mul3A_395 = arith.mulf %get3A_394, %gather3A_335 : vector<16xf32>
        %swap3A_396 = arith.constant 0 : i32
        %swap3A_397 = tpu.memref_slice %arg9[%scan3A_333, %swap3A_396] : memref<128x128xf32, #tpu.memory_space<vmem>> -> memref<1x128xf32, #tpu.memory_space<vmem>>
        %swap3A_398 = tpu.memref_squeeze %swap3A_397 : memref<1x128xf32, #tpu.memory_space<vmem>> -> memref<128xf32, #tpu.memory_space<vmem>>
        %swap3A_399 = arith.constant 80 : index
        %swap3A_400 = tpu.vector_load %swap3A_398[%swap3A_399] {strides = array<i32>} : memref<128xf32, #tpu.memory_space<vmem>>, vector<16xf32>,
        tpu.vector_store %swap3A_398[%swap3A_399], %mul3A_395 {strides = array<i32>} : memref<128xf32, #tpu.memory_space<vmem>>, vector<16xf32>,
        %get3A_401 = arith.constant 0 : i32
        %get3A_402 = tpu.memref_slice %arg9[%scan3A_333, %get3A_401] : memref<128x128xf32, #tpu.memory_space<vmem>> -> memref<1x128xf32, #tpu.memory_space<vmem>>
        %get3A_403 = tpu.memref_squeeze %get3A_402 : memref<1x128xf32, #tpu.memory_space<vmem>> -> memref<128xf32, #tpu.memory_space<vmem>>
        %get3A_404 = arith.constant 96 : index
        %get3A_405 = tpu.vector_load %get3A_403[%get3A_404] {strides = array<i32>} : memref<128xf32, #tpu.memory_space<vmem>>, vector<16xf32>,
        %mul3A_406 = arith.mulf %get3A_405, %gather3A_335 : vector<16xf32>
        %swap3A_407 = arith.constant 0 : i32
        %swap3A_408 = tpu.memref_slice %arg9[%scan3A_333, %swap3A_407] : memref<128x128xf32, #tpu.memory_space<vmem>> -> memref<1x128xf32, #tpu.memory_space<vmem>>
        %swap3A_409 = tpu.memref_squeeze %swap3A_408 : memref<1x128xf32, #tpu.memory_space<vmem>> -> memref<128xf32, #tpu.memory_space<vmem>>
        %swap3A_410 = arith.constant 96 : index
        %swap3A_411 = tpu.vector_load %swap3A_409[%swap3A_410] {strides = array<i32>} : memref<128xf32, #tpu.memory_space<vmem>>, vector<16xf32>,
        tpu.vector_store %swap3A_409[%swap3A_410], %mul3A_406 {strides = array<i32>} : memref<128xf32, #tpu.memory_space<vmem>>, vector<16xf32>,
        %get3A_412 = arith.constant 0 : i32
        %get3A_413 = tpu.memref_slice %arg9[%scan3A_333, %get3A_412] : memref<128x128xf32, #tpu.memory_space<vmem>> -> memref<1x128xf32, #tpu.memory_space<vmem>>
        %get3A_414 = tpu.memref_squeeze %get3A_413 : memref<1x128xf32, #tpu.memory_space<vmem>> -> memref<128xf32, #tpu.memory_space<vmem>>
        %get3A_415 = arith.constant 112 : index
        %get3A_416 = tpu.vector_load %get3A_414[%get3A_415] {strides = array<i32>} : memref<128xf32, #tpu.memory_space<vmem>>, vector<16xf32>,
        %mul3A_417 = arith.mulf %get3A_416, %gather3A_335 : vector<16xf32>
        %swap3A_418 = arith.constant 0 : i32
        %swap3A_419 = tpu.memref_slice %arg9[%scan3A_333, %swap3A_418] : memref<128x128xf32, #tpu.memory_space<vmem>> -> memref<1x128xf32, #tpu.memory_space<vmem>>
        %swap3A_420 = tpu.memref_squeeze %swap3A_419 : memref<1x128xf32, #tpu.memory_space<vmem>> -> memref<128xf32, #tpu.memory_space<vmem>>
        %swap3A_421 = arith.constant 112 : index
        %swap3A_422 = tpu.vector_load %swap3A_420[%swap3A_421] {strides = array<i32>} : memref<128xf32, #tpu.memory_space<vmem>>, vector<16xf32>,
        tpu.vector_store %swap3A_420[%swap3A_421], %mul3A_417 {strides = array<i32>} : memref<128xf32, #tpu.memory_space<vmem>>, vector<16xf32>,
      }
      %scan3A_331 = arith.constant 128 : i32
      %run_scoped3A = arith.constant 1 : i32
      "tpu.region"() ({
        %run_scoped3A_333 = tpu.sem_alloc : memref<!tpu.dma_semaphore, #tpu.memory_space<semaphore_mem>>
        %dma_start3A_334 = arith.constant 0 : i32
        %dma_start3A_335 = tpu.memref_slice %arg7[%run_scoped3A, %dma_start3A_334] : memref<2x128xi32, #tpu.memory_space<vmem>> -> memref<1x128xi32, #tpu.memory_space<vmem>>
        %dma_start3A_336 = tpu.memref_squeeze %dma_start3A_335 : memref<1x128xi32, #tpu.memory_space<vmem>> -> memref<128xi32, #tpu.memory_space<vmem>>
        %dma_start3A_337 = arith.constant 0 : i32
        %dma_start3A_338 = arith.constant 0 : i32
        %dma_start3A_339 = tpu.memref_slice %arg11[%dma_start3A_337, %dma_start3A_338] : memref<10112x128xf32, #tpu.memory_space<vmem_shared>> -> memref<10112x128xf32, #tpu.memory_space<vmem_shared>>
        tpu.enqueue_indirect_dma source(%arg9 : memref<128x128xf32, #tpu.memory_space<vmem>>) target(%dma_start3A_339 : memref<10112x128xf32, #tpu.memory_space<vmem_shared>>) offsets(%dma_start3A_336 : memref<128xi32, #tpu.memory_space<vmem>>) semaphore(%run_scoped3A_333 : memref<!tpu.dma_semaphore, #tpu.memory_space<semaphore_mem>>) {add = true}
        %dma_wait3A_340 = arith.constant 0 : i32
        %dma_wait3A_341 = tpu.memref_slice %arg7[%run_scoped3A, %dma_wait3A_340] : memref<2x128xi32, #tpu.memory_space<vmem>> -> memref<1x128xi32, #tpu.memory_space<vmem>>
        %dma_wait3A_342 = tpu.memref_squeeze %dma_wait3A_341 : memref<1x128xi32, #tpu.memory_space<vmem>> -> memref<128xi32, #tpu.memory_space<vmem>>
        %dma_wait3A_343 = arith.constant 0 : i32
        %dma_wait3A_344 = arith.constant 0 : i32
        %dma_wait3A_345 = tpu.memref_slice %arg11[%dma_wait3A_343, %dma_wait3A_344] : memref<10112x128xf32, #tpu.memory_space<vmem_shared>> -> memref<10112x128xf32, #tpu.memory_space<vmem_shared>>
        tpu.wait_indirect_dma semaphore(%run_scoped3A_333 : memref<!tpu.dma_semaphore, #tpu.memory_space<semaphore_mem>>) src(%arg9 : memref<128x128xf32, #tpu.memory_space<vmem>>) dst(%dma_wait3A_345 : memref<10112x128xf32, #tpu.memory_space<vmem_shared>>)
        tpu.yield
      }) : () -> ()
      %run_scoped3A_332 = arith.constant 1 : i32
      "tpu.region"() ({
        %run_scoped3A_333 = tpu.sem_alloc : memref<!tpu.dma_semaphore, #tpu.memory_space<semaphore_mem>>
        %dma_start3A_334 = arith.constant 0 : i32
        %dma_start3A_335 = tpu.memref_slice %arg7[%run_scoped3A_332, %dma_start3A_334] : memref<2x128xi32, #tpu.memory_space<vmem>> -> memref<1x128xi32, #tpu.memory_space<vmem>>
        %dma_start3A_336 = tpu.memref_squeeze %dma_start3A_335 : memref<1x128xi32, #tpu.memory_space<vmem>> -> memref<128xi32, #tpu.memory_space<vmem>>
        %dma_start3A_337 = arith.constant 0 : i32
        %dma_start3A_338 = arith.constant 0 : i32
        %dma_start3A_339 = tpu.memref_slice %arg12[%dma_start3A_337, %dma_start3A_338] : memref<10112x16xf32, #tpu.memory_space<vmem_shared>> -> memref<10112x16xf32, #tpu.memory_space<vmem_shared>>
        tpu.enqueue_indirect_dma source(%arg10 : memref<128x16xf32, #tpu.memory_space<vmem>>) target(%dma_start3A_339 : memref<10112x16xf32, #tpu.memory_space<vmem_shared>>) offsets(%dma_start3A_336 : memref<128xi32, #tpu.memory_space<vmem>>) semaphore(%run_scoped3A_333 : memref<!tpu.dma_semaphore, #tpu.memory_space<semaphore_mem>>) {add = true}
        %dma_wait3A_340 = arith.constant 0 : i32
        %dma_wait3A_341 = tpu.memref_slice %arg7[%run_scoped3A_332, %dma_wait3A_340] : memref<2x128xi32, #tpu.memory_space<vmem>> -> memref<1x128xi32, #tpu.memory_space<vmem>>
        %dma_wait3A_342 = tpu.memref_squeeze %dma_wait3A_341 : memref<1x128xi32, #tpu.memory_space<vmem>> -> memref<128xi32, #tpu.memory_space<vmem>>
        %dma_wait3A_343 = arith.constant 0 : i32
        %dma_wait3A_344 = arith.constant 0 : i32
        %dma_wait3A_345 = tpu.memref_slice %arg12[%dma_wait3A_343, %dma_wait3A_344] : memref<10112x16xf32, #tpu.memory_space<vmem_shared>> -> memref<10112x16xf32, #tpu.memory_space<vmem_shared>>
        tpu.wait_indirect_dma semaphore(%run_scoped3A_333 : memref<!tpu.dma_semaphore, #tpu.memory_space<semaphore_mem>>) src(%arg10 : memref<128x16xf32, #tpu.memory_space<vmem>>) dst(%dma_wait3A_345 : memref<10112x16xf32, #tpu.memory_space<vmem_shared>>)
        tpu.yield
      }) : () -> ()
    }
    %scan3A_36 = arith.constant 79 : i32
    %barrier3A_37 = arith.constant 0 : index
    tpu.barrier barrier_id(%barrier3A_37)
    "tpu.region"() ({
      %run_scoped3A = tpu.sem_alloc : memref<!tpu.dma_semaphore, #tpu.memory_space<semaphore_mem>>
      %dma_start3A = arith.constant 0 : i32
      %dma_start3A_38 = tpu.memref_slice %arg5[%arg0, %mul3A_8, %dma_start3A] : memref<2x10112x128xf32, #tpu.memory_space<hbm>> -> memref<1x632x128xf32, #tpu.memory_space<hbm>>
      %dma_start3A_39 = tpu.memref_squeeze %dma_start3A_38 : memref<1x632x128xf32, #tpu.memory_space<hbm>> -> memref<632x128xf32, #tpu.memory_space<hbm>>
      %dma_start3A_40 = arith.constant 0 : i32
      %dma_start3A_41 = tpu.memref_slice %arg11[%mul3A_8, %dma_start3A_40] : memref<10112x128xf32, #tpu.memory_space<vmem_shared>> -> memref<632x128xf32, #tpu.memory_space<vmem_shared>>
      tpu.enqueue_dma source(%dma_start3A_41 : memref<632x128xf32, #tpu.memory_space<vmem_shared>>) target(%dma_start3A_39 : memref<632x128xf32, #tpu.memory_space<hbm>>) target_semaphore(%run_scoped3A : memref<!tpu.dma_semaphore, #tpu.memory_space<semaphore_mem>>)
      %dma_wait3A = arith.constant 0 : i32
      %dma_wait3A_42 = tpu.memref_slice %arg5[%arg0, %mul3A_8, %dma_wait3A] : memref<2x10112x128xf32, #tpu.memory_space<hbm>> -> memref<1x632x128xf32, #tpu.memory_space<hbm>>
      %dma_wait3A_43 = tpu.memref_squeeze %dma_wait3A_42 : memref<1x632x128xf32, #tpu.memory_space<hbm>> -> memref<632x128xf32, #tpu.memory_space<hbm>>
      %dma_wait3A_44 = arith.constant 0 : i32
      %dma_wait3A_45 = tpu.memref_slice %arg11[%mul3A_8, %dma_wait3A_44] : memref<10112x128xf32, #tpu.memory_space<vmem_shared>> -> memref<632x128xf32, #tpu.memory_space<vmem_shared>>
      tpu.wait_dma2 semaphore(%run_scoped3A : memref<!tpu.dma_semaphore, #tpu.memory_space<semaphore_mem>>) src(%dma_wait3A_45 : memref<632x128xf32, #tpu.memory_space<vmem_shared>>) dst(%dma_wait3A_43 : memref<632x128xf32, #tpu.memory_space<hbm>>)
      tpu.yield
    }) : () -> ()
    "tpu.region"() ({
      %run_scoped3A = tpu.sem_alloc : memref<!tpu.dma_semaphore, #tpu.memory_space<semaphore_mem>>
      %dma_start3A = arith.constant 0 : i32
      %dma_start3A_38 = tpu.memref_slice %arg6[%arg0, %mul3A_8, %dma_start3A] : memref<2x10112x16xf32, #tpu.memory_space<hbm>> -> memref<1x632x16xf32, #tpu.memory_space<hbm>>
      %dma_start3A_39 = tpu.memref_squeeze %dma_start3A_38 : memref<1x632x16xf32, #tpu.memory_space<hbm>> -> memref<632x16xf32, #tpu.memory_space<hbm>>
      %dma_start3A_40 = arith.constant 0 : i32
      %dma_start3A_41 = tpu.memref_slice %arg12[%mul3A_8, %dma_start3A_40] : memref<10112x16xf32, #tpu.memory_space<vmem_shared>> -> memref<632x16xf32, #tpu.memory_space<vmem_shared>>
      tpu.enqueue_dma source(%dma_start3A_41 : memref<632x16xf32, #tpu.memory_space<vmem_shared>>) target(%dma_start3A_39 : memref<632x16xf32, #tpu.memory_space<hbm>>) target_semaphore(%run_scoped3A : memref<!tpu.dma_semaphore, #tpu.memory_space<semaphore_mem>>)
      %dma_wait3A = arith.constant 0 : i32
      %dma_wait3A_42 = tpu.memref_slice %arg6[%arg0, %mul3A_8, %dma_wait3A] : memref<2x10112x16xf32, #tpu.memory_space<hbm>> -> memref<1x632x16xf32, #tpu.memory_space<hbm>>
      %dma_wait3A_43 = tpu.memref_squeeze %dma_wait3A_42 : memref<1x632x16xf32, #tpu.memory_space<hbm>> -> memref<632x16xf32, #tpu.memory_space<hbm>>
      %dma_wait3A_44 = arith.constant 0 : i32
      %dma_wait3A_45 = tpu.memref_slice %arg12[%mul3A_8, %dma_wait3A_44] : memref<10112x16xf32, #tpu.memory_space<vmem_shared>> -> memref<632x16xf32, #tpu.memory_space<vmem_shared>>
      tpu.wait_dma2 semaphore(%run_scoped3A : memref<!tpu.dma_semaphore, #tpu.memory_space<semaphore_mem>>) src(%dma_wait3A_45 : memref<632x16xf32, #tpu.memory_space<vmem_shared>>) dst(%dma_wait3A_43 : memref<632x16xf32, #tpu.memory_space<hbm>>)
      tpu.yield
    }) : () -> ()
    return
  }
}

#map = affine_map<(d0, d1) -> (0, 0)>
#map1 = affine_map<(d0, d1) -> (0)>
#map2 = affine_map<(d0, d1) -> (0, 0, 0, 0)>
#map3 = affine_map<(d0, d1) -> (0, 0, 0)>
module attributes {stable_mosaic.version = 14 : i64} {
  func.func @_sc_conv(%arg0: i32, %arg1: i32, %arg2: memref<10000x128xf32, #tpu.memory_space<hbm>>, %arg3: memref<20224xf32, #tpu.memory_space<hbm>>, %arg4: memref<32x79x2x128xi32, #tpu.memory_space<hbm>>, %arg5: memref<2x10112x128xf32, #tpu.memory_space<hbm>>, %arg6: memref<2x10112x16xf32, #tpu.memory_space<hbm>>, %arg7: memref<2x128xi32, #tpu.memory_space<vmem>>, %arg8: memref<20224xf32, #tpu.memory_space<vmem>>, %arg9: memref<128x128xf32, #tpu.memory_space<vmem>>, %arg10: memref<128x16xf32, #tpu.memory_space<vmem>>, %arg11: memref<10112x128xf32, #tpu.memory_space<vmem_shared>>, %arg12: memref<10112x16xf32, #tpu.memory_space<vmem_shared>>, %arg13: memref<!tpu.dma_semaphore, #tpu.memory_space<semaphore_mem>>) attributes {dimension_semantics = [#tpu.dimension_semantics<core_parallel>, #tpu.dimension_semantics<subcore_parallel>], iteration_bounds = array<i64: 2, 16>, scalar_prefetch = 0 : i64, scratch_operands = 7 : i64, tpu.core_type = #tpu.core_type<sc_vector_subcore>, window_params = [{transform_indices = #map}, {transform_indices = #map1}, {transform_indices = #map2}, {transform_indices = #map3}, {transform_indices = #map3}]} {
    %mul3A = arith.constant 16 : i32
    %mul3A_0 = arith.muli %arg0, %mul3A : i32
    %add3A = arith.addi %mul3A_0, %arg1 : i32
    "tpu.region"() ({
      %run_scoped3A = tpu.sem_alloc : memref<!tpu.dma_semaphore, #tpu.memory_space<semaphore_mem>>
      tpu.enqueue_dma source(%arg3 : memref<20224xf32, #tpu.memory_space<hbm>>) target(%arg8 : memref<20224xf32, #tpu.memory_space<vmem>>) target_semaphore(%run_scoped3A : memref<!tpu.dma_semaphore, #tpu.memory_space<semaphore_mem>>)
      tpu.wait_dma2 semaphore(%run_scoped3A : memref<!tpu.dma_semaphore, #tpu.memory_space<semaphore_mem>>) src(%arg3 : memref<20224xf32, #tpu.memory_space<hbm>>) dst(%arg8 : memref<20224xf32, #tpu.memory_space<vmem>>)
      tpu.yield
    }) : () -> ()
    %broadcast_in_dim3A = arith.constant 0.000000e+00 : f32
    %broadcast_in_dim3A_1 = vector.broadcast %broadcast_in_dim3A : f32 to vector<16xf32>
    %scan3A = arith.constant 0 : i32
    %scan3A_2 = arith.constant 0 : i32
    %scan3A_3 = arith.constant 128 : i32
    %scan3A_4 = arith.addi %scan3A_2, %scan3A_3 : i32
    %scan3A_5 = arith.constant 1 : i32
    scf.for %scan3A_38 = %scan3A_2 to %scan3A_4 step %scan3A_5  : i32 {
      %swap3A = arith.constant 0 : i32
      %swap3A_39 = tpu.memref_slice %arg9[%scan3A_38, %swap3A] : memref<128x128xf32, #tpu.memory_space<vmem>> -> memref<1x128xf32, #tpu.memory_space<vmem>>
      %swap3A_40 = tpu.memref_squeeze %swap3A_39 : memref<1x128xf32, #tpu.memory_space<vmem>> -> memref<128xf32, #tpu.memory_space<vmem>>
      %swap3A_41 = arith.constant 0 : index
      %swap3A_42 = tpu.vector_load %swap3A_40[%swap3A_41] {strides = array<i32>} : memref<128xf32, #tpu.memory_space<vmem>>, vector<16xf32>,
      tpu.vector_store %swap3A_40[%swap3A_41], %broadcast_in_dim3A_1 {strides = array<i32>} : memref<128xf32, #tpu.memory_space<vmem>>, vector<16xf32>,
      %swap3A_43 = arith.constant 0 : i32
      %swap3A_44 = tpu.memref_slice %arg9[%scan3A_38, %swap3A_43] : memref<128x128xf32, #tpu.memory_space<vmem>> -> memref<1x128xf32, #tpu.memory_space<vmem>>
      %swap3A_45 = tpu.memref_squeeze %swap3A_44 : memref<1x128xf32, #tpu.memory_space<vmem>> -> memref<128xf32, #tpu.memory_space<vmem>>
      %swap3A_46 = arith.constant 16 : index
      %swap3A_47 = tpu.vector_load %swap3A_45[%swap3A_46] {strides = array<i32>} : memref<128xf32, #tpu.memory_space<vmem>>, vector<16xf32>,
      tpu.vector_store %swap3A_45[%swap3A_46], %broadcast_in_dim3A_1 {strides = array<i32>} : memref<128xf32, #tpu.memory_space<vmem>>, vector<16xf32>,
      %swap3A_48 = arith.constant 0 : i32
      %swap3A_49 = tpu.memref_slice %arg9[%scan3A_38, %swap3A_48] : memref<128x128xf32, #tpu.memory_space<vmem>> -> memref<1x128xf32, #tpu.memory_space<vmem>>
      %swap3A_50 = tpu.memref_squeeze %swap3A_49 : memref<1x128xf32, #tpu.memory_space<vmem>> -> memref<128xf32, #tpu.memory_space<vmem>>
      %swap3A_51 = arith.constant 32 : index
      %swap3A_52 = tpu.vector_load %swap3A_50[%swap3A_51] {strides = array<i32>} : memref<128xf32, #tpu.memory_space<vmem>>, vector<16xf32>,
      tpu.vector_store %swap3A_50[%swap3A_51], %broadcast_in_dim3A_1 {strides = array<i32>} : memref<128xf32, #tpu.memory_space<vmem>>, vector<16xf32>,
      %swap3A_53 = arith.constant 0 : i32
      %swap3A_54 = tpu.memref_slice %arg9[%scan3A_38, %swap3A_53] : memref<128x128xf32, #tpu.memory_space<vmem>> -> memref<1x128xf32, #tpu.memory_space<vmem>>
      %swap3A_55 = tpu.memref_squeeze %swap3A_54 : memref<1x128xf32, #tpu.memory_space<vmem>> -> memref<128xf32, #tpu.memory_space<vmem>>
      %swap3A_56 = arith.constant 48 : index
      %swap3A_57 = tpu.vector_load %swap3A_55[%swap3A_56] {strides = array<i32>} : memref<128xf32, #tpu.memory_space<vmem>>, vector<16xf32>,
      tpu.vector_store %swap3A_55[%swap3A_56], %broadcast_in_dim3A_1 {strides = array<i32>} : memref<128xf32, #tpu.memory_space<vmem>>, vector<16xf32>,
      %swap3A_58 = arith.constant 0 : i32
      %swap3A_59 = tpu.memref_slice %arg9[%scan3A_38, %swap3A_58] : memref<128x128xf32, #tpu.memory_space<vmem>> -> memref<1x128xf32, #tpu.memory_space<vmem>>
      %swap3A_60 = tpu.memref_squeeze %swap3A_59 : memref<1x128xf32, #tpu.memory_space<vmem>> -> memref<128xf32, #tpu.memory_space<vmem>>
      %swap3A_61 = arith.constant 64 : index
      %swap3A_62 = tpu.vector_load %swap3A_60[%swap3A_61] {strides = array<i32>} : memref<128xf32, #tpu.memory_space<vmem>>, vector<16xf32>,
      tpu.vector_store %swap3A_60[%swap3A_61], %broadcast_in_dim3A_1 {strides = array<i32>} : memref<128xf32, #tpu.memory_space<vmem>>, vector<16xf32>,
      %swap3A_63 = arith.constant 0 : i32
      %swap3A_64 = tpu.memref_slice %arg9[%scan3A_38, %swap3A_63] : memref<128x128xf32, #tpu.memory_space<vmem>> -> memref<1x128xf32, #tpu.memory_space<vmem>>
      %swap3A_65 = tpu.memref_squeeze %swap3A_64 : memref<1x128xf32, #tpu.memory_space<vmem>> -> memref<128xf32, #tpu.memory_space<vmem>>
      %swap3A_66 = arith.constant 80 : index
      %swap3A_67 = tpu.vector_load %swap3A_65[%swap3A_66] {strides = array<i32>} : memref<128xf32, #tpu.memory_space<vmem>>, vector<16xf32>,
      tpu.vector_store %swap3A_65[%swap3A_66], %broadcast_in_dim3A_1 {strides = array<i32>} : memref<128xf32, #tpu.memory_space<vmem>>, vector<16xf32>,
      %swap3A_68 = arith.constant 0 : i32
      %swap3A_69 = tpu.memref_slice %arg9[%scan3A_38, %swap3A_68] : memref<128x128xf32, #tpu.memory_space<vmem>> -> memref<1x128xf32, #tpu.memory_space<vmem>>
      %swap3A_70 = tpu.memref_squeeze %swap3A_69 : memref<1x128xf32, #tpu.memory_space<vmem>> -> memref<128xf32, #tpu.memory_space<vmem>>
      %swap3A_71 = arith.constant 96 : index
      %swap3A_72 = tpu.vector_load %swap3A_70[%swap3A_71] {strides = array<i32>} : memref<128xf32, #tpu.memory_space<vmem>>, vector<16xf32>,
      tpu.vector_store %swap3A_70[%swap3A_71], %broadcast_in_dim3A_1 {strides = array<i32>} : memref<128xf32, #tpu.memory_space<vmem>>, vector<16xf32>,
      %swap3A_73 = arith.constant 0 : i32
      %swap3A_74 = tpu.memref_slice %arg9[%scan3A_38, %swap3A_73] : memref<128x128xf32, #tpu.memory_space<vmem>> -> memref<1x128xf32, #tpu.memory_space<vmem>>
      %swap3A_75 = tpu.memref_squeeze %swap3A_74 : memref<1x128xf32, #tpu.memory_space<vmem>> -> memref<128xf32, #tpu.memory_space<vmem>>
      %swap3A_76 = arith.constant 112 : index
      %swap3A_77 = tpu.vector_load %swap3A_75[%swap3A_76] {strides = array<i32>} : memref<128xf32, #tpu.memory_space<vmem>>, vector<16xf32>,
      tpu.vector_store %swap3A_75[%swap3A_76], %broadcast_in_dim3A_1 {strides = array<i32>} : memref<128xf32, #tpu.memory_space<vmem>>, vector<16xf32>,
      %swap3A_78 = arith.constant 0 : i32
      %swap3A_79 = tpu.memref_slice %arg10[%scan3A_38, %swap3A_78] : memref<128x16xf32, #tpu.memory_space<vmem>> -> memref<1x16xf32, #tpu.memory_space<vmem>>
      %swap3A_80 = tpu.memref_squeeze %swap3A_79 : memref<1x16xf32, #tpu.memory_space<vmem>> -> memref<16xf32, #tpu.memory_space<vmem>>
      %swap3A_81 = arith.constant 0 : index
      %swap3A_82 = tpu.vector_load %swap3A_80[%swap3A_81] {strides = array<i32>} : memref<16xf32, #tpu.memory_space<vmem>>, vector<16xf32>,
      tpu.vector_store %swap3A_80[%swap3A_81], %broadcast_in_dim3A_1 {strides = array<i32>} : memref<16xf32, #tpu.memory_space<vmem>>, vector<16xf32>,
    }
    %scan3A_6 = arith.constant 128 : i32
    %mul3A_7 = arith.constant 632 : i32
    %mul3A_8 = arith.muli %arg1, %mul3A_7 : i32
    %add3A_9 = arith.constant 0 : i32
    %add3A_10 = arith.addi %mul3A_8, %add3A_9 : i32
    "tpu.region"() ({
      %run_scoped3A = tpu.sem_alloc : memref<!tpu.dma_semaphore, #tpu.memory_space<semaphore_mem>>
      %dma_start3A = arith.constant 0 : i32
      %dma_start3A_38 = tpu.memref_slice %arg11[%add3A_10, %dma_start3A] : memref<10112x128xf32, #tpu.memory_space<vmem_shared>> -> memref<128x128xf32, #tpu.memory_space<vmem_shared>>
      %dma_start3A_39 = arith.constant 0 : i32
      %dma_start3A_40 = tpu.memref_slice %arg11[%add3A_10, %dma_start3A_39] : memref<10112x128xf32, #tpu.memory_space<vmem_shared>> -> memref<128x128xf32, #tpu.memory_space<vmem_shared>>
      tpu.enqueue_dma source(%arg9 : memref<128x128xf32, #tpu.memory_space<vmem>>) target(%dma_start3A_40 : memref<128x128xf32, #tpu.memory_space<vmem_shared>>) target_semaphore(%run_scoped3A : memref<!tpu.dma_semaphore, #tpu.memory_space<semaphore_mem>>)
      %dma_wait3A = arith.constant 0 : i32
      %dma_wait3A_41 = tpu.memref_slice %arg11[%add3A_10, %dma_wait3A] : memref<10112x128xf32, #tpu.memory_space<vmem_shared>> -> memref<128x128xf32, #tpu.memory_space<vmem_shared>>
      %dma_wait3A_42 = arith.constant 0 : i32
      %dma_wait3A_43 = tpu.memref_slice %arg11[%add3A_10, %dma_wait3A_42] : memref<10112x128xf32, #tpu.memory_space<vmem_shared>> -> memref<128x128xf32, #tpu.memory_space<vmem_shared>>
      tpu.wait_dma2 semaphore(%run_scoped3A : memref<!tpu.dma_semaphore, #tpu.memory_space<semaphore_mem>>) src(%arg9 : memref<128x128xf32, #tpu.memory_space<vmem>>) dst(%dma_wait3A_43 : memref<128x128xf32, #tpu.memory_space<vmem_shared>>)
      tpu.yield
    }) : () -> ()
    %add3A_11 = arith.constant 0 : i32
    %add3A_12 = arith.addi %mul3A_8, %add3A_11 : i32
    "tpu.region"() ({
      %run_scoped3A = tpu.sem_alloc : memref<!tpu.dma_semaphore, #tpu.memory_space<semaphore_mem>>
      %dma_start3A = arith.constant 0 : i32
      %dma_start3A_38 = tpu.memref_slice %arg12[%add3A_12, %dma_start3A] : memref<10112x16xf32, #tpu.memory_space<vmem_shared>> -> memref<128x16xf32, #tpu.memory_space<vmem_shared>>
      %dma_start3A_39 = arith.constant 0 : i32
      %dma_start3A_40 = tpu.memref_slice %arg12[%add3A_12, %dma_start3A_39] : memref<10112x16xf32, #tpu.memory_space<vmem_shared>> -> memref<128x16xf32, #tpu.memory_space<vmem_shared>>
      tpu.enqueue_dma source(%arg10 : memref<128x16xf32, #tpu.memory_space<vmem>>) target(%dma_start3A_40 : memref<128x16xf32, #tpu.memory_space<vmem_shared>>) target_semaphore(%run_scoped3A : memref<!tpu.dma_semaphore, #tpu.memory_space<semaphore_mem>>)
      %dma_wait3A = arith.constant 0 : i32
      %dma_wait3A_41 = tpu.memref_slice %arg12[%add3A_12, %dma_wait3A] : memref<10112x16xf32, #tpu.memory_space<vmem_shared>> -> memref<128x16xf32, #tpu.memory_space<vmem_shared>>
      %dma_wait3A_42 = arith.constant 0 : i32
      %dma_wait3A_43 = tpu.memref_slice %arg12[%add3A_12, %dma_wait3A_42] : memref<10112x16xf32, #tpu.memory_space<vmem_shared>> -> memref<128x16xf32, #tpu.memory_space<vmem_shared>>
      tpu.wait_dma2 semaphore(%run_scoped3A : memref<!tpu.dma_semaphore, #tpu.memory_space<semaphore_mem>>) src(%arg10 : memref<128x16xf32, #tpu.memory_space<vmem>>) dst(%dma_wait3A_43 : memref<128x16xf32, #tpu.memory_space<vmem_shared>>)
      tpu.yield
    }) : () -> ()
    %add3A_13 = arith.constant 128 : i32
    %add3A_14 = arith.addi %mul3A_8, %add3A_13 : i32
    "tpu.region"() ({
      %run_scoped3A = tpu.sem_alloc : memref<!tpu.dma_semaphore, #tpu.memory_space<semaphore_mem>>
      %dma_start3A = arith.constant 0 : i32
      %dma_start3A_38 = tpu.memref_slice %arg11[%add3A_14, %dma_start3A] : memref<10112x128xf32, #tpu.memory_space<vmem_shared>> -> memref<128x128xf32, #tpu.memory_space<vmem_shared>>
      %dma_start3A_39 = arith.constant 0 : i32
      %dma_start3A_40 = tpu.memref_slice %arg11[%add3A_14, %dma_start3A_39] : memref<10112x128xf32, #tpu.memory_space<vmem_shared>> -> memref<128x128xf32, #tpu.memory_space<vmem_shared>>
      tpu.enqueue_dma source(%arg9 : memref<128x128xf32, #tpu.memory_space<vmem>>) target(%dma_start3A_40 : memref<128x128xf32, #tpu.memory_space<vmem_shared>>) target_semaphore(%run_scoped3A : memref<!tpu.dma_semaphore, #tpu.memory_space<semaphore_mem>>)
      %dma_wait3A = arith.constant 0 : i32
      %dma_wait3A_41 = tpu.memref_slice %arg11[%add3A_14, %dma_wait3A] : memref<10112x128xf32, #tpu.memory_space<vmem_shared>> -> memref<128x128xf32, #tpu.memory_space<vmem_shared>>
      %dma_wait3A_42 = arith.constant 0 : i32
      %dma_wait3A_43 = tpu.memref_slice %arg11[%add3A_14, %dma_wait3A_42] : memref<10112x128xf32, #tpu.memory_space<vmem_shared>> -> memref<128x128xf32, #tpu.memory_space<vmem_shared>>
      tpu.wait_dma2 semaphore(%run_scoped3A : memref<!tpu.dma_semaphore, #tpu.memory_space<semaphore_mem>>) src(%arg9 : memref<128x128xf32, #tpu.memory_space<vmem>>) dst(%dma_wait3A_43 : memref<128x128xf32, #tpu.memory_space<vmem_shared>>)
      tpu.yield
    }) : () -> ()
    %add3A_15 = arith.constant 128 : i32
    %add3A_16 = arith.addi %mul3A_8, %add3A_15 : i32
    "tpu.region"() ({
      %run_scoped3A = tpu.sem_alloc : memref<!tpu.dma_semaphore, #tpu.memory_space<semaphore_mem>>
      %dma_start3A = arith.constant 0 : i32
      %dma_start3A_38 = tpu.memref_slice %arg12[%add3A_16, %dma_start3A] : memref<10112x16xf32, #tpu.memory_space<vmem_shared>> -> memref<128x16xf32, #tpu.memory_space<vmem_shared>>
      %dma_start3A_39 = arith.constant 0 : i32
      %dma_start3A_40 = tpu.memref_slice %arg12[%add3A_16, %dma_start3A_39] : memref<10112x16xf32, #tpu.memory_space<vmem_shared>> -> memref<128x16xf32, #tpu.memory_space<vmem_shared>>
      tpu.enqueue_dma source(%arg10 : memref<128x16xf32, #tpu.memory_space<vmem>>) target(%dma_start3A_40 : memref<128x16xf32, #tpu.memory_space<vmem_shared>>) target_semaphore(%run_scoped3A : memref<!tpu.dma_semaphore, #tpu.memory_space<semaphore_mem>>)
      %dma_wait3A = arith.constant 0 : i32
      %dma_wait3A_41 = tpu.memref_slice %arg12[%add3A_16, %dma_wait3A] : memref<10112x16xf32, #tpu.memory_space<vmem_shared>> -> memref<128x16xf32, #tpu.memory_space<vmem_shared>>
      %dma_wait3A_42 = arith.constant 0 : i32
      %dma_wait3A_43 = tpu.memref_slice %arg12[%add3A_16, %dma_wait3A_42] : memref<10112x16xf32, #tpu.memory_space<vmem_shared>> -> memref<128x16xf32, #tpu.memory_space<vmem_shared>>
      tpu.wait_dma2 semaphore(%run_scoped3A : memref<!tpu.dma_semaphore, #tpu.memory_space<semaphore_mem>>) src(%arg10 : memref<128x16xf32, #tpu.memory_space<vmem>>) dst(%dma_wait3A_43 : memref<128x16xf32, #tpu.memory_space<vmem_shared>>)
      tpu.yield
    }) : () -> ()
    %add3A_17 = arith.constant 256 : i32
    %add3A_18 = arith.addi %mul3A_8, %add3A_17 : i32
    "tpu.region"() ({
      %run_scoped3A = tpu.sem_alloc : memref<!tpu.dma_semaphore, #tpu.memory_space<semaphore_mem>>
      %dma_start3A = arith.constant 0 : i32
      %dma_start3A_38 = tpu.memref_slice %arg11[%add3A_18, %dma_start3A] : memref<10112x128xf32, #tpu.memory_space<vmem_shared>> -> memref<128x128xf32, #tpu.memory_space<vmem_shared>>
      %dma_start3A_39 = arith.constant 0 : i32
      %dma_start3A_40 = tpu.memref_slice %arg11[%add3A_18, %dma_start3A_39] : memref<10112x128xf32, #tpu.memory_space<vmem_shared>> -> memref<128x128xf32, #tpu.memory_space<vmem_shared>>
      tpu.enqueue_dma source(%arg9 : memref<128x128xf32, #tpu.memory_space<vmem>>) target(%dma_start3A_40 : memref<128x128xf32, #tpu.memory_space<vmem_shared>>) target_semaphore(%run_scoped3A : memref<!tpu.dma_semaphore, #tpu.memory_space<semaphore_mem>>)
      %dma_wait3A = arith.constant 0 : i32
      %dma_wait3A_41 = tpu.memref_slice %arg11[%add3A_18, %dma_wait3A] : memref<10112x128xf32, #tpu.memory_space<vmem_shared>> -> memref<128x128xf32, #tpu.memory_space<vmem_shared>>
      %dma_wait3A_42 = arith.constant 0 : i32
      %dma_wait3A_43 = tpu.memref_slice %arg11[%add3A_18, %dma_wait3A_42] : memref<10112x128xf32, #tpu.memory_space<vmem_shared>> -> memref<128x128xf32, #tpu.memory_space<vmem_shared>>
      tpu.wait_dma2 semaphore(%run_scoped3A : memref<!tpu.dma_semaphore, #tpu.memory_space<semaphore_mem>>) src(%arg9 : memref<128x128xf32, #tpu.memory_space<vmem>>) dst(%dma_wait3A_43 : memref<128x128xf32, #tpu.memory_space<vmem_shared>>)
      tpu.yield
    }) : () -> ()
    %add3A_19 = arith.constant 256 : i32
    %add3A_20 = arith.addi %mul3A_8, %add3A_19 : i32
    "tpu.region"() ({
      %run_scoped3A = tpu.sem_alloc : memref<!tpu.dma_semaphore, #tpu.memory_space<semaphore_mem>>
      %dma_start3A = arith.constant 0 : i32
      %dma_start3A_38 = tpu.memref_slice %arg12[%add3A_20, %dma_start3A] : memref<10112x16xf32, #tpu.memory_space<vmem_shared>> -> memref<128x16xf32, #tpu.memory_space<vmem_shared>>
      %dma_start3A_39 = arith.constant 0 : i32
      %dma_start3A_40 = tpu.memref_slice %arg12[%add3A_20, %dma_start3A_39] : memref<10112x16xf32, #tpu.memory_space<vmem_shared>> -> memref<128x16xf32, #tpu.memory_space<vmem_shared>>
      tpu.enqueue_dma source(%arg10 : memref<128x16xf32, #tpu.memory_space<vmem>>) target(%dma_start3A_40 : memref<128x16xf32, #tpu.memory_space<vmem_shared>>) target_semaphore(%run_scoped3A : memref<!tpu.dma_semaphore, #tpu.memory_space<semaphore_mem>>)
      %dma_wait3A = arith.constant 0 : i32
      %dma_wait3A_41 = tpu.memref_slice %arg12[%add3A_20, %dma_wait3A] : memref<10112x16xf32, #tpu.memory_space<vmem_shared>> -> memref<128x16xf32, #tpu.memory_space<vmem_shared>>
      %dma_wait3A_42 = arith.constant 0 : i32
      %dma_wait3A_43 = tpu.memref_slice %arg12[%add3A_20, %dma_wait3A_42] : memref<10112x16xf32, #tpu.memory_space<vmem_shared>> -> memref<128x16xf32, #tpu.memory_space<vmem_shared>>
      tpu.wait_dma2 semaphore(%run_scoped3A : memref<!tpu.dma_semaphore, #tpu.memory_space<semaphore_mem>>) src(%arg10 : memref<128x16xf32, #tpu.memory_space<vmem>>) dst(%dma_wait3A_43 : memref<128x16xf32, #tpu.memory_space<vmem_shared>>)
      tpu.yield
    }) : () -> ()
    %add3A_21 = arith.constant 384 : i32
    %add3A_22 = arith.addi %mul3A_8, %add3A_21 : i32
    "tpu.region"() ({
      %run_scoped3A = tpu.sem_alloc : memref<!tpu.dma_semaphore, #tpu.memory_space<semaphore_mem>>
      %dma_start3A = arith.constant 0 : i32
      %dma_start3A_38 = tpu.memref_slice %arg11[%add3A_22, %dma_start3A] : memref<10112x128xf32, #tpu.memory_space<vmem_shared>> -> memref<128x128xf32, #tpu.memory_space<vmem_shared>>
      %dma_start3A_39 = arith.constant 0 : i32
      %dma_start3A_40 = tpu.memref_slice %arg11[%add3A_22, %dma_start3A_39] : memref<10112x128xf32, #tpu.memory_space<vmem_shared>> -> memref<128x128xf32, #tpu.memory_space<vmem_shared>>
      tpu.enqueue_dma source(%arg9 : memref<128x128xf32, #tpu.memory_space<vmem>>) target(%dma_start3A_40 : memref<128x128xf32, #tpu.memory_space<vmem_shared>>) target_semaphore(%run_scoped3A : memref<!tpu.dma_semaphore, #tpu.memory_space<semaphore_mem>>)
      %dma_wait3A = arith.constant 0 : i32
      %dma_wait3A_41 = tpu.memref_slice %arg11[%add3A_22, %dma_wait3A] : memref<10112x128xf32, #tpu.memory_space<vmem_shared>> -> memref<128x128xf32, #tpu.memory_space<vmem_shared>>
      %dma_wait3A_42 = arith.constant 0 : i32
      %dma_wait3A_43 = tpu.memref_slice %arg11[%add3A_22, %dma_wait3A_42] : memref<10112x128xf32, #tpu.memory_space<vmem_shared>> -> memref<128x128xf32, #tpu.memory_space<vmem_shared>>
      tpu.wait_dma2 semaphore(%run_scoped3A : memref<!tpu.dma_semaphore, #tpu.memory_space<semaphore_mem>>) src(%arg9 : memref<128x128xf32, #tpu.memory_space<vmem>>) dst(%dma_wait3A_43 : memref<128x128xf32, #tpu.memory_space<vmem_shared>>)
      tpu.yield
    }) : () -> ()
    %add3A_23 = arith.constant 384 : i32
    %add3A_24 = arith.addi %mul3A_8, %add3A_23 : i32
    "tpu.region"() ({
      %run_scoped3A = tpu.sem_alloc : memref<!tpu.dma_semaphore, #tpu.memory_space<semaphore_mem>>
      %dma_start3A = arith.constant 0 : i32
      %dma_start3A_38 = tpu.memref_slice %arg12[%add3A_24, %dma_start3A] : memref<10112x16xf32, #tpu.memory_space<vmem_shared>> -> memref<128x16xf32, #tpu.memory_space<vmem_shared>>
      %dma_start3A_39 = arith.constant 0 : i32
      %dma_start3A_40 = tpu.memref_slice %arg12[%add3A_24, %dma_start3A_39] : memref<10112x16xf32, #tpu.memory_space<vmem_shared>> -> memref<128x16xf32, #tpu.memory_space<vmem_shared>>
      tpu.enqueue_dma source(%arg10 : memref<128x16xf32, #tpu.memory_space<vmem>>) target(%dma_start3A_40 : memref<128x16xf32, #tpu.memory_space<vmem_shared>>) target_semaphore(%run_scoped3A : memref<!tpu.dma_semaphore, #tpu.memory_space<semaphore_mem>>)
      %dma_wait3A = arith.constant 0 : i32
      %dma_wait3A_41 = tpu.memref_slice %arg12[%add3A_24, %dma_wait3A] : memref<10112x16xf32, #tpu.memory_space<vmem_shared>> -> memref<128x16xf32, #tpu.memory_space<vmem_shared>>
      %dma_wait3A_42 = arith.constant 0 : i32
      %dma_wait3A_43 = tpu.memref_slice %arg12[%add3A_24, %dma_wait3A_42] : memref<10112x16xf32, #tpu.memory_space<vmem_shared>> -> memref<128x16xf32, #tpu.memory_space<vmem_shared>>
      tpu.wait_dma2 semaphore(%run_scoped3A : memref<!tpu.dma_semaphore, #tpu.memory_space<semaphore_mem>>) src(%arg10 : memref<128x16xf32, #tpu.memory_space<vmem>>) dst(%dma_wait3A_43 : memref<128x16xf32, #tpu.memory_space<vmem_shared>>)
      tpu.yield
    }) : () -> ()
    %add3A_25 = arith.constant 512 : i32
    %add3A_26 = arith.addi %mul3A_8, %add3A_25 : i32
    "tpu.region"() ({
      %run_scoped3A = tpu.sem_alloc : memref<!tpu.dma_semaphore, #tpu.memory_space<semaphore_mem>>
      %dma_start3A = arith.constant 0 : i32
      %dma_start3A_38 = arith.constant 0 : i32
      %dma_start3A_39 = tpu.memref_slice %arg9[%dma_start3A, %dma_start3A_38] : memref<128x128xf32, #tpu.memory_space<vmem>> -> memref<120x128xf32, #tpu.memory_space<vmem>>
      %dma_start3A_40 = arith.constant 0 : i32
      %dma_start3A_41 = tpu.memref_slice %arg11[%add3A_26, %dma_start3A_40] : memref<10112x128xf32, #tpu.memory_space<vmem_shared>> -> memref<120x128xf32, #tpu.memory_space<vmem_shared>>
      %dma_start3A_42 = arith.constant 0 : i32
      %dma_start3A_43 = tpu.memref_slice %arg11[%add3A_26, %dma_start3A_42] : memref<10112x128xf32, #tpu.memory_space<vmem_shared>> -> memref<120x128xf32, #tpu.memory_space<vmem_shared>>
      %dma_start3A_44 = arith.constant 0 : i32
      %dma_start3A_45 = arith.constant 0 : i32
      %dma_start3A_46 = tpu.memref_slice %arg9[%dma_start3A_44, %dma_start3A_45] : memref<128x128xf32, #tpu.memory_space<vmem>> -> memref<120x128xf32, #tpu.memory_space<vmem>>
      tpu.enqueue_dma source(%dma_start3A_46 : memref<120x128xf32, #tpu.memory_space<vmem>>) target(%dma_start3A_43 : memref<120x128xf32, #tpu.memory_space<vmem_shared>>) target_semaphore(%run_scoped3A : memref<!tpu.dma_semaphore, #tpu.memory_space<semaphore_mem>>)
      %dma_wait3A = arith.constant 0 : i32
      %dma_wait3A_47 = arith.constant 0 : i32
      %dma_wait3A_48 = tpu.memref_slice %arg9[%dma_wait3A, %dma_wait3A_47] : memref<128x128xf32, #tpu.memory_space<vmem>> -> memref<120x128xf32, #tpu.memory_space<vmem>>
      %dma_wait3A_49 = arith.constant 0 : i32
      %dma_wait3A_50 = tpu.memref_slice %arg11[%add3A_26, %dma_wait3A_49] : memref<10112x128xf32, #tpu.memory_space<vmem_shared>> -> memref<120x128xf32, #tpu.memory_space<vmem_shared>>
      %dma_wait3A_51 = arith.constant 0 : i32
      %dma_wait3A_52 = tpu.memref_slice %arg11[%add3A_26, %dma_wait3A_51] : memref<10112x128xf32, #tpu.memory_space<vmem_shared>> -> memref<120x128xf32, #tpu.memory_space<vmem_shared>>
      %dma_wait3A_53 = arith.constant 0 : i32
      %dma_wait3A_54 = arith.constant 0 : i32
      %dma_wait3A_55 = tpu.memref_slice %arg9[%dma_wait3A_53, %dma_wait3A_54] : memref<128x128xf32, #tpu.memory_space<vmem>> -> memref<120x128xf32, #tpu.memory_space<vmem>>
      tpu.wait_dma2 semaphore(%run_scoped3A : memref<!tpu.dma_semaphore, #tpu.memory_space<semaphore_mem>>) src(%dma_wait3A_55 : memref<120x128xf32, #tpu.memory_space<vmem>>) dst(%dma_wait3A_52 : memref<120x128xf32, #tpu.memory_space<vmem_shared>>)
      tpu.yield
    }) : () -> ()
    %add3A_27 = arith.constant 512 : i32
    %add3A_28 = arith.addi %mul3A_8, %add3A_27 : i32
    "tpu.region"() ({
      %run_scoped3A = tpu.sem_alloc : memref<!tpu.dma_semaphore, #tpu.memory_space<semaphore_mem>>
      %dma_start3A = arith.constant 0 : i32
      %dma_start3A_38 = arith.constant 0 : i32
      %dma_start3A_39 = tpu.memref_slice %arg10[%dma_start3A, %dma_start3A_38] : memref<128x16xf32, #tpu.memory_space<vmem>> -> memref<120x16xf32, #tpu.memory_space<vmem>>
      %dma_start3A_40 = arith.constant 0 : i32
      %dma_start3A_41 = tpu.memref_slice %arg12[%add3A_28, %dma_start3A_40] : memref<10112x16xf32, #tpu.memory_space<vmem_shared>> -> memref<120x16xf32, #tpu.memory_space<vmem_shared>>
      %dma_start3A_42 = arith.constant 0 : i32
      %dma_start3A_43 = tpu.memref_slice %arg12[%add3A_28, %dma_start3A_42] : memref<10112x16xf32, #tpu.memory_space<vmem_shared>> -> memref<120x16xf32, #tpu.memory_space<vmem_shared>>
      %dma_start3A_44 = arith.constant 0 : i32
      %dma_start3A_45 = arith.constant 0 : i32
      %dma_start3A_46 = tpu.memref_slice %arg10[%dma_start3A_44, %dma_start3A_45] : memref<128x16xf32, #tpu.memory_space<vmem>> -> memref<120x16xf32, #tpu.memory_space<vmem>>
      tpu.enqueue_dma source(%dma_start3A_46 : memref<120x16xf32, #tpu.memory_space<vmem>>) target(%dma_start3A_43 : memref<120x16xf32, #tpu.memory_space<vmem_shared>>) target_semaphore(%run_scoped3A : memref<!tpu.dma_semaphore, #tpu.memory_space<semaphore_mem>>)
      %dma_wait3A = arith.constant 0 : i32
      %dma_wait3A_47 = arith.constant 0 : i32
      %dma_wait3A_48 = tpu.memref_slice %arg10[%dma_wait3A, %dma_wait3A_47] : memref<128x16xf32, #tpu.memory_space<vmem>> -> memref<120x16xf32, #tpu.memory_space<vmem>>
      %dma_wait3A_49 = arith.constant 0 : i32
      %dma_wait3A_50 = tpu.memref_slice %arg12[%add3A_28, %dma_wait3A_49] : memref<10112x16xf32, #tpu.memory_space<vmem_shared>> -> memref<120x16xf32, #tpu.memory_space<vmem_shared>>
      %dma_wait3A_51 = arith.constant 0 : i32
      %dma_wait3A_52 = tpu.memref_slice %arg12[%add3A_28, %dma_wait3A_51] : memref<10112x16xf32, #tpu.memory_space<vmem_shared>> -> memref<120x16xf32, #tpu.memory_space<vmem_shared>>
      %dma_wait3A_53 = arith.constant 0 : i32
      %dma_wait3A_54 = arith.constant 0 : i32
      %dma_wait3A_55 = tpu.memref_slice %arg10[%dma_wait3A_53, %dma_wait3A_54] : memref<128x16xf32, #tpu.memory_space<vmem>> -> memref<120x16xf32, #tpu.memory_space<vmem>>
      tpu.wait_dma2 semaphore(%run_scoped3A : memref<!tpu.dma_semaphore, #tpu.memory_space<semaphore_mem>>) src(%dma_wait3A_55 : memref<120x16xf32, #tpu.memory_space<vmem>>) dst(%dma_wait3A_52 : memref<120x16xf32, #tpu.memory_space<vmem_shared>>)
      tpu.yield
    }) : () -> ()
    %barrier3A = arith.constant 0 : index
    tpu.barrier barrier_id(%barrier3A)
    %iota3A = tpu.iota {dimensions = array<i32: 0>} : vector<16xi32>
    %broadcast_in_dim3A_29 = arith.constant 0 : i32
    %broadcast_in_dim3A_30 = vector.broadcast %broadcast_in_dim3A_29 : i32 to vector<16xi32>
    %scan3A_31 = arith.constant 0 : i32
    %scan3A_32 = arith.constant 0 : i32
    %scan3A_33 = arith.constant 79 : i32
    %scan3A_34 = arith.addi %scan3A_32, %scan3A_33 : i32
    %scan3A_35 = arith.constant 1 : i32
    scf.for %scan3A_38 = %scan3A_32 to %scan3A_34 step %scan3A_35  : i32 {
      "tpu.region"() ({
        %run_scoped3A_333 = tpu.sem_alloc : memref<!tpu.dma_semaphore, #tpu.memory_space<semaphore_mem>>
        %dma_start3A_334 = arith.constant 0 : i32
        %dma_start3A_335 = arith.constant 0 : i32
        %dma_start3A_336 = tpu.memref_slice %arg4[%add3A, %scan3A_38, %dma_start3A_334, %dma_start3A_335] : memref<32x79x2x128xi32, #tpu.memory_space<hbm>> -> memref<1x1x2x128xi32, #tpu.memory_space<hbm>>
        %dma_start3A_337 = tpu.memref_squeeze %dma_start3A_336 : memref<1x1x2x128xi32, #tpu.memory_space<hbm>> -> memref<2x128xi32, #tpu.memory_space<hbm>>
        %dma_start3A_338 = arith.constant 0 : i32
        %dma_start3A_339 = arith.constant 0 : i32
        %dma_start3A_340 = tpu.memref_slice %arg4[%add3A, %scan3A_38, %dma_start3A_338, %dma_start3A_339] : memref<32x79x2x128xi32, #tpu.memory_space<hbm>> -> memref<1x1x2x128xi32, #tpu.memory_space<hbm>>
        %dma_start3A_341 = tpu.memref_squeeze %dma_start3A_340 : memref<1x1x2x128xi32, #tpu.memory_space<hbm>> -> memref<2x128xi32, #tpu.memory_space<hbm>>
        tpu.enqueue_dma source(%dma_start3A_341 : memref<2x128xi32, #tpu.memory_space<hbm>>) target(%arg7 : memref<2x128xi32, #tpu.memory_space<vmem>>) target_semaphore(%run_scoped3A_333 : memref<!tpu.dma_semaphore, #tpu.memory_space<semaphore_mem>>)
        %dma_wait3A_342 = arith.constant 0 : i32
        %dma_wait3A_343 = arith.constant 0 : i32
        %dma_wait3A_344 = tpu.memref_slice %arg4[%add3A, %scan3A_38, %dma_wait3A_342, %dma_wait3A_343] : memref<32x79x2x128xi32, #tpu.memory_space<hbm>> -> memref<1x1x2x128xi32, #tpu.memory_space<hbm>>
        %dma_wait3A_345 = tpu.memref_squeeze %dma_wait3A_344 : memref<1x1x2x128xi32, #tpu.memory_space<hbm>> -> memref<2x128xi32, #tpu.memory_space<hbm>>
        %dma_wait3A_346 = arith.constant 0 : i32
        %dma_wait3A_347 = arith.constant 0 : i32
        %dma_wait3A_348 = tpu.memref_slice %arg4[%add3A, %scan3A_38, %dma_wait3A_346, %dma_wait3A_347] : memref<32x79x2x128xi32, #tpu.memory_space<hbm>> -> memref<1x1x2x128xi32, #tpu.memory_space<hbm>>
        %dma_wait3A_349 = tpu.memref_squeeze %dma_wait3A_348 : memref<1x1x2x128xi32, #tpu.memory_space<hbm>> -> memref<2x128xi32, #tpu.memory_space<hbm>>
        tpu.wait_dma2 semaphore(%run_scoped3A_333 : memref<!tpu.dma_semaphore, #tpu.memory_space<semaphore_mem>>) src(%dma_wait3A_349 : memref<2x128xi32, #tpu.memory_space<hbm>>) dst(%arg7 : memref<2x128xi32, #tpu.memory_space<vmem>>)
        tpu.yield
      }) : () -> ()
      %dma_start3A = arith.constant 0 : i32
      %dma_start3A_39 = arith.constant 0 : i32
      %dma_start3A_40 = tpu.memref_slice %arg7[%dma_start3A, %dma_start3A_39] : memref<2x128xi32, #tpu.memory_space<vmem>> -> memref<1x128xi32, #tpu.memory_space<vmem>>
      %dma_start3A_41 = tpu.memref_squeeze %dma_start3A_40 : memref<1x128xi32, #tpu.memory_space<vmem>> -> memref<128xi32, #tpu.memory_space<vmem>>
      %dma_start3A_42 = arith.constant 0 : i32
      %dma_start3A_43 = arith.constant 0 : i32
      %dma_start3A_44 = tpu.memref_slice %arg2[%dma_start3A_42, %dma_start3A_43] : memref<10000x128xf32, #tpu.memory_space<hbm>> -> memref<10000x128xf32, #tpu.memory_space<hbm>>
      tpu.enqueue_indirect_dma source(%dma_start3A_44 : memref<10000x128xf32, #tpu.memory_space<hbm>>) target(%arg9 : memref<128x128xf32, #tpu.memory_space<vmem>>) offsets(%dma_start3A_41 : memref<128xi32, #tpu.memory_space<vmem>>) semaphore(%arg13 : memref<!tpu.dma_semaphore, #tpu.memory_space<semaphore_mem>>)
      %get3A = arith.constant 0 : i32
      %get3A_45 = arith.constant 0 : i32
      %get3A_46 = tpu.memref_slice %arg7[%get3A, %get3A_45] : memref<2x128xi32, #tpu.memory_space<vmem>> -> memref<1x128xi32, #tpu.memory_space<vmem>>
      %get3A_47 = tpu.memref_squeeze %get3A_46 : memref<1x128xi32, #tpu.memory_space<vmem>> -> memref<128xi32, #tpu.memory_space<vmem>>
      %get3A_48 = arith.constant 0 : index
      %get3A_49 = tpu.vector_load %get3A_47[%get3A_48] {strides = array<i32>} : memref<128xi32, #tpu.memory_space<vmem>>, vector<16xi32>,
      %get3A_50 = arith.constant 1 : i32
      %get3A_51 = arith.constant 0 : i32
      %get3A_52 = tpu.memref_slice %arg7[%get3A_50, %get3A_51] : memref<2x128xi32, #tpu.memory_space<vmem>> -> memref<1x128xi32, #tpu.memory_space<vmem>>
      %get3A_53 = tpu.memref_squeeze %get3A_52 : memref<1x128xi32, #tpu.memory_space<vmem>> -> memref<128xi32, #tpu.memory_space<vmem>>
      %get3A_54 = arith.constant 0 : index
      %get3A_55 = tpu.vector_load %get3A_53[%get3A_54] {strides = array<i32>} : memref<128xi32, #tpu.memory_space<vmem>>, vector<16xi32>,
      %mul3A_56 = arith.constant 2 : i32
      %mul3A_57 = vector.broadcast %mul3A_56 : i32 to vector<16xi32>
      %mul3A_58 = arith.muli %get3A_49, %mul3A_57 : vector<16xi32>
      %gather3A = tpu.vector_load_idx %arg8[%mul3A_58] : memref<20224xf32, #tpu.memory_space<vmem>>[vector<16xi32>], vector<16xf32>,
      %mul3A_59 = arith.constant 2 : i32
      %mul3A_60 = vector.broadcast %mul3A_59 : i32 to vector<16xi32>
      %mul3A_61 = arith.muli %get3A_55, %mul3A_60 : vector<16xi32>
      %add3A_62 = arith.constant 1 : i32
      %add3A_63 = vector.broadcast %add3A_62 : i32 to vector<16xi32>
      %add3A_64 = arith.addi %mul3A_61, %add3A_63 : vector<16xi32>
      %gather3A_65 = tpu.vector_load_idx %arg8[%add3A_64] : memref<20224xf32, #tpu.memory_space<vmem>>[vector<16xi32>], vector<16xf32>,
      %add3A_66 = arith.addf %gather3A, %gather3A_65 : vector<16xf32>
      %gt3A = arith.constant 0.000000e+00 : f32
      %gt3A_67 = vector.broadcast %gt3A : f32 to vector<16xf32>
      %gt3A_68 = arith.cmpf ogt, %add3A_66, %gt3A_67 : vector<16xf32>
      %mul3A_69 = arith.constant 2.000000e-01 : f32
      %mul3A_70 = vector.broadcast %mul3A_69 : f32 to vector<16xf32>
      %mul3A_71 = arith.mulf %mul3A_70, %add3A_66 : vector<16xf32>
      %select_n3A = arith.select %gt3A_68, %add3A_66, %mul3A_71 : vector<16xi1>, vector<16xf32>
      %add3A_72 = arith.constant 0 : i32
      %add3A_73 = vector.broadcast %add3A_72 : i32 to vector<16xi32>
      %add3A_74 = arith.addi %iota3A, %add3A_73 : vector<16xi32>
      %exp3A = math.exp %select_n3A : vector<16xf32>
      tpu.vector_store_idx %arg10[%add3A_74, %broadcast_in_dim3A_30], %exp3A : memref<128x16xf32, #tpu.memory_space<vmem>>[vector<16xi32>, vector<16xi32>], vector<16xf32>,
      %get3A_75 = arith.constant 0 : i32
      %get3A_76 = arith.constant 0 : i32
      %get3A_77 = tpu.memref_slice %arg7[%get3A_75, %get3A_76] : memref<2x128xi32, #tpu.memory_space<vmem>> -> memref<1x128xi32, #tpu.memory_space<vmem>>
      %get3A_78 = tpu.memref_squeeze %get3A_77 : memref<1x128xi32, #tpu.memory_space<vmem>> -> memref<128xi32, #tpu.memory_space<vmem>>
      %get3A_79 = arith.constant 16 : index
      %get3A_80 = tpu.vector_load %get3A_78[%get3A_79] {strides = array<i32>} : memref<128xi32, #tpu.memory_space<vmem>>, vector<16xi32>,
      %get3A_81 = arith.constant 1 : i32
      %get3A_82 = arith.constant 0 : i32
      %get3A_83 = tpu.memref_slice %arg7[%get3A_81, %get3A_82] : memref<2x128xi32, #tpu.memory_space<vmem>> -> memref<1x128xi32, #tpu.memory_space<vmem>>
      %get3A_84 = tpu.memref_squeeze %get3A_83 : memref<1x128xi32, #tpu.memory_space<vmem>> -> memref<128xi32, #tpu.memory_space<vmem>>
      %get3A_85 = arith.constant 16 : index
      %get3A_86 = tpu.vector_load %get3A_84[%get3A_85] {strides = array<i32>} : memref<128xi32, #tpu.memory_space<vmem>>, vector<16xi32>,
      %mul3A_87 = arith.constant 2 : i32
      %mul3A_88 = vector.broadcast %mul3A_87 : i32 to vector<16xi32>
      %mul3A_89 = arith.muli %get3A_80, %mul3A_88 : vector<16xi32>
      %gather3A_90 = tpu.vector_load_idx %arg8[%mul3A_89] : memref<20224xf32, #tpu.memory_space<vmem>>[vector<16xi32>], vector<16xf32>,
      %mul3A_91 = arith.constant 2 : i32
      %mul3A_92 = vector.broadcast %mul3A_91 : i32 to vector<16xi32>
      %mul3A_93 = arith.muli %get3A_86, %mul3A_92 : vector<16xi32>
      %add3A_94 = arith.constant 1 : i32
      %add3A_95 = vector.broadcast %add3A_94 : i32 to vector<16xi32>
      %add3A_96 = arith.addi %mul3A_93, %add3A_95 : vector<16xi32>
      %gather3A_97 = tpu.vector_load_idx %arg8[%add3A_96] : memref<20224xf32, #tpu.memory_space<vmem>>[vector<16xi32>], vector<16xf32>,
      %add3A_98 = arith.addf %gather3A_90, %gather3A_97 : vector<16xf32>
      %gt3A_99 = arith.constant 0.000000e+00 : f32
      %gt3A_100 = vector.broadcast %gt3A_99 : f32 to vector<16xf32>
      %gt3A_101 = arith.cmpf ogt, %add3A_98, %gt3A_100 : vector<16xf32>
      %mul3A_102 = arith.constant 2.000000e-01 : f32
      %mul3A_103 = vector.broadcast %mul3A_102 : f32 to vector<16xf32>
      %mul3A_104 = arith.mulf %mul3A_103, %add3A_98 : vector<16xf32>
      %select_n3A_105 = arith.select %gt3A_101, %add3A_98, %mul3A_104 : vector<16xi1>, vector<16xf32>
      %add3A_106 = arith.constant 16 : i32
      %add3A_107 = vector.broadcast %add3A_106 : i32 to vector<16xi32>
      %add3A_108 = arith.addi %iota3A, %add3A_107 : vector<16xi32>
      %exp3A_109 = math.exp %select_n3A_105 : vector<16xf32>
      tpu.vector_store_idx %arg10[%add3A_108, %broadcast_in_dim3A_30], %exp3A_109 : memref<128x16xf32, #tpu.memory_space<vmem>>[vector<16xi32>, vector<16xi32>], vector<16xf32>,
      %get3A_110 = arith.constant 0 : i32
      %get3A_111 = arith.constant 0 : i32
      %get3A_112 = tpu.memref_slice %arg7[%get3A_110, %get3A_111] : memref<2x128xi32, #tpu.memory_space<vmem>> -> memref<1x128xi32, #tpu.memory_space<vmem>>
      %get3A_113 = tpu.memref_squeeze %get3A_112 : memref<1x128xi32, #tpu.memory_space<vmem>> -> memref<128xi32, #tpu.memory_space<vmem>>
      %get3A_114 = arith.constant 32 : index
      %get3A_115 = tpu.vector_load %get3A_113[%get3A_114] {strides = array<i32>} : memref<128xi32, #tpu.memory_space<vmem>>, vector<16xi32>,
      %get3A_116 = arith.constant 1 : i32
      %get3A_117 = arith.constant 0 : i32
      %get3A_118 = tpu.memref_slice %arg7[%get3A_116, %get3A_117] : memref<2x128xi32, #tpu.memory_space<vmem>> -> memref<1x128xi32, #tpu.memory_space<vmem>>
      %get3A_119 = tpu.memref_squeeze %get3A_118 : memref<1x128xi32, #tpu.memory_space<vmem>> -> memref<128xi32, #tpu.memory_space<vmem>>
      %get3A_120 = arith.constant 32 : index
      %get3A_121 = tpu.vector_load %get3A_119[%get3A_120] {strides = array<i32>} : memref<128xi32, #tpu.memory_space<vmem>>, vector<16xi32>,
      %mul3A_122 = arith.constant 2 : i32
      %mul3A_123 = vector.broadcast %mul3A_122 : i32 to vector<16xi32>
      %mul3A_124 = arith.muli %get3A_115, %mul3A_123 : vector<16xi32>
      %gather3A_125 = tpu.vector_load_idx %arg8[%mul3A_124] : memref<20224xf32, #tpu.memory_space<vmem>>[vector<16xi32>], vector<16xf32>,
      %mul3A_126 = arith.constant 2 : i32
      %mul3A_127 = vector.broadcast %mul3A_126 : i32 to vector<16xi32>
      %mul3A_128 = arith.muli %get3A_121, %mul3A_127 : vector<16xi32>
      %add3A_129 = arith.constant 1 : i32
      %add3A_130 = vector.broadcast %add3A_129 : i32 to vector<16xi32>
      %add3A_131 = arith.addi %mul3A_128, %add3A_130 : vector<16xi32>
      %gather3A_132 = tpu.vector_load_idx %arg8[%add3A_131] : memref<20224xf32, #tpu.memory_space<vmem>>[vector<16xi32>], vector<16xf32>,
      %add3A_133 = arith.addf %gather3A_125, %gather3A_132 : vector<16xf32>
      %gt3A_134 = arith.constant 0.000000e+00 : f32
      %gt3A_135 = vector.broadcast %gt3A_134 : f32 to vector<16xf32>
      %gt3A_136 = arith.cmpf ogt, %add3A_133, %gt3A_135 : vector<16xf32>
      %mul3A_137 = arith.constant 2.000000e-01 : f32
      %mul3A_138 = vector.broadcast %mul3A_137 : f32 to vector<16xf32>
      %mul3A_139 = arith.mulf %mul3A_138, %add3A_133 : vector<16xf32>
      %select_n3A_140 = arith.select %gt3A_136, %add3A_133, %mul3A_139 : vector<16xi1>, vector<16xf32>
      %add3A_141 = arith.constant 32 : i32
      %add3A_142 = vector.broadcast %add3A_141 : i32 to vector<16xi32>
      %add3A_143 = arith.addi %iota3A, %add3A_142 : vector<16xi32>
      %exp3A_144 = math.exp %select_n3A_140 : vector<16xf32>
      tpu.vector_store_idx %arg10[%add3A_143, %broadcast_in_dim3A_30], %exp3A_144 : memref<128x16xf32, #tpu.memory_space<vmem>>[vector<16xi32>, vector<16xi32>], vector<16xf32>,
      %get3A_145 = arith.constant 0 : i32
      %get3A_146 = arith.constant 0 : i32
      %get3A_147 = tpu.memref_slice %arg7[%get3A_145, %get3A_146] : memref<2x128xi32, #tpu.memory_space<vmem>> -> memref<1x128xi32, #tpu.memory_space<vmem>>
      %get3A_148 = tpu.memref_squeeze %get3A_147 : memref<1x128xi32, #tpu.memory_space<vmem>> -> memref<128xi32, #tpu.memory_space<vmem>>
      %get3A_149 = arith.constant 48 : index
      %get3A_150 = tpu.vector_load %get3A_148[%get3A_149] {strides = array<i32>} : memref<128xi32, #tpu.memory_space<vmem>>, vector<16xi32>,
      %get3A_151 = arith.constant 1 : i32
      %get3A_152 = arith.constant 0 : i32
      %get3A_153 = tpu.memref_slice %arg7[%get3A_151, %get3A_152] : memref<2x128xi32, #tpu.memory_space<vmem>> -> memref<1x128xi32, #tpu.memory_space<vmem>>
      %get3A_154 = tpu.memref_squeeze %get3A_153 : memref<1x128xi32, #tpu.memory_space<vmem>> -> memref<128xi32, #tpu.memory_space<vmem>>
      %get3A_155 = arith.constant 48 : index
      %get3A_156 = tpu.vector_load %get3A_154[%get3A_155] {strides = array<i32>} : memref<128xi32, #tpu.memory_space<vmem>>, vector<16xi32>,
      %mul3A_157 = arith.constant 2 : i32
      %mul3A_158 = vector.broadcast %mul3A_157 : i32 to vector<16xi32>
      %mul3A_159 = arith.muli %get3A_150, %mul3A_158 : vector<16xi32>
      %gather3A_160 = tpu.vector_load_idx %arg8[%mul3A_159] : memref<20224xf32, #tpu.memory_space<vmem>>[vector<16xi32>], vector<16xf32>,
      %mul3A_161 = arith.constant 2 : i32
      %mul3A_162 = vector.broadcast %mul3A_161 : i32 to vector<16xi32>
      %mul3A_163 = arith.muli %get3A_156, %mul3A_162 : vector<16xi32>
      %add3A_164 = arith.constant 1 : i32
      %add3A_165 = vector.broadcast %add3A_164 : i32 to vector<16xi32>
      %add3A_166 = arith.addi %mul3A_163, %add3A_165 : vector<16xi32>
      %gather3A_167 = tpu.vector_load_idx %arg8[%add3A_166] : memref<20224xf32, #tpu.memory_space<vmem>>[vector<16xi32>], vector<16xf32>,
      %add3A_168 = arith.addf %gather3A_160, %gather3A_167 : vector<16xf32>
      %gt3A_169 = arith.constant 0.000000e+00 : f32
      %gt3A_170 = vector.broadcast %gt3A_169 : f32 to vector<16xf32>
      %gt3A_171 = arith.cmpf ogt, %add3A_168, %gt3A_170 : vector<16xf32>
      %mul3A_172 = arith.constant 2.000000e-01 : f32
      %mul3A_173 = vector.broadcast %mul3A_172 : f32 to vector<16xf32>
      %mul3A_174 = arith.mulf %mul3A_173, %add3A_168 : vector<16xf32>
      %select_n3A_175 = arith.select %gt3A_171, %add3A_168, %mul3A_174 : vector<16xi1>, vector<16xf32>
      %add3A_176 = arith.constant 48 : i32
      %add3A_177 = vector.broadcast %add3A_176 : i32 to vector<16xi32>
      %add3A_178 = arith.addi %iota3A, %add3A_177 : vector<16xi32>
      %exp3A_179 = math.exp %select_n3A_175 : vector<16xf32>
      tpu.vector_store_idx %arg10[%add3A_178, %broadcast_in_dim3A_30], %exp3A_179 : memref<128x16xf32, #tpu.memory_space<vmem>>[vector<16xi32>, vector<16xi32>], vector<16xf32>,
      %get3A_180 = arith.constant 0 : i32
      %get3A_181 = arith.constant 0 : i32
      %get3A_182 = tpu.memref_slice %arg7[%get3A_180, %get3A_181] : memref<2x128xi32, #tpu.memory_space<vmem>> -> memref<1x128xi32, #tpu.memory_space<vmem>>
      %get3A_183 = tpu.memref_squeeze %get3A_182 : memref<1x128xi32, #tpu.memory_space<vmem>> -> memref<128xi32, #tpu.memory_space<vmem>>
      %get3A_184 = arith.constant 64 : index
      %get3A_185 = tpu.vector_load %get3A_183[%get3A_184] {strides = array<i32>} : memref<128xi32, #tpu.memory_space<vmem>>, vector<16xi32>,
      %get3A_186 = arith.constant 1 : i32
      %get3A_187 = arith.constant 0 : i32
      %get3A_188 = tpu.memref_slice %arg7[%get3A_186, %get3A_187] : memref<2x128xi32, #tpu.memory_space<vmem>> -> memref<1x128xi32, #tpu.memory_space<vmem>>
      %get3A_189 = tpu.memref_squeeze %get3A_188 : memref<1x128xi32, #tpu.memory_space<vmem>> -> memref<128xi32, #tpu.memory_space<vmem>>
      %get3A_190 = arith.constant 64 : index
      %get3A_191 = tpu.vector_load %get3A_189[%get3A_190] {strides = array<i32>} : memref<128xi32, #tpu.memory_space<vmem>>, vector<16xi32>,
      %mul3A_192 = arith.constant 2 : i32
      %mul3A_193 = vector.broadcast %mul3A_192 : i32 to vector<16xi32>
      %mul3A_194 = arith.muli %get3A_185, %mul3A_193 : vector<16xi32>
      %gather3A_195 = tpu.vector_load_idx %arg8[%mul3A_194] : memref<20224xf32, #tpu.memory_space<vmem>>[vector<16xi32>], vector<16xf32>,
      %mul3A_196 = arith.constant 2 : i32
      %mul3A_197 = vector.broadcast %mul3A_196 : i32 to vector<16xi32>
      %mul3A_198 = arith.muli %get3A_191, %mul3A_197 : vector<16xi32>
      %add3A_199 = arith.constant 1 : i32
      %add3A_200 = vector.broadcast %add3A_199 : i32 to vector<16xi32>
      %add3A_201 = arith.addi %mul3A_198, %add3A_200 : vector<16xi32>
      %gather3A_202 = tpu.vector_load_idx %arg8[%add3A_201] : memref<20224xf32, #tpu.memory_space<vmem>>[vector<16xi32>], vector<16xf32>,
      %add3A_203 = arith.addf %gather3A_195, %gather3A_202 : vector<16xf32>
      %gt3A_204 = arith.constant 0.000000e+00 : f32
      %gt3A_205 = vector.broadcast %gt3A_204 : f32 to vector<16xf32>
      %gt3A_206 = arith.cmpf ogt, %add3A_203, %gt3A_205 : vector<16xf32>
      %mul3A_207 = arith.constant 2.000000e-01 : f32
      %mul3A_208 = vector.broadcast %mul3A_207 : f32 to vector<16xf32>
      %mul3A_209 = arith.mulf %mul3A_208, %add3A_203 : vector<16xf32>
      %select_n3A_210 = arith.select %gt3A_206, %add3A_203, %mul3A_209 : vector<16xi1>, vector<16xf32>
      %add3A_211 = arith.constant 64 : i32
      %add3A_212 = vector.broadcast %add3A_211 : i32 to vector<16xi32>
      %add3A_213 = arith.addi %iota3A, %add3A_212 : vector<16xi32>
      %exp3A_214 = math.exp %select_n3A_210 : vector<16xf32>
      tpu.vector_store_idx %arg10[%add3A_213, %broadcast_in_dim3A_30], %exp3A_214 : memref<128x16xf32, #tpu.memory_space<vmem>>[vector<16xi32>, vector<16xi32>], vector<16xf32>,
      %get3A_215 = arith.constant 0 : i32
      %get3A_216 = arith.constant 0 : i32
      %get3A_217 = tpu.memref_slice %arg7[%get3A_215, %get3A_216] : memref<2x128xi32, #tpu.memory_space<vmem>> -> memref<1x128xi32, #tpu.memory_space<vmem>>
      %get3A_218 = tpu.memref_squeeze %get3A_217 : memref<1x128xi32, #tpu.memory_space<vmem>> -> memref<128xi32, #tpu.memory_space<vmem>>
      %get3A_219 = arith.constant 80 : index
      %get3A_220 = tpu.vector_load %get3A_218[%get3A_219] {strides = array<i32>} : memref<128xi32, #tpu.memory_space<vmem>>, vector<16xi32>,
      %get3A_221 = arith.constant 1 : i32
      %get3A_222 = arith.constant 0 : i32
      %get3A_223 = tpu.memref_slice %arg7[%get3A_221, %get3A_222] : memref<2x128xi32, #tpu.memory_space<vmem>> -> memref<1x128xi32, #tpu.memory_space<vmem>>
      %get3A_224 = tpu.memref_squeeze %get3A_223 : memref<1x128xi32, #tpu.memory_space<vmem>> -> memref<128xi32, #tpu.memory_space<vmem>>
      %get3A_225 = arith.constant 80 : index
      %get3A_226 = tpu.vector_load %get3A_224[%get3A_225] {strides = array<i32>} : memref<128xi32, #tpu.memory_space<vmem>>, vector<16xi32>,
      %mul3A_227 = arith.constant 2 : i32
      %mul3A_228 = vector.broadcast %mul3A_227 : i32 to vector<16xi32>
      %mul3A_229 = arith.muli %get3A_220, %mul3A_228 : vector<16xi32>
      %gather3A_230 = tpu.vector_load_idx %arg8[%mul3A_229] : memref<20224xf32, #tpu.memory_space<vmem>>[vector<16xi32>], vector<16xf32>,
      %mul3A_231 = arith.constant 2 : i32
      %mul3A_232 = vector.broadcast %mul3A_231 : i32 to vector<16xi32>
      %mul3A_233 = arith.muli %get3A_226, %mul3A_232 : vector<16xi32>
      %add3A_234 = arith.constant 1 : i32
      %add3A_235 = vector.broadcast %add3A_234 : i32 to vector<16xi32>
      %add3A_236 = arith.addi %mul3A_233, %add3A_235 : vector<16xi32>
      %gather3A_237 = tpu.vector_load_idx %arg8[%add3A_236] : memref<20224xf32, #tpu.memory_space<vmem>>[vector<16xi32>], vector<16xf32>,
      %add3A_238 = arith.addf %gather3A_230, %gather3A_237 : vector<16xf32>
      %gt3A_239 = arith.constant 0.000000e+00 : f32
      %gt3A_240 = vector.broadcast %gt3A_239 : f32 to vector<16xf32>
      %gt3A_241 = arith.cmpf ogt, %add3A_238, %gt3A_240 : vector<16xf32>
      %mul3A_242 = arith.constant 2.000000e-01 : f32
      %mul3A_243 = vector.broadcast %mul3A_242 : f32 to vector<16xf32>
      %mul3A_244 = arith.mulf %mul3A_243, %add3A_238 : vector<16xf32>
      %select_n3A_245 = arith.select %gt3A_241, %add3A_238, %mul3A_244 : vector<16xi1>, vector<16xf32>
      %add3A_246 = arith.constant 80 : i32
      %add3A_247 = vector.broadcast %add3A_246 : i32 to vector<16xi32>
      %add3A_248 = arith.addi %iota3A, %add3A_247 : vector<16xi32>
      %exp3A_249 = math.exp %select_n3A_245 : vector<16xf32>
      tpu.vector_store_idx %arg10[%add3A_248, %broadcast_in_dim3A_30], %exp3A_249 : memref<128x16xf32, #tpu.memory_space<vmem>>[vector<16xi32>, vector<16xi32>], vector<16xf32>,
      %get3A_250 = arith.constant 0 : i32
      %get3A_251 = arith.constant 0 : i32
      %get3A_252 = tpu.memref_slice %arg7[%get3A_250, %get3A_251] : memref<2x128xi32, #tpu.memory_space<vmem>> -> memref<1x128xi32, #tpu.memory_space<vmem>>
      %get3A_253 = tpu.memref_squeeze %get3A_252 : memref<1x128xi32, #tpu.memory_space<vmem>> -> memref<128xi32, #tpu.memory_space<vmem>>
      %get3A_254 = arith.constant 96 : index
      %get3A_255 = tpu.vector_load %get3A_253[%get3A_254] {strides = array<i32>} : memref<128xi32, #tpu.memory_space<vmem>>, vector<16xi32>,
      %get3A_256 = arith.constant 1 : i32
      %get3A_257 = arith.constant 0 : i32
      %get3A_258 = tpu.memref_slice %arg7[%get3A_256, %get3A_257] : memref<2x128xi32, #tpu.memory_space<vmem>> -> memref<1x128xi32, #tpu.memory_space<vmem>>
      %get3A_259 = tpu.memref_squeeze %get3A_258 : memref<1x128xi32, #tpu.memory_space<vmem>> -> memref<128xi32, #tpu.memory_space<vmem>>
      %get3A_260 = arith.constant 96 : index
      %get3A_261 = tpu.vector_load %get3A_259[%get3A_260] {strides = array<i32>} : memref<128xi32, #tpu.memory_space<vmem>>, vector<16xi32>,
      %mul3A_262 = arith.constant 2 : i32
      %mul3A_263 = vector.broadcast %mul3A_262 : i32 to vector<16xi32>
      %mul3A_264 = arith.muli %get3A_255, %mul3A_263 : vector<16xi32>
      %gather3A_265 = tpu.vector_load_idx %arg8[%mul3A_264] : memref<20224xf32, #tpu.memory_space<vmem>>[vector<16xi32>], vector<16xf32>,
      %mul3A_266 = arith.constant 2 : i32
      %mul3A_267 = vector.broadcast %mul3A_266 : i32 to vector<16xi32>
      %mul3A_268 = arith.muli %get3A_261, %mul3A_267 : vector<16xi32>
      %add3A_269 = arith.constant 1 : i32
      %add3A_270 = vector.broadcast %add3A_269 : i32 to vector<16xi32>
      %add3A_271 = arith.addi %mul3A_268, %add3A_270 : vector<16xi32>
      %gather3A_272 = tpu.vector_load_idx %arg8[%add3A_271] : memref<20224xf32, #tpu.memory_space<vmem>>[vector<16xi32>], vector<16xf32>,
      %add3A_273 = arith.addf %gather3A_265, %gather3A_272 : vector<16xf32>
      %gt3A_274 = arith.constant 0.000000e+00 : f32
      %gt3A_275 = vector.broadcast %gt3A_274 : f32 to vector<16xf32>
      %gt3A_276 = arith.cmpf ogt, %add3A_273, %gt3A_275 : vector<16xf32>
      %mul3A_277 = arith.constant 2.000000e-01 : f32
      %mul3A_278 = vector.broadcast %mul3A_277 : f32 to vector<16xf32>
      %mul3A_279 = arith.mulf %mul3A_278, %add3A_273 : vector<16xf32>
      %select_n3A_280 = arith.select %gt3A_276, %add3A_273, %mul3A_279 : vector<16xi1>, vector<16xf32>
      %add3A_281 = arith.constant 96 : i32
      %add3A_282 = vector.broadcast %add3A_281 : i32 to vector<16xi32>
      %add3A_283 = arith.addi %iota3A, %add3A_282 : vector<16xi32>
      %exp3A_284 = math.exp %select_n3A_280 : vector<16xf32>
      tpu.vector_store_idx %arg10[%add3A_283, %broadcast_in_dim3A_30], %exp3A_284 : memref<128x16xf32, #tpu.memory_space<vmem>>[vector<16xi32>, vector<16xi32>], vector<16xf32>,
      %get3A_285 = arith.constant 0 : i32
      %get3A_286 = arith.constant 0 : i32
      %get3A_287 = tpu.memref_slice %arg7[%get3A_285, %get3A_286] : memref<2x128xi32, #tpu.memory_space<vmem>> -> memref<1x128xi32, #tpu.memory_space<vmem>>
      %get3A_288 = tpu.memref_squeeze %get3A_287 : memref<1x128xi32, #tpu.memory_space<vmem>> -> memref<128xi32, #tpu.memory_space<vmem>>
      %get3A_289 = arith.constant 112 : index
      %get3A_290 = tpu.vector_load %get3A_288[%get3A_289] {strides = array<i32>} : memref<128xi32, #tpu.memory_space<vmem>>, vector<16xi32>,
      %get3A_291 = arith.constant 1 : i32
      %get3A_292 = arith.constant 0 : i32
      %get3A_293 = tpu.memref_slice %arg7[%get3A_291, %get3A_292] : memref<2x128xi32, #tpu.memory_space<vmem>> -> memref<1x128xi32, #tpu.memory_space<vmem>>
      %get3A_294 = tpu.memref_squeeze %get3A_293 : memref<1x128xi32, #tpu.memory_space<vmem>> -> memref<128xi32, #tpu.memory_space<vmem>>
      %get3A_295 = arith.constant 112 : index
      %get3A_296 = tpu.vector_load %get3A_294[%get3A_295] {strides = array<i32>} : memref<128xi32, #tpu.memory_space<vmem>>, vector<16xi32>,
      %mul3A_297 = arith.constant 2 : i32
      %mul3A_298 = vector.broadcast %mul3A_297 : i32 to vector<16xi32>
      %mul3A_299 = arith.muli %get3A_290, %mul3A_298 : vector<16xi32>
      %gather3A_300 = tpu.vector_load_idx %arg8[%mul3A_299] : memref<20224xf32, #tpu.memory_space<vmem>>[vector<16xi32>], vector<16xf32>,
      %mul3A_301 = arith.constant 2 : i32
      %mul3A_302 = vector.broadcast %mul3A_301 : i32 to vector<16xi32>
      %mul3A_303 = arith.muli %get3A_296, %mul3A_302 : vector<16xi32>
      %add3A_304 = arith.constant 1 : i32
      %add3A_305 = vector.broadcast %add3A_304 : i32 to vector<16xi32>
      %add3A_306 = arith.addi %mul3A_303, %add3A_305 : vector<16xi32>
      %gather3A_307 = tpu.vector_load_idx %arg8[%add3A_306] : memref<20224xf32, #tpu.memory_space<vmem>>[vector<16xi32>], vector<16xf32>,
      %add3A_308 = arith.addf %gather3A_300, %gather3A_307 : vector<16xf32>
      %gt3A_309 = arith.constant 0.000000e+00 : f32
      %gt3A_310 = vector.broadcast %gt3A_309 : f32 to vector<16xf32>
      %gt3A_311 = arith.cmpf ogt, %add3A_308, %gt3A_310 : vector<16xf32>
      %mul3A_312 = arith.constant 2.000000e-01 : f32
      %mul3A_313 = vector.broadcast %mul3A_312 : f32 to vector<16xf32>
      %mul3A_314 = arith.mulf %mul3A_313, %add3A_308 : vector<16xf32>
      %select_n3A_315 = arith.select %gt3A_311, %add3A_308, %mul3A_314 : vector<16xi1>, vector<16xf32>
      %add3A_316 = arith.constant 112 : i32
      %add3A_317 = vector.broadcast %add3A_316 : i32 to vector<16xi32>
      %add3A_318 = arith.addi %iota3A, %add3A_317 : vector<16xi32>
      %exp3A_319 = math.exp %select_n3A_315 : vector<16xf32>
      tpu.vector_store_idx %arg10[%add3A_318, %broadcast_in_dim3A_30], %exp3A_319 : memref<128x16xf32, #tpu.memory_space<vmem>>[vector<16xi32>, vector<16xi32>], vector<16xf32>,
      %dma_wait3A = arith.constant 0 : i32
      %dma_wait3A_320 = arith.constant 0 : i32
      %dma_wait3A_321 = tpu.memref_slice %arg7[%dma_wait3A, %dma_wait3A_320] : memref<2x128xi32, #tpu.memory_space<vmem>> -> memref<1x128xi32, #tpu.memory_space<vmem>>
      %dma_wait3A_322 = tpu.memref_squeeze %dma_wait3A_321 : memref<1x128xi32, #tpu.memory_space<vmem>> -> memref<128xi32, #tpu.memory_space<vmem>>
      %dma_wait3A_323 = arith.constant 0 : i32
      %dma_wait3A_324 = arith.constant 0 : i32
      %dma_wait3A_325 = tpu.memref_slice %arg2[%dma_wait3A_323, %dma_wait3A_324] : memref<10000x128xf32, #tpu.memory_space<hbm>> -> memref<10000x128xf32, #tpu.memory_space<hbm>>
      tpu.wait_indirect_dma semaphore(%arg13 : memref<!tpu.dma_semaphore, #tpu.memory_space<semaphore_mem>>) src(%dma_wait3A_325 : memref<10000x128xf32, #tpu.memory_space<hbm>>) dst(%arg9 : memref<128x128xf32, #tpu.memory_space<vmem>>)
      %scan3A_326 = arith.constant 0 : i32
      %scan3A_327 = arith.constant 0 : i32
      %scan3A_328 = arith.constant 128 : i32
      %scan3A_329 = arith.addi %scan3A_327, %scan3A_328 : i32
      %scan3A_330 = arith.constant 1 : i32
      scf.for %scan3A_333 = %scan3A_327 to %scan3A_329 step %scan3A_330  : i32 {
        %broadcast_in_dim3A_334 = vector.broadcast %scan3A_333 : i32 to vector<16xi32>
        %gather3A_335 = tpu.vector_load_idx %arg10[%broadcast_in_dim3A_334, %broadcast_in_dim3A_30] : memref<128x16xf32, #tpu.memory_space<vmem>>[vector<16xi32>, vector<16xi32>], vector<16xf32>,
        %get3A_336 = arith.constant 0 : i32
        %get3A_337 = tpu.memref_slice %arg9[%scan3A_333, %get3A_336] : memref<128x128xf32, #tpu.memory_space<vmem>> -> memref<1x128xf32, #tpu.memory_space<vmem>>
        %get3A_338 = tpu.memref_squeeze %get3A_337 : memref<1x128xf32, #tpu.memory_space<vmem>> -> memref<128xf32, #tpu.memory_space<vmem>>
        %get3A_339 = arith.constant 0 : index
        %get3A_340 = tpu.vector_load %get3A_338[%get3A_339] {strides = array<i32>} : memref<128xf32, #tpu.memory_space<vmem>>, vector<16xf32>,
        %mul3A_341 = arith.mulf %get3A_340, %gather3A_335 : vector<16xf32>
        %swap3A = arith.constant 0 : i32
        %swap3A_342 = tpu.memref_slice %arg9[%scan3A_333, %swap3A] : memref<128x128xf32, #tpu.memory_space<vmem>> -> memref<1x128xf32, #tpu.memory_space<vmem>>
        %swap3A_343 = tpu.memref_squeeze %swap3A_342 : memref<1x128xf32, #tpu.memory_space<vmem>> -> memref<128xf32, #tpu.memory_space<vmem>>
        %swap3A_344 = arith.constant 0 : index
        %swap3A_345 = tpu.vector_load %swap3A_343[%swap3A_344] {strides = array<i32>} : memref<128xf32, #tpu.memory_space<vmem>>, vector<16xf32>,
        tpu.vector_store %swap3A_343[%swap3A_344], %mul3A_341 {strides = array<i32>} : memref<128xf32, #tpu.memory_space<vmem>>, vector<16xf32>,
        %get3A_346 = arith.constant 0 : i32
        %get3A_347 = tpu.memref_slice %arg9[%scan3A_333, %get3A_346] : memref<128x128xf32, #tpu.memory_space<vmem>> -> memref<1x128xf32, #tpu.memory_space<vmem>>
        %get3A_348 = tpu.memref_squeeze %get3A_347 : memref<1x128xf32, #tpu.memory_space<vmem>> -> memref<128xf32, #tpu.memory_space<vmem>>
        %get3A_349 = arith.constant 16 : index
        %get3A_350 = tpu.vector_load %get3A_348[%get3A_349] {strides = array<i32>} : memref<128xf32, #tpu.memory_space<vmem>>, vector<16xf32>,
        %mul3A_351 = arith.mulf %get3A_350, %gather3A_335 : vector<16xf32>
        %swap3A_352 = arith.constant 0 : i32
        %swap3A_353 = tpu.memref_slice %arg9[%scan3A_333, %swap3A_352] : memref<128x128xf32, #tpu.memory_space<vmem>> -> memref<1x128xf32, #tpu.memory_space<vmem>>
        %swap3A_354 = tpu.memref_squeeze %swap3A_353 : memref<1x128xf32, #tpu.memory_space<vmem>> -> memref<128xf32, #tpu.memory_space<vmem>>
        %swap3A_355 = arith.constant 16 : index
        %swap3A_356 = tpu.vector_load %swap3A_354[%swap3A_355] {strides = array<i32>} : memref<128xf32, #tpu.memory_space<vmem>>, vector<16xf32>,
        tpu.vector_store %swap3A_354[%swap3A_355], %mul3A_351 {strides = array<i32>} : memref<128xf32, #tpu.memory_space<vmem>>, vector<16xf32>,
        %get3A_357 = arith.constant 0 : i32
        %get3A_358 = tpu.memref_slice %arg9[%scan3A_333, %get3A_357] : memref<128x128xf32, #tpu.memory_space<vmem>> -> memref<1x128xf32, #tpu.memory_space<vmem>>
        %get3A_359 = tpu.memref_squeeze %get3A_358 : memref<1x128xf32, #tpu.memory_space<vmem>> -> memref<128xf32, #tpu.memory_space<vmem>>
        %get3A_360 = arith.constant 32 : index
        %get3A_361 = tpu.vector_load %get3A_359[%get3A_360] {strides = array<i32>} : memref<128xf32, #tpu.memory_space<vmem>>, vector<16xf32>,
        %mul3A_362 = arith.mulf %get3A_361, %gather3A_335 : vector<16xf32>
        %swap3A_363 = arith.constant 0 : i32
        %swap3A_364 = tpu.memref_slice %arg9[%scan3A_333, %swap3A_363] : memref<128x128xf32, #tpu.memory_space<vmem>> -> memref<1x128xf32, #tpu.memory_space<vmem>>
        %swap3A_365 = tpu.memref_squeeze %swap3A_364 : memref<1x128xf32, #tpu.memory_space<vmem>> -> memref<128xf32, #tpu.memory_space<vmem>>
        %swap3A_366 = arith.constant 32 : index
        %swap3A_367 = tpu.vector_load %swap3A_365[%swap3A_366] {strides = array<i32>} : memref<128xf32, #tpu.memory_space<vmem>>, vector<16xf32>,
        tpu.vector_store %swap3A_365[%swap3A_366], %mul3A_362 {strides = array<i32>} : memref<128xf32, #tpu.memory_space<vmem>>, vector<16xf32>,
        %get3A_368 = arith.constant 0 : i32
        %get3A_369 = tpu.memref_slice %arg9[%scan3A_333, %get3A_368] : memref<128x128xf32, #tpu.memory_space<vmem>> -> memref<1x128xf32, #tpu.memory_space<vmem>>
        %get3A_370 = tpu.memref_squeeze %get3A_369 : memref<1x128xf32, #tpu.memory_space<vmem>> -> memref<128xf32, #tpu.memory_space<vmem>>
        %get3A_371 = arith.constant 48 : index
        %get3A_372 = tpu.vector_load %get3A_370[%get3A_371] {strides = array<i32>} : memref<128xf32, #tpu.memory_space<vmem>>, vector<16xf32>,
        %mul3A_373 = arith.mulf %get3A_372, %gather3A_335 : vector<16xf32>
        %swap3A_374 = arith.constant 0 : i32
        %swap3A_375 = tpu.memref_slice %arg9[%scan3A_333, %swap3A_374] : memref<128x128xf32, #tpu.memory_space<vmem>> -> memref<1x128xf32, #tpu.memory_space<vmem>>
        %swap3A_376 = tpu.memref_squeeze %swap3A_375 : memref<1x128xf32, #tpu.memory_space<vmem>> -> memref<128xf32, #tpu.memory_space<vmem>>
        %swap3A_377 = arith.constant 48 : index
        %swap3A_378 = tpu.vector_load %swap3A_376[%swap3A_377] {strides = array<i32>} : memref<128xf32, #tpu.memory_space<vmem>>, vector<16xf32>,
        tpu.vector_store %swap3A_376[%swap3A_377], %mul3A_373 {strides = array<i32>} : memref<128xf32, #tpu.memory_space<vmem>>, vector<16xf32>,
        %get3A_379 = arith.constant 0 : i32
        %get3A_380 = tpu.memref_slice %arg9[%scan3A_333, %get3A_379] : memref<128x128xf32, #tpu.memory_space<vmem>> -> memref<1x128xf32, #tpu.memory_space<vmem>>
        %get3A_381 = tpu.memref_squeeze %get3A_380 : memref<1x128xf32, #tpu.memory_space<vmem>> -> memref<128xf32, #tpu.memory_space<vmem>>
        %get3A_382 = arith.constant 64 : index
        %get3A_383 = tpu.vector_load %get3A_381[%get3A_382] {strides = array<i32>} : memref<128xf32, #tpu.memory_space<vmem>>, vector<16xf32>,
        %mul3A_384 = arith.mulf %get3A_383, %gather3A_335 : vector<16xf32>
        %swap3A_385 = arith.constant 0 : i32
        %swap3A_386 = tpu.memref_slice %arg9[%scan3A_333, %swap3A_385] : memref<128x128xf32, #tpu.memory_space<vmem>> -> memref<1x128xf32, #tpu.memory_space<vmem>>
        %swap3A_387 = tpu.memref_squeeze %swap3A_386 : memref<1x128xf32, #tpu.memory_space<vmem>> -> memref<128xf32, #tpu.memory_space<vmem>>
        %swap3A_388 = arith.constant 64 : index
        %swap3A_389 = tpu.vector_load %swap3A_387[%swap3A_388] {strides = array<i32>} : memref<128xf32, #tpu.memory_space<vmem>>, vector<16xf32>,
        tpu.vector_store %swap3A_387[%swap3A_388], %mul3A_384 {strides = array<i32>} : memref<128xf32, #tpu.memory_space<vmem>>, vector<16xf32>,
        %get3A_390 = arith.constant 0 : i32
        %get3A_391 = tpu.memref_slice %arg9[%scan3A_333, %get3A_390] : memref<128x128xf32, #tpu.memory_space<vmem>> -> memref<1x128xf32, #tpu.memory_space<vmem>>
        %get3A_392 = tpu.memref_squeeze %get3A_391 : memref<1x128xf32, #tpu.memory_space<vmem>> -> memref<128xf32, #tpu.memory_space<vmem>>
        %get3A_393 = arith.constant 80 : index
        %get3A_394 = tpu.vector_load %get3A_392[%get3A_393] {strides = array<i32>} : memref<128xf32, #tpu.memory_space<vmem>>, vector<16xf32>,
        %mul3A_395 = arith.mulf %get3A_394, %gather3A_335 : vector<16xf32>
        %swap3A_396 = arith.constant 0 : i32
        %swap3A_397 = tpu.memref_slice %arg9[%scan3A_333, %swap3A_396] : memref<128x128xf32, #tpu.memory_space<vmem>> -> memref<1x128xf32, #tpu.memory_space<vmem>>
        %swap3A_398 = tpu.memref_squeeze %swap3A_397 : memref<1x128xf32, #tpu.memory_space<vmem>> -> memref<128xf32, #tpu.memory_space<vmem>>
        %swap3A_399 = arith.constant 80 : index
        %swap3A_400 = tpu.vector_load %swap3A_398[%swap3A_399] {strides = array<i32>} : memref<128xf32, #tpu.memory_space<vmem>>, vector<16xf32>,
        tpu.vector_store %swap3A_398[%swap3A_399], %mul3A_395 {strides = array<i32>} : memref<128xf32, #tpu.memory_space<vmem>>, vector<16xf32>,
        %get3A_401 = arith.constant 0 : i32
        %get3A_402 = tpu.memref_slice %arg9[%scan3A_333, %get3A_401] : memref<128x128xf32, #tpu.memory_space<vmem>> -> memref<1x128xf32, #tpu.memory_space<vmem>>
        %get3A_403 = tpu.memref_squeeze %get3A_402 : memref<1x128xf32, #tpu.memory_space<vmem>> -> memref<128xf32, #tpu.memory_space<vmem>>
        %get3A_404 = arith.constant 96 : index
        %get3A_405 = tpu.vector_load %get3A_403[%get3A_404] {strides = array<i32>} : memref<128xf32, #tpu.memory_space<vmem>>, vector<16xf32>,
        %mul3A_406 = arith.mulf %get3A_405, %gather3A_335 : vector<16xf32>
        %swap3A_407 = arith.constant 0 : i32
        %swap3A_408 = tpu.memref_slice %arg9[%scan3A_333, %swap3A_407] : memref<128x128xf32, #tpu.memory_space<vmem>> -> memref<1x128xf32, #tpu.memory_space<vmem>>
        %swap3A_409 = tpu.memref_squeeze %swap3A_408 : memref<1x128xf32, #tpu.memory_space<vmem>> -> memref<128xf32, #tpu.memory_space<vmem>>
        %swap3A_410 = arith.constant 96 : index
        %swap3A_411 = tpu.vector_load %swap3A_409[%swap3A_410] {strides = array<i32>} : memref<128xf32, #tpu.memory_space<vmem>>, vector<16xf32>,
        tpu.vector_store %swap3A_409[%swap3A_410], %mul3A_406 {strides = array<i32>} : memref<128xf32, #tpu.memory_space<vmem>>, vector<16xf32>,
        %get3A_412 = arith.constant 0 : i32
        %get3A_413 = tpu.memref_slice %arg9[%scan3A_333, %get3A_412] : memref<128x128xf32, #tpu.memory_space<vmem>> -> memref<1x128xf32, #tpu.memory_space<vmem>>
        %get3A_414 = tpu.memref_squeeze %get3A_413 : memref<1x128xf32, #tpu.memory_space<vmem>> -> memref<128xf32, #tpu.memory_space<vmem>>
        %get3A_415 = arith.constant 112 : index
        %get3A_416 = tpu.vector_load %get3A_414[%get3A_415] {strides = array<i32>} : memref<128xf32, #tpu.memory_space<vmem>>, vector<16xf32>,
        %mul3A_417 = arith.mulf %get3A_416, %gather3A_335 : vector<16xf32>
        %swap3A_418 = arith.constant 0 : i32
        %swap3A_419 = tpu.memref_slice %arg9[%scan3A_333, %swap3A_418] : memref<128x128xf32, #tpu.memory_space<vmem>> -> memref<1x128xf32, #tpu.memory_space<vmem>>
        %swap3A_420 = tpu.memref_squeeze %swap3A_419 : memref<1x128xf32, #tpu.memory_space<vmem>> -> memref<128xf32, #tpu.memory_space<vmem>>
        %swap3A_421 = arith.constant 112 : index
        %swap3A_422 = tpu.vector_load %swap3A_420[%swap3A_421] {strides = array<i32>} : memref<128xf32, #tpu.memory_space<vmem>>, vector<16xf32>,
        tpu.vector_store %swap3A_420[%swap3A_421], %mul3A_417 {strides = array<i32>} : memref<128xf32, #tpu.memory_space<vmem>>, vector<16xf32>,
      }
      %scan3A_331 = arith.constant 128 : i32
      %run_scoped3A = arith.constant 1 : i32
      "tpu.region"() ({
        %run_scoped3A_333 = tpu.sem_alloc : memref<!tpu.dma_semaphore, #tpu.memory_space<semaphore_mem>>
        %dma_start3A_334 = arith.constant 0 : i32
        %dma_start3A_335 = tpu.memref_slice %arg7[%run_scoped3A, %dma_start3A_334] : memref<2x128xi32, #tpu.memory_space<vmem>> -> memref<1x128xi32, #tpu.memory_space<vmem>>
        %dma_start3A_336 = tpu.memref_squeeze %dma_start3A_335 : memref<1x128xi32, #tpu.memory_space<vmem>> -> memref<128xi32, #tpu.memory_space<vmem>>
        %dma_start3A_337 = arith.constant 0 : i32
        %dma_start3A_338 = arith.constant 0 : i32
        %dma_start3A_339 = tpu.memref_slice %arg11[%dma_start3A_337, %dma_start3A_338] : memref<10112x128xf32, #tpu.memory_space<vmem_shared>> -> memref<10112x128xf32, #tpu.memory_space<vmem_shared>>
        tpu.enqueue_indirect_dma source(%arg9 : memref<128x128xf32, #tpu.memory_space<vmem>>) target(%dma_start3A_339 : memref<10112x128xf32, #tpu.memory_space<vmem_shared>>) offsets(%dma_start3A_336 : memref<128xi32, #tpu.memory_space<vmem>>) semaphore(%run_scoped3A_333 : memref<!tpu.dma_semaphore, #tpu.memory_space<semaphore_mem>>) {add = true}
        %dma_wait3A_340 = arith.constant 0 : i32
        %dma_wait3A_341 = tpu.memref_slice %arg7[%run_scoped3A, %dma_wait3A_340] : memref<2x128xi32, #tpu.memory_space<vmem>> -> memref<1x128xi32, #tpu.memory_space<vmem>>
        %dma_wait3A_342 = tpu.memref_squeeze %dma_wait3A_341 : memref<1x128xi32, #tpu.memory_space<vmem>> -> memref<128xi32, #tpu.memory_space<vmem>>
        %dma_wait3A_343 = arith.constant 0 : i32
        %dma_wait3A_344 = arith.constant 0 : i32
        %dma_wait3A_345 = tpu.memref_slice %arg11[%dma_wait3A_343, %dma_wait3A_344] : memref<10112x128xf32, #tpu.memory_space<vmem_shared>> -> memref<10112x128xf32, #tpu.memory_space<vmem_shared>>
        tpu.wait_indirect_dma semaphore(%run_scoped3A_333 : memref<!tpu.dma_semaphore, #tpu.memory_space<semaphore_mem>>) src(%arg9 : memref<128x128xf32, #tpu.memory_space<vmem>>) dst(%dma_wait3A_345 : memref<10112x128xf32, #tpu.memory_space<vmem_shared>>)
        tpu.yield
      }) : () -> ()
      %run_scoped3A_332 = arith.constant 1 : i32
      "tpu.region"() ({
        %run_scoped3A_333 = tpu.sem_alloc : memref<!tpu.dma_semaphore, #tpu.memory_space<semaphore_mem>>
        %dma_start3A_334 = arith.constant 0 : i32
        %dma_start3A_335 = tpu.memref_slice %arg7[%run_scoped3A_332, %dma_start3A_334] : memref<2x128xi32, #tpu.memory_space<vmem>> -> memref<1x128xi32, #tpu.memory_space<vmem>>
        %dma_start3A_336 = tpu.memref_squeeze %dma_start3A_335 : memref<1x128xi32, #tpu.memory_space<vmem>> -> memref<128xi32, #tpu.memory_space<vmem>>
        %dma_start3A_337 = arith.constant 0 : i32
        %dma_start3A_338 = arith.constant 0 : i32
        %dma_start3A_339 = tpu.memref_slice %arg12[%dma_start3A_337, %dma_start3A_338] : memref<10112x16xf32, #tpu.memory_space<vmem_shared>> -> memref<10112x16xf32, #tpu.memory_space<vmem_shared>>
        tpu.enqueue_indirect_dma source(%arg10 : memref<128x16xf32, #tpu.memory_space<vmem>>) target(%dma_start3A_339 : memref<10112x16xf32, #tpu.memory_space<vmem_shared>>) offsets(%dma_start3A_336 : memref<128xi32, #tpu.memory_space<vmem>>) semaphore(%run_scoped3A_333 : memref<!tpu.dma_semaphore, #tpu.memory_space<semaphore_mem>>) {add = true}
        %dma_wait3A_340 = arith.constant 0 : i32
        %dma_wait3A_341 = tpu.memref_slice %arg7[%run_scoped3A_332, %dma_wait3A_340] : memref<2x128xi32, #tpu.memory_space<vmem>> -> memref<1x128xi32, #tpu.memory_space<vmem>>
        %dma_wait3A_342 = tpu.memref_squeeze %dma_wait3A_341 : memref<1x128xi32, #tpu.memory_space<vmem>> -> memref<128xi32, #tpu.memory_space<vmem>>
        %dma_wait3A_343 = arith.constant 0 : i32
        %dma_wait3A_344 = arith.constant 0 : i32
        %dma_wait3A_345 = tpu.memref_slice %arg12[%dma_wait3A_343, %dma_wait3A_344] : memref<10112x16xf32, #tpu.memory_space<vmem_shared>> -> memref<10112x16xf32, #tpu.memory_space<vmem_shared>>
        tpu.wait_indirect_dma semaphore(%run_scoped3A_333 : memref<!tpu.dma_semaphore, #tpu.memory_space<semaphore_mem>>) src(%arg10 : memref<128x16xf32, #tpu.memory_space<vmem>>) dst(%dma_wait3A_345 : memref<10112x16xf32, #tpu.memory_space<vmem_shared>>)
        tpu.yield
      }) : () -> ()
    }
    %scan3A_36 = arith.constant 79 : i32
    %barrier3A_37 = arith.constant 0 : index
    tpu.barrier barrier_id(%barrier3A_37)
    "tpu.region"() ({
      %run_scoped3A = tpu.sem_alloc : memref<!tpu.dma_semaphore, #tpu.memory_space<semaphore_mem>>
      %dma_start3A = arith.constant 0 : i32
      %dma_start3A_38 = tpu.memref_slice %arg5[%arg0, %mul3A_8, %dma_start3A] : memref<2x10112x128xf32, #tpu.memory_space<hbm>> -> memref<1x632x128xf32, #tpu.memory_space<hbm>>
      %dma_start3A_39 = tpu.memref_squeeze %dma_start3A_38 : memref<1x632x128xf32, #tpu.memory_space<hbm>> -> memref<632x128xf32, #tpu.memory_space<hbm>>
      %dma_start3A_40 = arith.constant 0 : i32
      %dma_start3A_41 = tpu.memref_slice %arg11[%mul3A_8, %dma_start3A_40] : memref<10112x128xf32, #tpu.memory_space<vmem_shared>> -> memref<632x128xf32, #tpu.memory_space<vmem_shared>>
      tpu.enqueue_dma source(%dma_start3A_41 : memref<632x128xf32, #tpu.memory_space<vmem_shared>>) target(%dma_start3A_39 : memref<632x128xf32, #tpu.memory_space<hbm>>) target_semaphore(%run_scoped3A : memref<!tpu.dma_semaphore, #tpu.memory_space<semaphore_mem>>)
      %dma_wait3A = arith.constant 0 : i32
      %dma_wait3A_42 = tpu.memref_slice %arg5[%arg0, %mul3A_8, %dma_wait3A] : memref<2x10112x128xf32, #tpu.memory_space<hbm>> -> memref<1x632x128xf32, #tpu.memory_space<hbm>>
      %dma_wait3A_43 = tpu.memref_squeeze %dma_wait3A_42 : memref<1x632x128xf32, #tpu.memory_space<hbm>> -> memref<632x128xf32, #tpu.memory_space<hbm>>
      %dma_wait3A_44 = arith.constant 0 : i32
      %dma_wait3A_45 = tpu.memref_slice %arg11[%mul3A_8, %dma_wait3A_44] : memref<10112x128xf32, #tpu.memory_space<vmem_shared>> -> memref<632x128xf32, #tpu.memory_space<vmem_shared>>
      tpu.wait_dma2 semaphore(%run_scoped3A : memref<!tpu.dma_semaphore, #tpu.memory_space<semaphore_mem>>) src(%dma_wait3A_45 : memref<632x128xf32, #tpu.memory_space<vmem_shared>>) dst(%dma_wait3A_43 : memref<632x128xf32, #tpu.memory_space<hbm>>)
      tpu.yield
    }) : () -> ()
    "tpu.region"() ({
      %run_scoped3A = tpu.sem_alloc : memref<!tpu.dma_semaphore, #tpu.memory_space<semaphore_mem>>
      %dma_start3A = arith.constant 0 : i32
      %dma_start3A_38 = tpu.memref_slice %arg6[%arg0, %mul3A_8, %dma_start3A] : memref<2x10112x16xf32, #tpu.memory_space<hbm>> -> memref<1x632x16xf32, #tpu.memory_space<hbm>>
      %dma_start3A_39 = tpu.memref_squeeze %dma_start3A_38 : memref<1x632x16xf32, #tpu.memory_space<hbm>> -> memref<632x16xf32, #tpu.memory_space<hbm>>
      %dma_start3A_40 = arith.constant 0 : i32
      %dma_start3A_41 = tpu.memref_slice %arg12[%mul3A_8, %dma_start3A_40] : memref<10112x16xf32, #tpu.memory_space<vmem_shared>> -> memref<632x16xf32, #tpu.memory_space<vmem_shared>>
      tpu.enqueue_dma source(%dma_start3A_41 : memref<632x16xf32, #tpu.memory_space<vmem_shared>>) target(%dma_start3A_39 : memref<632x16xf32, #tpu.memory_space<hbm>>) target_semaphore(%run_scoped3A : memref<!tpu.dma_semaphore, #tpu.memory_space<semaphore_mem>>)
      %dma_wait3A = arith.constant 0 : i32
      %dma_wait3A_42 = tpu.memref_slice %arg6[%arg0, %mul3A_8, %dma_wait3A] : memref<2x10112x16xf32, #tpu.memory_space<hbm>> -> memref<1x632x16xf32, #tpu.memory_space<hbm>>
      %dma_wait3A_43 = tpu.memref_squeeze %dma_wait3A_42 : memref<1x632x16xf32, #tpu.memory_space<hbm>> -> memref<632x16xf32, #tpu.memory_space<hbm>>
      %dma_wait3A_44 = arith.constant 0 : i32
      %dma_wait3A_45 = tpu.memref_slice %arg12[%mul3A_8, %dma_wait3A_44] : memref<10112x16xf32, #tpu.memory_space<vmem_shared>> -> memref<632x16xf32, #tpu.memory_space<vmem_shared>>
      tpu.wait_dma2 semaphore(%run_scoped3A : memref<!tpu.dma_semaphore, #tpu.memory_space<semaphore_mem>>) src(%dma_wait3A_45 : memref<632x16xf32, #tpu.memory_space<vmem_shared>>) dst(%dma_wait3A_43 : memref<632x16xf32, #tpu.memory_space<hbm>>)
      tpu.yield
    }) : () -> ()
    return
  }
}

#map = affine_map<(d0, d1) -> (0, 0)>
#map1 = affine_map<(d0, d1) -> (0, 0, 0)>
module attributes {stable_mosaic.version = 14 : i64} {
  func.func @_sc_link(%arg0: i32, %arg1: i32, %arg2: memref<10000x128xf32, #tpu.memory_space<hbm>>, %arg3: memref<32x25x128xi32, #tpu.memory_space<hbm>>, %arg4: memref<32x25x128xi32, #tpu.memory_space<hbm>>, %arg5: memref<102400x128xf32, #tpu.memory_space<hbm>>, %arg6: memref<25x128xi32, #tpu.memory_space<vmem>>, %arg7: memref<25x128xi32, #tpu.memory_space<vmem>>, %arg8: memref<128x128xf32, #tpu.memory_space<vmem>>, %arg9: memref<128x128xf32, #tpu.memory_space<vmem>>, %arg10: memref<!tpu.dma_semaphore, #tpu.memory_space<semaphore_mem>>, %arg11: memref<!tpu.dma_semaphore, #tpu.memory_space<semaphore_mem>>) attributes {dimension_semantics = [#tpu.dimension_semantics<core_parallel>, #tpu.dimension_semantics<subcore_parallel>], iteration_bounds = array<i64: 2, 16>, scalar_prefetch = 0 : i64, scratch_operands = 6 : i64, tpu.core_type = #tpu.core_type<sc_vector_subcore>, window_params = [{transform_indices = #map}, {transform_indices = #map1}, {transform_indices = #map1}, {transform_indices = #map}]} {
    %mul3A = arith.constant 16 : i32
    %mul3A_0 = arith.muli %arg0, %mul3A : i32
    %add3A = arith.addi %mul3A_0, %arg1 : i32
    "tpu.region"() ({
      %run_scoped3A = tpu.sem_alloc : memref<!tpu.dma_semaphore, #tpu.memory_space<semaphore_mem>>
      %dma_start3A = arith.constant 0 : i32
      %dma_start3A_6 = arith.constant 0 : i32
      %dma_start3A_7 = tpu.memref_slice %arg3[%add3A, %dma_start3A, %dma_start3A_6] : memref<32x25x128xi32, #tpu.memory_space<hbm>> -> memref<1x25x128xi32, #tpu.memory_space<hbm>>
      %dma_start3A_8 = tpu.memref_squeeze %dma_start3A_7 : memref<1x25x128xi32, #tpu.memory_space<hbm>> -> memref<25x128xi32, #tpu.memory_space<hbm>>
      %dma_start3A_9 = arith.constant 0 : i32
      %dma_start3A_10 = arith.constant 0 : i32
      %dma_start3A_11 = tpu.memref_slice %arg3[%add3A, %dma_start3A_9, %dma_start3A_10] : memref<32x25x128xi32, #tpu.memory_space<hbm>> -> memref<1x25x128xi32, #tpu.memory_space<hbm>>
      %dma_start3A_12 = tpu.memref_squeeze %dma_start3A_11 : memref<1x25x128xi32, #tpu.memory_space<hbm>> -> memref<25x128xi32, #tpu.memory_space<hbm>>
      tpu.enqueue_dma source(%dma_start3A_12 : memref<25x128xi32, #tpu.memory_space<hbm>>) target(%arg6 : memref<25x128xi32, #tpu.memory_space<vmem>>) target_semaphore(%run_scoped3A : memref<!tpu.dma_semaphore, #tpu.memory_space<semaphore_mem>>)
      %dma_wait3A = arith.constant 0 : i32
      %dma_wait3A_13 = arith.constant 0 : i32
      %dma_wait3A_14 = tpu.memref_slice %arg3[%add3A, %dma_wait3A, %dma_wait3A_13] : memref<32x25x128xi32, #tpu.memory_space<hbm>> -> memref<1x25x128xi32, #tpu.memory_space<hbm>>
      %dma_wait3A_15 = tpu.memref_squeeze %dma_wait3A_14 : memref<1x25x128xi32, #tpu.memory_space<hbm>> -> memref<25x128xi32, #tpu.memory_space<hbm>>
      %dma_wait3A_16 = arith.constant 0 : i32
      %dma_wait3A_17 = arith.constant 0 : i32
      %dma_wait3A_18 = tpu.memref_slice %arg3[%add3A, %dma_wait3A_16, %dma_wait3A_17] : memref<32x25x128xi32, #tpu.memory_space<hbm>> -> memref<1x25x128xi32, #tpu.memory_space<hbm>>
      %dma_wait3A_19 = tpu.memref_squeeze %dma_wait3A_18 : memref<1x25x128xi32, #tpu.memory_space<hbm>> -> memref<25x128xi32, #tpu.memory_space<hbm>>
      tpu.wait_dma2 semaphore(%run_scoped3A : memref<!tpu.dma_semaphore, #tpu.memory_space<semaphore_mem>>) src(%dma_wait3A_19 : memref<25x128xi32, #tpu.memory_space<hbm>>) dst(%arg6 : memref<25x128xi32, #tpu.memory_space<vmem>>)
      tpu.yield
    }) : () -> ()
    "tpu.region"() ({
      %run_scoped3A = tpu.sem_alloc : memref<!tpu.dma_semaphore, #tpu.memory_space<semaphore_mem>>
      %dma_start3A = arith.constant 0 : i32
      %dma_start3A_6 = arith.constant 0 : i32
      %dma_start3A_7 = tpu.memref_slice %arg4[%add3A, %dma_start3A, %dma_start3A_6] : memref<32x25x128xi32, #tpu.memory_space<hbm>> -> memref<1x25x128xi32, #tpu.memory_space<hbm>>
      %dma_start3A_8 = tpu.memref_squeeze %dma_start3A_7 : memref<1x25x128xi32, #tpu.memory_space<hbm>> -> memref<25x128xi32, #tpu.memory_space<hbm>>
      %dma_start3A_9 = arith.constant 0 : i32
      %dma_start3A_10 = arith.constant 0 : i32
      %dma_start3A_11 = tpu.memref_slice %arg4[%add3A, %dma_start3A_9, %dma_start3A_10] : memref<32x25x128xi32, #tpu.memory_space<hbm>> -> memref<1x25x128xi32, #tpu.memory_space<hbm>>
      %dma_start3A_12 = tpu.memref_squeeze %dma_start3A_11 : memref<1x25x128xi32, #tpu.memory_space<hbm>> -> memref<25x128xi32, #tpu.memory_space<hbm>>
      tpu.enqueue_dma source(%dma_start3A_12 : memref<25x128xi32, #tpu.memory_space<hbm>>) target(%arg7 : memref<25x128xi32, #tpu.memory_space<vmem>>) target_semaphore(%run_scoped3A : memref<!tpu.dma_semaphore, #tpu.memory_space<semaphore_mem>>)
      %dma_wait3A = arith.constant 0 : i32
      %dma_wait3A_13 = arith.constant 0 : i32
      %dma_wait3A_14 = tpu.memref_slice %arg4[%add3A, %dma_wait3A, %dma_wait3A_13] : memref<32x25x128xi32, #tpu.memory_space<hbm>> -> memref<1x25x128xi32, #tpu.memory_space<hbm>>
      %dma_wait3A_15 = tpu.memref_squeeze %dma_wait3A_14 : memref<1x25x128xi32, #tpu.memory_space<hbm>> -> memref<25x128xi32, #tpu.memory_space<hbm>>
      %dma_wait3A_16 = arith.constant 0 : i32
      %dma_wait3A_17 = arith.constant 0 : i32
      %dma_wait3A_18 = tpu.memref_slice %arg4[%add3A, %dma_wait3A_16, %dma_wait3A_17] : memref<32x25x128xi32, #tpu.memory_space<hbm>> -> memref<1x25x128xi32, #tpu.memory_space<hbm>>
      %dma_wait3A_19 = tpu.memref_squeeze %dma_wait3A_18 : memref<1x25x128xi32, #tpu.memory_space<hbm>> -> memref<25x128xi32, #tpu.memory_space<hbm>>
      tpu.wait_dma2 semaphore(%run_scoped3A : memref<!tpu.dma_semaphore, #tpu.memory_space<semaphore_mem>>) src(%dma_wait3A_19 : memref<25x128xi32, #tpu.memory_space<hbm>>) dst(%arg7 : memref<25x128xi32, #tpu.memory_space<vmem>>)
      tpu.yield
    }) : () -> ()
    %scan3A = arith.constant 0 : i32
    %scan3A_1 = arith.constant 0 : i32
    %scan3A_2 = arith.constant 25 : i32
    %scan3A_3 = arith.addi %scan3A_1, %scan3A_2 : i32
    %scan3A_4 = arith.constant 1 : i32
    scf.for %scan3A_6 = %scan3A_1 to %scan3A_3 step %scan3A_4  : i32 {
      %dma_start3A = arith.constant 0 : i32
      %dma_start3A_7 = tpu.memref_slice %arg6[%scan3A_6, %dma_start3A] : memref<25x128xi32, #tpu.memory_space<vmem>> -> memref<1x128xi32, #tpu.memory_space<vmem>>
      %dma_start3A_8 = tpu.memref_squeeze %dma_start3A_7 : memref<1x128xi32, #tpu.memory_space<vmem>> -> memref<128xi32, #tpu.memory_space<vmem>>
      %dma_start3A_9 = arith.constant 0 : i32
      %dma_start3A_10 = arith.constant 0 : i32
      %dma_start3A_11 = tpu.memref_slice %arg2[%dma_start3A_9, %dma_start3A_10] : memref<10000x128xf32, #tpu.memory_space<hbm>> -> memref<10000x128xf32, #tpu.memory_space<hbm>>
      tpu.enqueue_indirect_dma source(%dma_start3A_11 : memref<10000x128xf32, #tpu.memory_space<hbm>>) target(%arg8 : memref<128x128xf32, #tpu.memory_space<vmem>>) offsets(%dma_start3A_8 : memref<128xi32, #tpu.memory_space<vmem>>) semaphore(%arg10 : memref<!tpu.dma_semaphore, #tpu.memory_space<semaphore_mem>>)
      %dma_start3A_12 = arith.constant 0 : i32
      %dma_start3A_13 = tpu.memref_slice %arg7[%scan3A_6, %dma_start3A_12] : memref<25x128xi32, #tpu.memory_space<vmem>> -> memref<1x128xi32, #tpu.memory_space<vmem>>
      %dma_start3A_14 = tpu.memref_squeeze %dma_start3A_13 : memref<1x128xi32, #tpu.memory_space<vmem>> -> memref<128xi32, #tpu.memory_space<vmem>>
      %dma_start3A_15 = arith.constant 0 : i32
      %dma_start3A_16 = arith.constant 0 : i32
      %dma_start3A_17 = tpu.memref_slice %arg2[%dma_start3A_15, %dma_start3A_16] : memref<10000x128xf32, #tpu.memory_space<hbm>> -> memref<10000x128xf32, #tpu.memory_space<hbm>>
      tpu.enqueue_indirect_dma source(%dma_start3A_17 : memref<10000x128xf32, #tpu.memory_space<hbm>>) target(%arg9 : memref<128x128xf32, #tpu.memory_space<vmem>>) offsets(%dma_start3A_14 : memref<128xi32, #tpu.memory_space<vmem>>) semaphore(%arg11 : memref<!tpu.dma_semaphore, #tpu.memory_space<semaphore_mem>>)
      %dma_wait3A = arith.constant 0 : i32
      %dma_wait3A_18 = tpu.memref_slice %arg6[%scan3A_6, %dma_wait3A] : memref<25x128xi32, #tpu.memory_space<vmem>> -> memref<1x128xi32, #tpu.memory_space<vmem>>
      %dma_wait3A_19 = tpu.memref_squeeze %dma_wait3A_18 : memref<1x128xi32, #tpu.memory_space<vmem>> -> memref<128xi32, #tpu.memory_space<vmem>>
      %dma_wait3A_20 = arith.constant 0 : i32
      %dma_wait3A_21 = arith.constant 0 : i32
      %dma_wait3A_22 = tpu.memref_slice %arg2[%dma_wait3A_20, %dma_wait3A_21] : memref<10000x128xf32, #tpu.memory_space<hbm>> -> memref<10000x128xf32, #tpu.memory_space<hbm>>
      tpu.wait_indirect_dma semaphore(%arg10 : memref<!tpu.dma_semaphore, #tpu.memory_space<semaphore_mem>>) src(%dma_wait3A_22 : memref<10000x128xf32, #tpu.memory_space<hbm>>) dst(%arg8 : memref<128x128xf32, #tpu.memory_space<vmem>>)
      %dma_wait3A_23 = arith.constant 0 : i32
      %dma_wait3A_24 = tpu.memref_slice %arg7[%scan3A_6, %dma_wait3A_23] : memref<25x128xi32, #tpu.memory_space<vmem>> -> memref<1x128xi32, #tpu.memory_space<vmem>>
      %dma_wait3A_25 = tpu.memref_squeeze %dma_wait3A_24 : memref<1x128xi32, #tpu.memory_space<vmem>> -> memref<128xi32, #tpu.memory_space<vmem>>
      %dma_wait3A_26 = arith.constant 0 : i32
      %dma_wait3A_27 = arith.constant 0 : i32
      %dma_wait3A_28 = tpu.memref_slice %arg2[%dma_wait3A_26, %dma_wait3A_27] : memref<10000x128xf32, #tpu.memory_space<hbm>> -> memref<10000x128xf32, #tpu.memory_space<hbm>>
      tpu.wait_indirect_dma semaphore(%arg11 : memref<!tpu.dma_semaphore, #tpu.memory_space<semaphore_mem>>) src(%dma_wait3A_28 : memref<10000x128xf32, #tpu.memory_space<hbm>>) dst(%arg9 : memref<128x128xf32, #tpu.memory_space<vmem>>)
      %scan3A_29 = arith.constant 0 : i32
      %scan3A_30 = arith.constant 0 : i32
      %scan3A_31 = arith.constant 128 : i32
      %scan3A_32 = arith.addi %scan3A_30, %scan3A_31 : i32
      %scan3A_33 = arith.constant 1 : i32
      scf.for %scan3A_40 = %scan3A_30 to %scan3A_32 step %scan3A_33  : i32 {
        %get3A = arith.constant 0 : i32
        %get3A_41 = tpu.memref_slice %arg8[%scan3A_40, %get3A] : memref<128x128xf32, #tpu.memory_space<vmem>> -> memref<1x128xf32, #tpu.memory_space<vmem>>
        %get3A_42 = tpu.memref_squeeze %get3A_41 : memref<1x128xf32, #tpu.memory_space<vmem>> -> memref<128xf32, #tpu.memory_space<vmem>>
        %get3A_43 = arith.constant 0 : index
        %get3A_44 = tpu.vector_load %get3A_42[%get3A_43] {strides = array<i32>} : memref<128xf32, #tpu.memory_space<vmem>>, vector<16xf32>,
        %get3A_45 = arith.constant 0 : i32
        %get3A_46 = tpu.memref_slice %arg9[%scan3A_40, %get3A_45] : memref<128x128xf32, #tpu.memory_space<vmem>> -> memref<1x128xf32, #tpu.memory_space<vmem>>
        %get3A_47 = tpu.memref_squeeze %get3A_46 : memref<1x128xf32, #tpu.memory_space<vmem>> -> memref<128xf32, #tpu.memory_space<vmem>>
        %get3A_48 = arith.constant 0 : index
        %get3A_49 = tpu.vector_load %get3A_47[%get3A_48] {strides = array<i32>} : memref<128xf32, #tpu.memory_space<vmem>>, vector<16xf32>,
        %mul3A_50 = arith.mulf %get3A_44, %get3A_49 : vector<16xf32>
        %swap3A = arith.constant 0 : i32
        %swap3A_51 = tpu.memref_slice %arg8[%scan3A_40, %swap3A] : memref<128x128xf32, #tpu.memory_space<vmem>> -> memref<1x128xf32, #tpu.memory_space<vmem>>
        %swap3A_52 = tpu.memref_squeeze %swap3A_51 : memref<1x128xf32, #tpu.memory_space<vmem>> -> memref<128xf32, #tpu.memory_space<vmem>>
        %swap3A_53 = arith.constant 0 : index
        %swap3A_54 = tpu.vector_load %swap3A_52[%swap3A_53] {strides = array<i32>} : memref<128xf32, #tpu.memory_space<vmem>>, vector<16xf32>,
        tpu.vector_store %swap3A_52[%swap3A_53], %mul3A_50 {strides = array<i32>} : memref<128xf32, #tpu.memory_space<vmem>>, vector<16xf32>,
        %get3A_55 = arith.constant 0 : i32
        %get3A_56 = tpu.memref_slice %arg8[%scan3A_40, %get3A_55] : memref<128x128xf32, #tpu.memory_space<vmem>> -> memref<1x128xf32, #tpu.memory_space<vmem>>
        %get3A_57 = tpu.memref_squeeze %get3A_56 : memref<1x128xf32, #tpu.memory_space<vmem>> -> memref<128xf32, #tpu.memory_space<vmem>>
        %get3A_58 = arith.constant 16 : index
        %get3A_59 = tpu.vector_load %get3A_57[%get3A_58] {strides = array<i32>} : memref<128xf32, #tpu.memory_space<vmem>>, vector<16xf32>,
        %get3A_60 = arith.constant 0 : i32
        %get3A_61 = tpu.memref_slice %arg9[%scan3A_40, %get3A_60] : memref<128x128xf32, #tpu.memory_space<vmem>> -> memref<1x128xf32, #tpu.memory_space<vmem>>
        %get3A_62 = tpu.memref_squeeze %get3A_61 : memref<1x128xf32, #tpu.memory_space<vmem>> -> memref<128xf32, #tpu.memory_space<vmem>>
        %get3A_63 = arith.constant 16 : index
        %get3A_64 = tpu.vector_load %get3A_62[%get3A_63] {strides = array<i32>} : memref<128xf32, #tpu.memory_space<vmem>>, vector<16xf32>,
        %mul3A_65 = arith.mulf %get3A_59, %get3A_64 : vector<16xf32>
        %swap3A_66 = arith.constant 0 : i32
        %swap3A_67 = tpu.memref_slice %arg8[%scan3A_40, %swap3A_66] : memref<128x128xf32, #tpu.memory_space<vmem>> -> memref<1x128xf32, #tpu.memory_space<vmem>>
        %swap3A_68 = tpu.memref_squeeze %swap3A_67 : memref<1x128xf32, #tpu.memory_space<vmem>> -> memref<128xf32, #tpu.memory_space<vmem>>
        %swap3A_69 = arith.constant 16 : index
        %swap3A_70 = tpu.vector_load %swap3A_68[%swap3A_69] {strides = array<i32>} : memref<128xf32, #tpu.memory_space<vmem>>, vector<16xf32>,
        tpu.vector_store %swap3A_68[%swap3A_69], %mul3A_65 {strides = array<i32>} : memref<128xf32, #tpu.memory_space<vmem>>, vector<16xf32>,
        %get3A_71 = arith.constant 0 : i32
        %get3A_72 = tpu.memref_slice %arg8[%scan3A_40, %get3A_71] : memref<128x128xf32, #tpu.memory_space<vmem>> -> memref<1x128xf32, #tpu.memory_space<vmem>>
        %get3A_73 = tpu.memref_squeeze %get3A_72 : memref<1x128xf32, #tpu.memory_space<vmem>> -> memref<128xf32, #tpu.memory_space<vmem>>
        %get3A_74 = arith.constant 32 : index
        %get3A_75 = tpu.vector_load %get3A_73[%get3A_74] {strides = array<i32>} : memref<128xf32, #tpu.memory_space<vmem>>, vector<16xf32>,
        %get3A_76 = arith.constant 0 : i32
        %get3A_77 = tpu.memref_slice %arg9[%scan3A_40, %get3A_76] : memref<128x128xf32, #tpu.memory_space<vmem>> -> memref<1x128xf32, #tpu.memory_space<vmem>>
        %get3A_78 = tpu.memref_squeeze %get3A_77 : memref<1x128xf32, #tpu.memory_space<vmem>> -> memref<128xf32, #tpu.memory_space<vmem>>
        %get3A_79 = arith.constant 32 : index
        %get3A_80 = tpu.vector_load %get3A_78[%get3A_79] {strides = array<i32>} : memref<128xf32, #tpu.memory_space<vmem>>, vector<16xf32>,
        %mul3A_81 = arith.mulf %get3A_75, %get3A_80 : vector<16xf32>
        %swap3A_82 = arith.constant 0 : i32
        %swap3A_83 = tpu.memref_slice %arg8[%scan3A_40, %swap3A_82] : memref<128x128xf32, #tpu.memory_space<vmem>> -> memref<1x128xf32, #tpu.memory_space<vmem>>
        %swap3A_84 = tpu.memref_squeeze %swap3A_83 : memref<1x128xf32, #tpu.memory_space<vmem>> -> memref<128xf32, #tpu.memory_space<vmem>>
        %swap3A_85 = arith.constant 32 : index
        %swap3A_86 = tpu.vector_load %swap3A_84[%swap3A_85] {strides = array<i32>} : memref<128xf32, #tpu.memory_space<vmem>>, vector<16xf32>,
        tpu.vector_store %swap3A_84[%swap3A_85], %mul3A_81 {strides = array<i32>} : memref<128xf32, #tpu.memory_space<vmem>>, vector<16xf32>,
        %get3A_87 = arith.constant 0 : i32
        %get3A_88 = tpu.memref_slice %arg8[%scan3A_40, %get3A_87] : memref<128x128xf32, #tpu.memory_space<vmem>> -> memref<1x128xf32, #tpu.memory_space<vmem>>
        %get3A_89 = tpu.memref_squeeze %get3A_88 : memref<1x128xf32, #tpu.memory_space<vmem>> -> memref<128xf32, #tpu.memory_space<vmem>>
        %get3A_90 = arith.constant 48 : index
        %get3A_91 = tpu.vector_load %get3A_89[%get3A_90] {strides = array<i32>} : memref<128xf32, #tpu.memory_space<vmem>>, vector<16xf32>,
        %get3A_92 = arith.constant 0 : i32
        %get3A_93 = tpu.memref_slice %arg9[%scan3A_40, %get3A_92] : memref<128x128xf32, #tpu.memory_space<vmem>> -> memref<1x128xf32, #tpu.memory_space<vmem>>
        %get3A_94 = tpu.memref_squeeze %get3A_93 : memref<1x128xf32, #tpu.memory_space<vmem>> -> memref<128xf32, #tpu.memory_space<vmem>>
        %get3A_95 = arith.constant 48 : index
        %get3A_96 = tpu.vector_load %get3A_94[%get3A_95] {strides = array<i32>} : memref<128xf32, #tpu.memory_space<vmem>>, vector<16xf32>,
        %mul3A_97 = arith.mulf %get3A_91, %get3A_96 : vector<16xf32>
        %swap3A_98 = arith.constant 0 : i32
        %swap3A_99 = tpu.memref_slice %arg8[%scan3A_40, %swap3A_98] : memref<128x128xf32, #tpu.memory_space<vmem>> -> memref<1x128xf32, #tpu.memory_space<vmem>>
        %swap3A_100 = tpu.memref_squeeze %swap3A_99 : memref<1x128xf32, #tpu.memory_space<vmem>> -> memref<128xf32, #tpu.memory_space<vmem>>
        %swap3A_101 = arith.constant 48 : index
        %swap3A_102 = tpu.vector_load %swap3A_100[%swap3A_101] {strides = array<i32>} : memref<128xf32, #tpu.memory_space<vmem>>, vector<16xf32>,
        tpu.vector_store %swap3A_100[%swap3A_101], %mul3A_97 {strides = array<i32>} : memref<128xf32, #tpu.memory_space<vmem>>, vector<16xf32>,
        %get3A_103 = arith.constant 0 : i32
        %get3A_104 = tpu.memref_slice %arg8[%scan3A_40, %get3A_103] : memref<128x128xf32, #tpu.memory_space<vmem>> -> memref<1x128xf32, #tpu.memory_space<vmem>>
        %get3A_105 = tpu.memref_squeeze %get3A_104 : memref<1x128xf32, #tpu.memory_space<vmem>> -> memref<128xf32, #tpu.memory_space<vmem>>
        %get3A_106 = arith.constant 64 : index
        %get3A_107 = tpu.vector_load %get3A_105[%get3A_106] {strides = array<i32>} : memref<128xf32, #tpu.memory_space<vmem>>, vector<16xf32>,
        %get3A_108 = arith.constant 0 : i32
        %get3A_109 = tpu.memref_slice %arg9[%scan3A_40, %get3A_108] : memref<128x128xf32, #tpu.memory_space<vmem>> -> memref<1x128xf32, #tpu.memory_space<vmem>>
        %get3A_110 = tpu.memref_squeeze %get3A_109 : memref<1x128xf32, #tpu.memory_space<vmem>> -> memref<128xf32, #tpu.memory_space<vmem>>
        %get3A_111 = arith.constant 64 : index
        %get3A_112 = tpu.vector_load %get3A_110[%get3A_111] {strides = array<i32>} : memref<128xf32, #tpu.memory_space<vmem>>, vector<16xf32>,
        %mul3A_113 = arith.mulf %get3A_107, %get3A_112 : vector<16xf32>
        %swap3A_114 = arith.constant 0 : i32
        %swap3A_115 = tpu.memref_slice %arg8[%scan3A_40, %swap3A_114] : memref<128x128xf32, #tpu.memory_space<vmem>> -> memref<1x128xf32, #tpu.memory_space<vmem>>
        %swap3A_116 = tpu.memref_squeeze %swap3A_115 : memref<1x128xf32, #tpu.memory_space<vmem>> -> memref<128xf32, #tpu.memory_space<vmem>>
        %swap3A_117 = arith.constant 64 : index
        %swap3A_118 = tpu.vector_load %swap3A_116[%swap3A_117] {strides = array<i32>} : memref<128xf32, #tpu.memory_space<vmem>>, vector<16xf32>,
        tpu.vector_store %swap3A_116[%swap3A_117], %mul3A_113 {strides = array<i32>} : memref<128xf32, #tpu.memory_space<vmem>>, vector<16xf32>,
        %get3A_119 = arith.constant 0 : i32
        %get3A_120 = tpu.memref_slice %arg8[%scan3A_40, %get3A_119] : memref<128x128xf32, #tpu.memory_space<vmem>> -> memref<1x128xf32, #tpu.memory_space<vmem>>
        %get3A_121 = tpu.memref_squeeze %get3A_120 : memref<1x128xf32, #tpu.memory_space<vmem>> -> memref<128xf32, #tpu.memory_space<vmem>>
        %get3A_122 = arith.constant 80 : index
        %get3A_123 = tpu.vector_load %get3A_121[%get3A_122] {strides = array<i32>} : memref<128xf32, #tpu.memory_space<vmem>>, vector<16xf32>,
        %get3A_124 = arith.constant 0 : i32
        %get3A_125 = tpu.memref_slice %arg9[%scan3A_40, %get3A_124] : memref<128x128xf32, #tpu.memory_space<vmem>> -> memref<1x128xf32, #tpu.memory_space<vmem>>
        %get3A_126 = tpu.memref_squeeze %get3A_125 : memref<1x128xf32, #tpu.memory_space<vmem>> -> memref<128xf32, #tpu.memory_space<vmem>>
        %get3A_127 = arith.constant 80 : index
        %get3A_128 = tpu.vector_load %get3A_126[%get3A_127] {strides = array<i32>} : memref<128xf32, #tpu.memory_space<vmem>>, vector<16xf32>,
        %mul3A_129 = arith.mulf %get3A_123, %get3A_128 : vector<16xf32>
        %swap3A_130 = arith.constant 0 : i32
        %swap3A_131 = tpu.memref_slice %arg8[%scan3A_40, %swap3A_130] : memref<128x128xf32, #tpu.memory_space<vmem>> -> memref<1x128xf32, #tpu.memory_space<vmem>>
        %swap3A_132 = tpu.memref_squeeze %swap3A_131 : memref<1x128xf32, #tpu.memory_space<vmem>> -> memref<128xf32, #tpu.memory_space<vmem>>
        %swap3A_133 = arith.constant 80 : index
        %swap3A_134 = tpu.vector_load %swap3A_132[%swap3A_133] {strides = array<i32>} : memref<128xf32, #tpu.memory_space<vmem>>, vector<16xf32>,
        tpu.vector_store %swap3A_132[%swap3A_133], %mul3A_129 {strides = array<i32>} : memref<128xf32, #tpu.memory_space<vmem>>, vector<16xf32>,
        %get3A_135 = arith.constant 0 : i32
        %get3A_136 = tpu.memref_slice %arg8[%scan3A_40, %get3A_135] : memref<128x128xf32, #tpu.memory_space<vmem>> -> memref<1x128xf32, #tpu.memory_space<vmem>>
        %get3A_137 = tpu.memref_squeeze %get3A_136 : memref<1x128xf32, #tpu.memory_space<vmem>> -> memref<128xf32, #tpu.memory_space<vmem>>
        %get3A_138 = arith.constant 96 : index
        %get3A_139 = tpu.vector_load %get3A_137[%get3A_138] {strides = array<i32>} : memref<128xf32, #tpu.memory_space<vmem>>, vector<16xf32>,
        %get3A_140 = arith.constant 0 : i32
        %get3A_141 = tpu.memref_slice %arg9[%scan3A_40, %get3A_140] : memref<128x128xf32, #tpu.memory_space<vmem>> -> memref<1x128xf32, #tpu.memory_space<vmem>>
        %get3A_142 = tpu.memref_squeeze %get3A_141 : memref<1x128xf32, #tpu.memory_space<vmem>> -> memref<128xf32, #tpu.memory_space<vmem>>
        %get3A_143 = arith.constant 96 : index
        %get3A_144 = tpu.vector_load %get3A_142[%get3A_143] {strides = array<i32>} : memref<128xf32, #tpu.memory_space<vmem>>, vector<16xf32>,
        %mul3A_145 = arith.mulf %get3A_139, %get3A_144 : vector<16xf32>
        %swap3A_146 = arith.constant 0 : i32
        %swap3A_147 = tpu.memref_slice %arg8[%scan3A_40, %swap3A_146] : memref<128x128xf32, #tpu.memory_space<vmem>> -> memref<1x128xf32, #tpu.memory_space<vmem>>
        %swap3A_148 = tpu.memref_squeeze %swap3A_147 : memref<1x128xf32, #tpu.memory_space<vmem>> -> memref<128xf32, #tpu.memory_space<vmem>>
        %swap3A_149 = arith.constant 96 : index
        %swap3A_150 = tpu.vector_load %swap3A_148[%swap3A_149] {strides = array<i32>} : memref<128xf32, #tpu.memory_space<vmem>>, vector<16xf32>,
        tpu.vector_store %swap3A_148[%swap3A_149], %mul3A_145 {strides = array<i32>} : memref<128xf32, #tpu.memory_space<vmem>>, vector<16xf32>,
        %get3A_151 = arith.constant 0 : i32
        %get3A_152 = tpu.memref_slice %arg8[%scan3A_40, %get3A_151] : memref<128x128xf32, #tpu.memory_space<vmem>> -> memref<1x128xf32, #tpu.memory_space<vmem>>
        %get3A_153 = tpu.memref_squeeze %get3A_152 : memref<1x128xf32, #tpu.memory_space<vmem>> -> memref<128xf32, #tpu.memory_space<vmem>>
        %get3A_154 = arith.constant 112 : index
        %get3A_155 = tpu.vector_load %get3A_153[%get3A_154] {strides = array<i32>} : memref<128xf32, #tpu.memory_space<vmem>>, vector<16xf32>,
        %get3A_156 = arith.constant 0 : i32
        %get3A_157 = tpu.memref_slice %arg9[%scan3A_40, %get3A_156] : memref<128x128xf32, #tpu.memory_space<vmem>> -> memref<1x128xf32, #tpu.memory_space<vmem>>
        %get3A_158 = tpu.memref_squeeze %get3A_157 : memref<1x128xf32, #tpu.memory_space<vmem>> -> memref<128xf32, #tpu.memory_space<vmem>>
        %get3A_159 = arith.constant 112 : index
        %get3A_160 = tpu.vector_load %get3A_158[%get3A_159] {strides = array<i32>} : memref<128xf32, #tpu.memory_space<vmem>>, vector<16xf32>,
        %mul3A_161 = arith.mulf %get3A_155, %get3A_160 : vector<16xf32>
        %swap3A_162 = arith.constant 0 : i32
        %swap3A_163 = tpu.memref_slice %arg8[%scan3A_40, %swap3A_162] : memref<128x128xf32, #tpu.memory_space<vmem>> -> memref<1x128xf32, #tpu.memory_space<vmem>>
        %swap3A_164 = tpu.memref_squeeze %swap3A_163 : memref<1x128xf32, #tpu.memory_space<vmem>> -> memref<128xf32, #tpu.memory_space<vmem>>
        %swap3A_165 = arith.constant 112 : index
        %swap3A_166 = tpu.vector_load %swap3A_164[%swap3A_165] {strides = array<i32>} : memref<128xf32, #tpu.memory_space<vmem>>, vector<16xf32>,
        tpu.vector_store %swap3A_164[%swap3A_165], %mul3A_161 {strides = array<i32>} : memref<128xf32, #tpu.memory_space<vmem>>, vector<16xf32>,
      }
      %scan3A_34 = arith.constant 128 : i32
      %mul3A_35 = arith.constant 25 : i32
      %mul3A_36 = arith.muli %add3A, %mul3A_35 : i32
      %add3A_37 = arith.addi %mul3A_36, %scan3A_6 : i32
      %mul3A_38 = arith.constant 128 : i32
      %mul3A_39 = arith.muli %add3A_37, %mul3A_38 : i32
      "tpu.region"() ({
        %run_scoped3A = tpu.sem_alloc : memref<!tpu.dma_semaphore, #tpu.memory_space<semaphore_mem>>
        %dma_start3A_40 = arith.constant 0 : i32
        %dma_start3A_41 = tpu.memref_slice %arg5[%mul3A_39, %dma_start3A_40] : memref<102400x128xf32, #tpu.memory_space<hbm>> -> memref<128x128xf32, #tpu.memory_space<hbm>>
        %dma_start3A_42 = arith.constant 0 : i32
        %dma_start3A_43 = tpu.memref_slice %arg5[%mul3A_39, %dma_start3A_42] : memref<102400x128xf32, #tpu.memory_space<hbm>> -> memref<128x128xf32, #tpu.memory_space<hbm>>
        tpu.enqueue_dma source(%arg8 : memref<128x128xf32, #tpu.memory_space<vmem>>) target(%dma_start3A_43 : memref<128x128xf32, #tpu.memory_space<hbm>>) target_semaphore(%run_scoped3A : memref<!tpu.dma_semaphore, #tpu.memory_space<semaphore_mem>>)
        %dma_wait3A_44 = arith.constant 0 : i32
        %dma_wait3A_45 = tpu.memref_slice %arg5[%mul3A_39, %dma_wait3A_44] : memref<102400x128xf32, #tpu.memory_space<hbm>> -> memref<128x128xf32, #tpu.memory_space<hbm>>
        %dma_wait3A_46 = arith.constant 0 : i32
        %dma_wait3A_47 = tpu.memref_slice %arg5[%mul3A_39, %dma_wait3A_46] : memref<102400x128xf32, #tpu.memory_space<hbm>> -> memref<128x128xf32, #tpu.memory_space<hbm>>
        tpu.wait_dma2 semaphore(%run_scoped3A : memref<!tpu.dma_semaphore, #tpu.memory_space<semaphore_mem>>) src(%arg8 : memref<128x128xf32, #tpu.memory_space<vmem>>) dst(%dma_wait3A_47 : memref<128x128xf32, #tpu.memory_space<hbm>>)
        tpu.yield
      }) : () -> ()
    }
    %scan3A_5 = arith.constant 25 : i32
    return
  }
}

module attributes {stable_mosaic.version = 14 : i64} {
  func.func @_t1_body(%arg0: memref<10000x128xf32, #tpu.memory_space<vmem>>, %arg1: memref<128x128xf32, #tpu.memory_space<vmem>>, %arg2: memref<128x2xf32, #tpu.memory_space<vmem>>, %arg3: memref<10000x128xf32, #tpu.memory_space<vmem>>, %arg4: memref<10112x2xf32, #tpu.memory_space<vmem>>) attributes {dimension_semantics = [], scalar_prefetch = 0 : i64, scratch_operands = 0 : i64, tpu.core_type = #tpu.core_type<tc>} {
    %get3A = arith.constant 0 : index
    %get3A_0 = arith.constant 0 : index
    %get3A_1 = vector.load %arg0[%get3A, %get3A_0] : memref<10000x128xf32, #tpu.memory_space<vmem>>, vector<10000x128xf32>
    %get3A_2 = arith.constant 0 : index
    %get3A_3 = arith.constant 0 : index
    %get3A_4 = vector.load %arg1[%get3A_2, %get3A_3] : memref<128x128xf32, #tpu.memory_space<vmem>>, vector<128x128xf32>
    %dot_general3A = arith.constant dense<0.000000e+00> : vector<10000x128xf32>
    %dot_general3A_5 = tpu.matmul %get3A_1, %get3A_4, %dot_general3A {dimension_numbers = #tpu.dot_dimension_numbers<[1], [0], [0], [1], [0, 0, 1, 1], [], []>, transpose_lhs_hint = false} : vector<10000x128xf32>, vector<128x128xf32>, vector<10000x128xf32> -> vector<10000x128xf32>
    %get3A_6 = arith.constant 0 : index
    %get3A_7 = arith.constant 0 : index
    %get3A_8 = vector.load %arg2[%get3A_6, %get3A_7] : memref<128x2xf32, #tpu.memory_space<vmem>>, vector<128x2xf32>
    %dot_general3A_9 = arith.constant dense<0.000000e+00> : vector<10000x2xf32>
    %dot_general3A_10 = tpu.matmul %dot_general3A_5, %get3A_8, %dot_general3A_9 {dimension_numbers = #tpu.dot_dimension_numbers<[1], [0], [0], [1], [0, 0, 1, 1], [], []>, transpose_lhs_hint = false} : vector<10000x128xf32>, vector<128x2xf32>, vector<10000x2xf32> -> vector<10000x2xf32>
    %swap3A = arith.constant 0 : index
    %swap3A_11 = arith.constant 0 : index
    %swap3A_12 = vector.load %arg3[%swap3A, %swap3A_11] : memref<10000x128xf32, #tpu.memory_space<vmem>>, vector<10000x128xf32>
    tpu.vector_store %arg3[%swap3A, %swap3A_11], %dot_general3A_5 {strides = array<i32>} : memref<10000x128xf32, #tpu.memory_space<vmem>>, vector<10000x128xf32>,
    %swap3A_13 = arith.constant 0 : index
    %swap3A_14 = arith.constant 0 : index
    %swap3A_15 = vector.load %arg4[%swap3A_13, %swap3A_14] : memref<10112x2xf32, #tpu.memory_space<vmem>>, vector<10000x2xf32>
    tpu.vector_store %arg4[%swap3A_13, %swap3A_14], %dot_general3A_10 {strides = array<i32>} : memref<10112x2xf32, #tpu.memory_space<vmem>>, vector<10000x2xf32>,
    %broadcast_in_dim3A = arith.constant 0.000000e+00 : f32
    %broadcast_in_dim3A_16 = vector.broadcast %broadcast_in_dim3A : f32 to vector<112x2xf32>
    %swap3A_17 = arith.constant 10000 : index
    %swap3A_18 = arith.constant 0 : index
    %swap3A_19 = vector.load %arg4[%swap3A_17, %swap3A_18] : memref<10112x2xf32, #tpu.memory_space<vmem>>, vector<112x2xf32>
    tpu.vector_store %arg4[%swap3A_17, %swap3A_18], %broadcast_in_dim3A_16 {strides = array<i32>} : memref<10112x2xf32, #tpu.memory_space<vmem>>, vector<112x2xf32>,
    return
  }
}

module attributes {stable_mosaic.version = 14 : i64} {
  func.func @_t2_body(%arg0: memref<2x10112x128xf32, #tpu.memory_space<vmem>>, %arg1: memref<2x10112x16xf32, #tpu.memory_space<vmem>>, %arg2: memref<1x128xf32, #tpu.memory_space<vmem>>, %arg3: memref<1x128xf32, #tpu.memory_space<vmem>>, %arg4: memref<1x128xf32, #tpu.memory_space<vmem>>, %arg5: memref<1x128xf32, #tpu.memory_space<vmem>>, %arg6: memref<1x128xf32, #tpu.memory_space<vmem>>, %arg7: memref<128x128xf32, #tpu.memory_space<vmem>>, %arg8: memref<128x2xf32, #tpu.memory_space<vmem>>, %arg9: memref<10000x128xf32, #tpu.memory_space<vmem>>, %arg10: memref<10112x2xf32, #tpu.memory_space<vmem>>) attributes {dimension_semantics = [], scalar_prefetch = 0 : i64, scratch_operands = 0 : i64, tpu.core_type = #tpu.core_type<tc>} {
    %get3A = arith.constant 0 : index
    %get3A_0 = arith.constant 0 : index
    %get3A_1 = arith.constant 0 : index
    %get3A_2 = vector.load %arg0[%get3A, %get3A_0, %get3A_1] : memref<2x10112x128xf32, #tpu.memory_space<vmem>>, vector<1x10112x128xf32>
    %get3A_3 = vector.shape_cast %get3A_2 : vector<1x10112x128xf32> to vector<10112x128xf32>
    %get3A_4 = arith.constant 1 : index
    %get3A_5 = arith.constant 0 : index
    %get3A_6 = arith.constant 0 : index
    %get3A_7 = vector.load %arg0[%get3A_4, %get3A_5, %get3A_6] : memref<2x10112x128xf32, #tpu.memory_space<vmem>>, vector<1x10112x128xf32>
    %get3A_8 = vector.shape_cast %get3A_7 : vector<1x10112x128xf32> to vector<10112x128xf32>
    %add3A = arith.addf %get3A_3, %get3A_8 : vector<10112x128xf32>
    %get3A_9 = arith.constant 0 : index
    %get3A_10 = arith.constant 0 : index
    %get3A_11 = arith.constant 0 : index
    %get3A_12 = vector.load %arg1[%get3A_9, %get3A_10, %get3A_11] : memref<2x10112x16xf32, #tpu.memory_space<vmem>>, vector<1x10112x16xf32>
    %get3A_13 = vector.shape_cast %get3A_12 : vector<1x10112x16xf32> to vector<10112x16xf32>
    %get3A_14 = arith.constant 1 : index
    %get3A_15 = arith.constant 0 : index
    %get3A_16 = arith.constant 0 : index
    %get3A_17 = vector.load %arg1[%get3A_14, %get3A_15, %get3A_16] : memref<2x10112x16xf32, #tpu.memory_space<vmem>>, vector<1x10112x16xf32>
    %get3A_18 = vector.shape_cast %get3A_17 : vector<1x10112x16xf32> to vector<10112x16xf32>
    %add3A_19 = arith.addf %get3A_13, %get3A_18 : vector<10112x16xf32>
    %slice3A = vector.extract_strided_slice %add3A {offsets = [0, 0], sizes = [10000, 128], strides = [1, 1]} : vector<10112x128xf32> to vector<10000x128xf32>
    %slice3A_20 = vector.extract_strided_slice %add3A_19 {offsets = [0, 0], sizes = [10000, 1], strides = [1, 1]} : vector<10112x16xf32> to vector<10000x1xf32>
    %add3A_21 = arith.constant 1.000000e-16 : f32
    %add3A_22 = vector.broadcast %add3A_21 : f32 to vector<10000x1xf32>
    %add3A_23 = arith.addf %slice3A_20, %add3A_22 : vector<10000x1xf32>
    %div3A = vector.broadcast %add3A_23 : vector<10000x1xf32> to vector<10000x128xf32>
    %div3A_24 = arith.divf %slice3A, %div3A : vector<10000x128xf32>
    %get3A_25 = arith.constant 0 : index
    %get3A_26 = arith.constant 0 : index
    %get3A_27 = vector.load %arg2[%get3A_25, %get3A_26] : memref<1x128xf32, #tpu.memory_space<vmem>>, vector<1x128xf32>
    %add3A_28 = vector.broadcast %get3A_27 : vector<1x128xf32> to vector<10000x128xf32>
    %add3A_29 = arith.addf %div3A_24, %add3A_28 : vector<10000x128xf32>
    %get3A_30 = arith.constant 0 : index
    %get3A_31 = arith.constant 0 : index
    %get3A_32 = vector.load %arg5[%get3A_30, %get3A_31] : memref<1x128xf32, #tpu.memory_space<vmem>>, vector<1x128xf32>
    %sub3A = vector.broadcast %get3A_32 : vector<1x128xf32> to vector<10000x128xf32>
    %sub3A_33 = arith.subf %add3A_29, %sub3A : vector<10000x128xf32>
    %get3A_34 = arith.constant 0 : index
    %get3A_35 = arith.constant 0 : index
    %get3A_36 = vector.load %arg6[%get3A_34, %get3A_35] : memref<1x128xf32, #tpu.memory_space<vmem>>, vector<1x128xf32>
    %add3A_37 = arith.constant 9.99999974E-6 : f32
    %add3A_38 = vector.broadcast %add3A_37 : f32 to vector<1x128xf32>
    %add3A_39 = arith.addf %get3A_36, %add3A_38 : vector<1x128xf32>
    %rsqrt3A = math.rsqrt %add3A_39 : vector<1x128xf32>
    %mul3A = vector.broadcast %rsqrt3A : vector<1x128xf32> to vector<10000x128xf32>
    %mul3A_40 = arith.mulf %sub3A_33, %mul3A : vector<10000x128xf32>
    %get3A_41 = arith.constant 0 : index
    %get3A_42 = arith.constant 0 : index
    %get3A_43 = vector.load %arg3[%get3A_41, %get3A_42] : memref<1x128xf32, #tpu.memory_space<vmem>>, vector<1x128xf32>
    %mul3A_44 = vector.broadcast %get3A_43 : vector<1x128xf32> to vector<10000x128xf32>
    %mul3A_45 = arith.mulf %mul3A_40, %mul3A_44 : vector<10000x128xf32>
    %get3A_46 = arith.constant 0 : index
    %get3A_47 = arith.constant 0 : index
    %get3A_48 = vector.load %arg4[%get3A_46, %get3A_47] : memref<1x128xf32, #tpu.memory_space<vmem>>, vector<1x128xf32>
    %add3A_49 = vector.broadcast %get3A_48 : vector<1x128xf32> to vector<10000x128xf32>
    %add3A_50 = arith.addf %mul3A_45, %add3A_49 : vector<10000x128xf32>
    %max3A = arith.constant 0.000000e+00 : f32
    %max3A_51 = vector.broadcast %max3A : f32 to vector<10000x128xf32>
    %max3A_52 = arith.maximumf %add3A_50, %max3A_51 : vector<10000x128xf32>
    %get3A_53 = arith.constant 0 : index
    %get3A_54 = arith.constant 0 : index
    %get3A_55 = vector.load %arg7[%get3A_53, %get3A_54] : memref<128x128xf32, #tpu.memory_space<vmem>>, vector<128x128xf32>
    %dot_general3A = arith.constant dense<0.000000e+00> : vector<10000x128xf32>
    %dot_general3A_56 = tpu.matmul %max3A_52, %get3A_55, %dot_general3A {dimension_numbers = #tpu.dot_dimension_numbers<[1], [0], [0], [1], [0, 0, 1, 1], [], []>, transpose_lhs_hint = false} : vector<10000x128xf32>, vector<128x128xf32>, vector<10000x128xf32> -> vector<10000x128xf32>
    %get3A_57 = arith.constant 0 : index
    %get3A_58 = arith.constant 0 : index
    %get3A_59 = vector.load %arg8[%get3A_57, %get3A_58] : memref<128x2xf32, #tpu.memory_space<vmem>>, vector<128x2xf32>
    %dot_general3A_60 = arith.constant dense<0.000000e+00> : vector<10000x2xf32>
    %dot_general3A_61 = tpu.matmul %dot_general3A_56, %get3A_59, %dot_general3A_60 {dimension_numbers = #tpu.dot_dimension_numbers<[1], [0], [0], [1], [0, 0, 1, 1], [], []>, transpose_lhs_hint = false} : vector<10000x128xf32>, vector<128x2xf32>, vector<10000x2xf32> -> vector<10000x2xf32>
    %swap3A = arith.constant 0 : index
    %swap3A_62 = arith.constant 0 : index
    %swap3A_63 = vector.load %arg9[%swap3A, %swap3A_62] : memref<10000x128xf32, #tpu.memory_space<vmem>>, vector<10000x128xf32>
    tpu.vector_store %arg9[%swap3A, %swap3A_62], %dot_general3A_56 {strides = array<i32>} : memref<10000x128xf32, #tpu.memory_space<vmem>>, vector<10000x128xf32>,
    %swap3A_64 = arith.constant 0 : index
    %swap3A_65 = arith.constant 0 : index
    %swap3A_66 = vector.load %arg10[%swap3A_64, %swap3A_65] : memref<10112x2xf32, #tpu.memory_space<vmem>>, vector<10000x2xf32>
    tpu.vector_store %arg10[%swap3A_64, %swap3A_65], %dot_general3A_61 {strides = array<i32>} : memref<10112x2xf32, #tpu.memory_space<vmem>>, vector<10000x2xf32>,
    %broadcast_in_dim3A = arith.constant 0.000000e+00 : f32
    %broadcast_in_dim3A_67 = vector.broadcast %broadcast_in_dim3A : f32 to vector<112x2xf32>
    %swap3A_68 = arith.constant 10000 : index
    %swap3A_69 = arith.constant 0 : index
    %swap3A_70 = vector.load %arg10[%swap3A_68, %swap3A_69] : memref<10112x2xf32, #tpu.memory_space<vmem>>, vector<112x2xf32>
    tpu.vector_store %arg10[%swap3A_68, %swap3A_69], %broadcast_in_dim3A_67 {strides = array<i32>} : memref<10112x2xf32, #tpu.memory_space<vmem>>, vector<112x2xf32>,
    return
  }
}

module attributes {stable_mosaic.version = 14 : i64} {
  func.func @_t3_body(%arg0: memref<2x10112x128xf32, #tpu.memory_space<vmem>>, %arg1: memref<2x10112x16xf32, #tpu.memory_space<vmem>>, %arg2: memref<1x128xf32, #tpu.memory_space<vmem>>, %arg3: memref<10000x128xf32, #tpu.memory_space<vmem>>) attributes {dimension_semantics = [], scalar_prefetch = 0 : i64, scratch_operands = 0 : i64, tpu.core_type = #tpu.core_type<tc>} {
    %get3A = arith.constant 0 : index
    %get3A_0 = arith.constant 0 : index
    %get3A_1 = arith.constant 0 : index
    %get3A_2 = vector.load %arg0[%get3A, %get3A_0, %get3A_1] : memref<2x10112x128xf32, #tpu.memory_space<vmem>>, vector<1x10112x128xf32>
    %get3A_3 = vector.shape_cast %get3A_2 : vector<1x10112x128xf32> to vector<10112x128xf32>
    %get3A_4 = arith.constant 1 : index
    %get3A_5 = arith.constant 0 : index
    %get3A_6 = arith.constant 0 : index
    %get3A_7 = vector.load %arg0[%get3A_4, %get3A_5, %get3A_6] : memref<2x10112x128xf32, #tpu.memory_space<vmem>>, vector<1x10112x128xf32>
    %get3A_8 = vector.shape_cast %get3A_7 : vector<1x10112x128xf32> to vector<10112x128xf32>
    %add3A = arith.addf %get3A_3, %get3A_8 : vector<10112x128xf32>
    %get3A_9 = arith.constant 0 : index
    %get3A_10 = arith.constant 0 : index
    %get3A_11 = arith.constant 0 : index
    %get3A_12 = vector.load %arg1[%get3A_9, %get3A_10, %get3A_11] : memref<2x10112x16xf32, #tpu.memory_space<vmem>>, vector<1x10112x16xf32>
    %get3A_13 = vector.shape_cast %get3A_12 : vector<1x10112x16xf32> to vector<10112x16xf32>
    %get3A_14 = arith.constant 1 : index
    %get3A_15 = arith.constant 0 : index
    %get3A_16 = arith.constant 0 : index
    %get3A_17 = vector.load %arg1[%get3A_14, %get3A_15, %get3A_16] : memref<2x10112x16xf32, #tpu.memory_space<vmem>>, vector<1x10112x16xf32>
    %get3A_18 = vector.shape_cast %get3A_17 : vector<1x10112x16xf32> to vector<10112x16xf32>
    %add3A_19 = arith.addf %get3A_13, %get3A_18 : vector<10112x16xf32>
    %slice3A = vector.extract_strided_slice %add3A {offsets = [0, 0], sizes = [10000, 128], strides = [1, 1]} : vector<10112x128xf32> to vector<10000x128xf32>
    %slice3A_20 = vector.extract_strided_slice %add3A_19 {offsets = [0, 0], sizes = [10000, 1], strides = [1, 1]} : vector<10112x16xf32> to vector<10000x1xf32>
    %add3A_21 = arith.constant 1.000000e-16 : f32
    %add3A_22 = vector.broadcast %add3A_21 : f32 to vector<10000x1xf32>
    %add3A_23 = arith.addf %slice3A_20, %add3A_22 : vector<10000x1xf32>
    %div3A = vector.broadcast %add3A_23 : vector<10000x1xf32> to vector<10000x128xf32>
    %div3A_24 = arith.divf %slice3A, %div3A : vector<10000x128xf32>
    %get3A_25 = arith.constant 0 : index
    %get3A_26 = arith.constant 0 : index
    %get3A_27 = vector.load %arg2[%get3A_25, %get3A_26] : memref<1x128xf32, #tpu.memory_space<vmem>>, vector<1x128xf32>
    %add3A_28 = vector.broadcast %get3A_27 : vector<1x128xf32> to vector<10000x128xf32>
    %add3A_29 = arith.addf %div3A_24, %add3A_28 : vector<10000x128xf32>
    %swap3A = arith.constant 0 : index
    %swap3A_30 = arith.constant 0 : index
    %swap3A_31 = vector.load %arg3[%swap3A, %swap3A_30] : memref<10000x128xf32, #tpu.memory_space<vmem>>, vector<10000x128xf32>
    tpu.vector_store %arg3[%swap3A, %swap3A_30], %add3A_29 {strides = array<i32>} : memref<10000x128xf32, #tpu.memory_space<vmem>>, vector<10000x128xf32>,
    return
  }
}

module attributes {stable_mosaic.version = 14 : i64} {
  func.func @_t4_body(%arg0: i32, %arg1: memref<10240x128xf32, #tpu.memory_space<vmem>>, %arg2: memref<128x128xf32, #tpu.memory_space<vmem>>, %arg3: memref<1x128xf32, #tpu.memory_space<vmem>>, %arg4: memref<128x1xf32, #tpu.memory_space<vmem>>, %arg5: memref<1x1xf32, #tpu.memory_space<vmem>>, %arg6: memref<10240x1xf32, #tpu.memory_space<vmem>>) attributes {dimension_semantics = [#tpu.dimension_semantics<arbitrary>], iteration_bounds = array<i64: 10>, scalar_prefetch = 0 : i64, scratch_operands = 0 : i64, tpu.core_type = #tpu.core_type<tc>, window_params = [{transform_indices = @transform_0, window_bounds = array<i64: 10240, 128>}, {pipeline_mode = #tpu.pipeline_mode<synchronous>, transform_indices = @transform_1, window_bounds = array<i64: 128, 128>}, {pipeline_mode = #tpu.pipeline_mode<synchronous>, transform_indices = @transform_2, window_bounds = array<i64: 1, 128>}, {pipeline_mode = #tpu.pipeline_mode<synchronous>, transform_indices = @transform_3, window_bounds = array<i64: 128, 1>}, {pipeline_mode = #tpu.pipeline_mode<synchronous>, transform_indices = @transform_4, window_bounds = array<i64: 1, 1>}, {transform_indices = @transform_5, window_bounds = array<i64: 10240, 1>}]} {
    %get3A = arith.constant 0 : index
    %get3A_0 = arith.constant 0 : index
    %get3A_1 = vector.load %arg1[%get3A, %get3A_0] : memref<10240x128xf32, #tpu.memory_space<vmem>>, vector<10240x128xf32>
    %get3A_2 = arith.constant 0 : index
    %get3A_3 = arith.constant 0 : index
    %get3A_4 = vector.load %arg2[%get3A_2, %get3A_3] : memref<128x128xf32, #tpu.memory_space<vmem>>, vector<128x128xf32>
    %dot_general3A = arith.constant dense<0.000000e+00> : vector<10240x128xf32>
    %dot_general3A_5 = tpu.matmul %get3A_1, %get3A_4, %dot_general3A {dimension_numbers = #tpu.dot_dimension_numbers<[1], [0], [0], [1], [0, 0, 1, 1], [], []>, transpose_lhs_hint = false} : vector<10240x128xf32>, vector<128x128xf32>, vector<10240x128xf32> -> vector<10240x128xf32>
    %get3A_6 = arith.constant 0 : index
    %get3A_7 = arith.constant 0 : index
    %get3A_8 = vector.load %arg3[%get3A_6, %get3A_7] : memref<1x128xf32, #tpu.memory_space<vmem>>, vector<1x128xf32>
    %add3A = vector.broadcast %get3A_8 : vector<1x128xf32> to vector<10240x128xf32>
    %add3A_9 = arith.addf %dot_general3A_5, %add3A : vector<10240x128xf32>
    %max3A = arith.constant 0.000000e+00 : f32
    %max3A_10 = vector.broadcast %max3A : f32 to vector<10240x128xf32>
    %max3A_11 = arith.maximumf %add3A_9, %max3A_10 : vector<10240x128xf32>
    %get3A_12 = arith.constant 0 : index
    %get3A_13 = arith.constant 0 : index
    %get3A_14 = vector.load %arg4[%get3A_12, %get3A_13] : memref<128x1xf32, #tpu.memory_space<vmem>>, vector<128x1xf32>
    %dot_general3A_15 = arith.constant dense<0.000000e+00> : vector<10240x1xf32>
    %dot_general3A_16 = tpu.matmul %max3A_11, %get3A_14, %dot_general3A_15 {dimension_numbers = #tpu.dot_dimension_numbers<[1], [0], [0], [1], [0, 0, 1, 1], [], []>, transpose_lhs_hint = false} : vector<10240x128xf32>, vector<128x1xf32>, vector<10240x1xf32> -> vector<10240x1xf32>
    %get3A_17 = arith.constant 0 : index
    %get3A_18 = arith.constant 0 : index
    %get3A_19 = vector.load %arg5[%get3A_17, %get3A_18] : memref<1x1xf32, #tpu.memory_space<vmem>>, vector<1x1xf32>
    %add3A_20 = vector.broadcast %get3A_19 : vector<1x1xf32> to vector<10240x1xf32>
    %add3A_21 = arith.addf %dot_general3A_16, %add3A_20 : vector<10240x1xf32>
    %logistic3A = arith.negf %add3A_21 : vector<10240x1xf32>
    %logistic3A_22 = math.exp %logistic3A : vector<10240x1xf32>
    %logistic3A_23 = arith.constant 1.000000e+00 : f32
    %logistic3A_24 = vector.broadcast %logistic3A_23 : f32 to vector<10240x1xf32>
    %logistic3A_25 = arith.addf %logistic3A_24, %logistic3A_22 : vector<10240x1xf32>
    %logistic3A_26 = arith.divf %logistic3A_24, %logistic3A_25 : vector<10240x1xf32>
    %swap3A = arith.constant 0 : index
    %swap3A_27 = arith.constant 0 : index
    %swap3A_28 = vector.load %arg6[%swap3A, %swap3A_27] : memref<10240x1xf32, #tpu.memory_space<vmem>>, vector<10240x1xf32>
    tpu.vector_store %arg6[%swap3A, %swap3A_27], %logistic3A_26 {strides = array<i32>} : memref<10240x1xf32, #tpu.memory_space<vmem>>, vector<10240x1xf32>,
    return
  }
  func.func @transform_0(%arg0: i32) -> (i32, i32) {
    %c0_i32 = arith.constant 0 : i32
    %c0_i32_0 = arith.constant 0 : i32
    return %arg0, %c0_i32 : i32, i32
  }
  func.func @transform_1(%arg0: i32) -> (i32, i32) {
    %c0_i32 = arith.constant 0 : i32
    %c0_i32_0 = arith.constant 0 : i32
    %c0_i32_1 = arith.constant 0 : i32
    return %c0_i32, %c0_i32_0 : i32, i32
  }
  func.func @transform_2(%arg0: i32) -> (i32, i32) {
    %c0_i32 = arith.constant 0 : i32
    %c0_i32_0 = arith.constant 0 : i32
    %c0_i32_1 = arith.constant 0 : i32
    return %c0_i32, %c0_i32_0 : i32, i32
  }
  func.func @transform_3(%arg0: i32) -> (i32, i32) {
    %c0_i32 = arith.constant 0 : i32
    %c0_i32_0 = arith.constant 0 : i32
    %c0_i32_1 = arith.constant 0 : i32
    return %c0_i32, %c0_i32_0 : i32, i32
  }
  func.func @transform_4(%arg0: i32) -> (i32, i32) {
    %c0_i32 = arith.constant 0 : i32
    %c0_i32_0 = arith.constant 0 : i32
    %c0_i32_1 = arith.constant 0 : i32
    return %c0_i32, %c0_i32_0 : i32, i32
  }
  func.func @transform_5(%arg0: i32) -> (i32, i32) {
    %c0_i32 = arith.constant 0 : i32
    %c0_i32_0 = arith.constant 0 : i32
    return %arg0, %c0_i32 : i32, i32
  }
}

</mosaic_0001>

<sc_bundles>
// kernel: kernel.12.cloned.1.call-start
scs
__scs_entry_jumppad:
0x0: {  	(pc) =	sbr.rel $0x88, $3  }
0x1: {  	(tag) =	ssettag $0x0;
	lr =	simm.s32 $0x1  }
0x2: {  	[smem:$0x3F8E] =	sst lr;
	_ =	strace $0xD0000000  }
0x3: {  	_ = 	snop  }
0x4: {  	_ = 	snop  }
0x5: {  	_ = 	snop  }
0x6: {  	_ = 	snop  }
0x7: {  	_ = 	snop  }
__scs_overlays_trampoline_lowered:
0x8: {  	[smem:$0x3F9D] =	sst s0  }
0x9: {  	[smem:$0x3F9E] =	sst s1  }
0xa: {  	[smem:$0x3F9F] =	sst s2  }
0xb: {  	[smem:$0x3FA0] =	sst s3  }
0xc: {  	[smem:$0x3FA1] =	sst s4  }
0xd: {  	[smem:$0x3FA2] =	sst s5  }
0xe: {  	[smem:$0x3FA3] =	sst s6  }
0xf: {  	[smem:$0x3FA4] =	sst s7  }
0x10: {  	[smem:$0x3FA5] =	sst s8  }
0x11: {  	[smem:$0x3FA6] =	sst s9;
	s0 =	simm.s32 @!p0 $0x0  }
0x12: {  	s1 =	sld [smem:$0x3F8C];
	s0 =	simm.s32 @p0 $0x1  }
0x13: {  	[smem:$0x3FA7] =	sst s0;
	s0 =	simm.s32 @!p1 $0x0  }
0x14: {  	s2 =	sld [smem:$0x3F8B];
	s0 =	simm.s32 @p1 $0x1  }
0x15: {  	[smem:$0x3FA8] =	sst s0;
	s0 =	simm.s32 @!p2 $0x0  }
0x16: {  	s3 =	sld [smem:$0x3FDB];
	s0 =	simm.s32 @p2 $0x1  }
0x17: {  	s4 =	simm.s32 $0x1BF5;
	[smem:$0x3FAA] =	sst s0  }
0x18: {  	s0 =	sld [smem:$0x3F8D];
	_ =	swait.ge [sflag:s4], $0x0  }
0x19: {  	s7 =	sld [smem:$0x3F8E]  }
0x1a: {  	s8 =	sadd.s32 $0xFFFFE003, lr  }
0x1b: {  	s9 =	sadd.s32 $0xFFFFFEF7, lr;
	s5 =	simm.s32 $0xFFFFFFFF;
	p2 =	slt.u32 s8, $0xFFFFF086  }
0x1c: {  	p1 =	slt.u32 s9, $0xF7A;
	s5 =	simm.s32 @!p2 $0x0  }
0x1d: {  	s5 =	simm.s32 @p1 $0x1;
	p0 =	seq.s32 s7, s2  }
0x1e: {  	s7 =	smul.u32 @!p0 $0xF7A, s2;
	p2 =	seq.s32 @!p0 s5, $0x0  }
0x1f: {  	s9 =	smul.u32 $0xF7A, s1;
	s8 =	simm.s32 @!p0 $0x1BF5;
	p2 =	por !p2, p0  }
0x20: {  	[sflag:s8] =	ssyncset.s32 @!p0 $0xFFFFF086;
	s6 =	sadd.s32 @!p0 s3, s7;
	s7 =	simm.s32 @!p0 $0x108  }
0x21: {  	s3 =	sadd.s32 s3, s9;
	s6 =	sadd.s32 @!p0 $0x88, s6;
	s7 =	simm.s32 @p2 $0x1082  }
0x22: {  	[simem:s7], [sflag:s8] =	dma.local @!p0 [hbm:s6], $0xF7A  }
0x23: {  	s9 =	sor.u32 $0xD0000000, s2;
	s6 =	simm.s32 $0x108;
	_ =	swait.ge @!p0 [sflag:s8], $0x0  }
0x24: {  	s3 =	sadd.s32 $0x88, s3;
	s6 =	simm.s32 @!p1 $0x1082;
	[sflag:s4] =	ssyncset.s32 $0xFFFFF086  }
0x25: {  	[simem:s6], [sflag:s4] =	dma.local [hbm:s3], $0xF7A  }
0x26: {  	[smem:$0x3F8E] =	sst s1;
	(tag) =	ssettag s2;
	_ =	strace s9  }
0x27: {  	s1 =	sld [smem:$0x3F9E]  }
0x28: {  	s2 =	sld [smem:$0x3F9F]  }
0x29: {  	s4 =	sld [smem:$0x3FA1]  }
0x2a: {  	p0 =	seq.s32 s5, $0x0;
	s5 =	sld [smem:$0x3FA2]  }
0x2b: {  	s6 =	sld [smem:$0x3FA3]  }
0x2c: {  	s7 =	sld [smem:$0x3FA4]  }
0x2d: {  	s3 =	simm.s32 $0x108;
	s8 =	sld [smem:$0x3FA5]  }
0x2e: {  	s3 =	simm.s32 @!p0 $0x1082;
	s9 =	sld [smem:$0x3FA6]  }
0x2f: {  	lr =	sadd.s32 s0, s3;
	s0 =	sld [smem:$0x3F9D]  }
0x30: {  	s3 =	sld [smem:$0x3FA0]  }
0x31: {  	[smem:$0x3FA9] =	sst s10  }
0x32: {  	s10 =	sld [smem:$0x3FA7];
	_ =	sdelay $0x3  }
0x33: {  	p0 =	seq.s32 s10, $0x1;
	s10 =	sld [smem:$0x3FA9];
	_ =	sdelay $0x3  }
0x34: {  	[smem:$0x3FA9] =	sst s10  }
0x35: {  	s10 =	sld [smem:$0x3FA8];
	_ =	sdelay $0x3  }
0x36: {  	p1 =	seq.s32 s10, $0x1;
	s10 =	sld [smem:$0x3FA9];
	_ =	sdelay $0x3  }
0x37: {  	[smem:$0x3FA9] =	sst s10  }
0x38: {  	s10 =	sld [smem:$0x3FAA]  }
0x39: {  	_ = 	snop;
	(pc) =	sbr.ind lr, $3  }
0x3a: {  	_ = 	snop  }
0x3b: {  	_ = 	snop  }
0x3c: {  	p2 =	seq.s32 s10, $0x1;
	s10 =	sld [smem:$0x3FA9]  }
0x3d: {  	_ =	shalt  }
0x3e: {  	_ =	shalt  }
0x3f: {  	_ =	shalt  }
0x40: {  	_ =	shalt  }
0x41: {  	_ =	shalt  }
0x42: {  	_ =	shalt  }
0x43: {  	_ =	shalt  }
0x44: {  	_ =	shalt  }
0x45: {  	_ =	shalt  }
0x46: {  	_ =	shalt  }
0x47: {  	_ =	shalt  }
0x48: {  	_ =	shalt  }
0x49: {  	_ =	shalt  }
0x4a: {  	_ =	shalt  }
0x4b: {  	_ =	shalt  }
0x4c: {  	_ =	shalt  }
0x4d: {  	_ =	shalt  }
0x4e: {  	_ =	shalt  }
0x4f: {  	_ =	shalt  }
0x50: {  	_ =	shalt  }
0x51: {  	_ =	shalt  }
0x52: {  	_ =	shalt  }
0x53: {  	_ =	shalt  }
0x54: {  	_ =	shalt  }
0x55: {  	_ =	shalt  }
0x56: {  	_ =	shalt  }
0x57: {  	_ =	shalt  }
0x58: {  	_ =	shalt  }
0x59: {  	_ =	shalt  }
0x5a: {  	_ =	shalt  }
0x5b: {  	_ =	shalt  }
0x5c: {  	_ =	shalt  }
0x5d: {  	_ =	shalt  }
0x5e: {  	_ =	shalt  }
0x5f: {  	_ =	shalt  }
0x60: {  	_ =	shalt  }
0x61: {  	_ =	shalt  }
0x62: {  	_ =	shalt  }
0x63: {  	_ =	shalt  }
0x64: {  	_ =	shalt  }
0x65: {  	_ =	shalt  }
0x66: {  	_ =	shalt  }
0x67: {  	_ =	shalt  }
0x68: {  	_ =	shalt  }
0x69: {  	_ =	shalt  }
0x6a: {  	_ =	shalt  }
0x6b: {  	_ =	shalt  }
0x6c: {  	_ =	shalt  }
0x6d: {  	_ =	shalt  }
0x6e: {  	_ =	shalt  }
0x6f: {  	_ =	shalt  }
0x70: {  	_ =	shalt  }
0x71: {  	_ =	shalt  }
0x72: {  	_ =	shalt  }
0x73: {  	_ =	shalt  }
0x74: {  	_ =	shalt  }
0x75: {  	_ =	shalt  }
0x76: {  	_ =	shalt  }
0x77: {  	_ =	shalt  }
0x78: {  	_ =	shalt  }
0x79: {  	_ =	shalt  }
0x7a: {  	_ =	shalt  }
0x7b: {  	_ =	shalt  }
0x7c: {  	_ =	shalt  }
0x7d: {  	_ =	shalt  }
0x7e: {  	_ =	shalt  }
0x7f: {  	_ =	shalt  }
0x80: {  	_ =	shalt  }
0x81: {  	_ =	shalt  }
0x82: {  	_ =	shalt  }
0x83: {  	_ =	shalt  }
0x84: {  	_ =	shalt  }
0x85: {  	_ =	shalt  }
0x86: {  	_ =	shalt  }
0x87: {  	_ =	shalt  }
.Lfunc_end0:
.L_simem_size_0:
called_computation.1_lowered:
.L_overlay_start_0:
0x88: {  	s2 =	sld [smem:$0x3FD9]  }
0x89: {  	s3 =	sld [smem:$0x3FFE];
	_ =	sdelay $0x1  }
0x8a: {  	s1 =	srdreg.scid  }
0x8b: {  	s0 =	sand.u32 $0x1, s1  }
0x8c: {  	s17 =	sshll.u32 s0, $0xA;
	s2 =	sadd.s32 s3, s2  }
0x8d: {  	s2 =	sadd.s32 s2, s17  }
0x8e: {  	[smem:$0x3FB5] =	sst s2  }
0x8f: {  	_ = 	snop  }
0x90: {  	s2 =	sld [smem:$0x3FD0];
	(tm) =	ssettm $0x1  }
0x91: {  	s18 =	sld [smem:$0x3FFB];
	_ =	sdelay $0x3  }
0x92: {  	_ =	strace s18  }
0x93: {  	s3 =	sld [smem:$0x3FFC];
	_ =	sdelay $0x3  }
0x94: {  	_ =	strace s3  }
0x95: {  	s3 =	sld [smem:$0x3FFD];
	_ =	sdelay $0x3  }
0x96: {  	_ =	strace s3  }
0x97: {  	_ =	strace $0x8FFFFFFF  }
0x98: {  	s19 =	sld [smem:$0x3FDB];
	_ =	sdelay $0x1  }
0x99: {  	s4 =	simm.s32 $_scs_section_size  }
0x9a: {  	s5 =	simm.s32 $_size__tile_overlayer_lowered;
	s6 =	simm.s32 $_tile_overlayer_lowered  }
0x9b: {  	s22 =	simm.s32 $0x1BFF;
	s21 =	sshll.u32 s6, $0x1;
	s3 =	sadd.s32 s4, s19  }
0x9c: {  	s7 =	simm.s32 $0x0;
	s20 =	sshll.u32 s5, $0x1;
	s5 =	sadd.s32 s21, s3  }
0x9d: {  	[timem:s7], [sflag:s22] =	dma.local [hbm:s5], s20  }
0x9e: {  	_ =	swait.ge [sflag:s22], s20  }
0x9f: {  	s4 =	ssub.s32 $0x0, s20;
	[sflag:s22] =	ssyncset.done $0x0  }
0xa0: {  	[sflag:s22] =	ssyncadd.s32 s4;
	_ =	sdelay $0x1  }
0xa1: {  	s23 =	simm.s32 $0x1B8B  }
0xa2: {  	_ =	swait.ge [sflag:s23], $0x1  }
0xa3: {  	[sflag:s23] =	ssyncset.done $0x0  }
0xa4: {  	s25 =	simm.s32 $0x1B8E;
	s24 =	sld [smem:$0x3FFE];
	[sflag:s23] =	ssyncadd.s32 $0xFFFFFFFF  }
0xa5: {  	s26 =	simm.s32 $execute0_lowered;
	[smem:$0x3FD2] =	sst s25  }
0xa6: {  	s5 =	sshll.u32 s26, $0x1;
	_ =	strace $0x80000049;
	[dreg:$0x1] =	wrdreg $0xFFFFFFFF  }
0xa7: {  	s28 =	simm.s32 $_size_execute0_lowered;
	s3 =	sadd.s32 s3, s5;
	[dreg:$0x0] =	wrdreg $0x0  }
0xa8: {  	s5 =	sshll.u32 s28, $0x1;
	[dreg:$0x2] =	wrdreg s3  }
0xa9: {  	[dreg:$0x3] =	wrdreg s5  }
0xaa: {  	[dreg:$0x4] =	wrdreg $0xC0  }
0xab: {  	_ =	task [dreg:s7], $0x5FFFF  }
0xac: {  	[dreg:$0x1] =	wrdreg $0xFFFFFFFF  }
0xad: {  	[dreg:$0x0] =	wrdreg $0x60  }
0xae: {  	[dreg:$0x2] =	wrdreg s24  }
0xaf: {  	[dreg:$0x3] =	wrdreg s2  }
0xb0: {  	[dreg:$0x4] =	wrdreg $0x98000  }
0xb1: {  	[dreg:$0x5] =	wrdreg $0x1D4000  }
0xb2: {  	[dreg:$0x6] =	wrdreg $0x9  }
0xb3: {  	_ =	task.clear_ibuf [dreg:s7], $0x7FFFF;
	_ =	strace $0x90000049  }
0xb4: {  	s29 =	simm.s32 $0x9;
	_ =	strace $0x8000004B  }
0xb5: {  	_ =	swait.ge [sflag:s29], $0x1  }
0xb6: {  	[sflag:s29] =	ssyncadd.s32 $0xFFFFFFFF  }
0xb7: {  	_ =	strace $0x9000004B  }
0xb8: {  	_ =	sfence  }
0xb9: {  	s30 =	sld [smem:$0x0];
	_ =	sdelay $0x2  }
0xba: {  	s31 =	sshll.u32 s1, $0xD;
	s1 =	sshrl.u32 s1, $0x2  }
0xbb: {  	s3 =	sand.u32 $0x4000, s31;
	s1 =	sadd.s32 s1, s30  }
0xbc: {  	s0 =	sor.u32 s3, s0;
	s1 =	sshll.u32 s1, $0x11  }
0xbd: {  	s0 =	sor.u32 s1, s0  }
0xbe: {  	s0 =	sadd.s32 $0x8F2B, s0  }
0xbf: {  	[sflag:s0] =	ssyncadd.remote.s32 $0x1  }
0xc0: {  	_ =	sfence.sel $0xFFFF  }
0xc1: {  	[dreg:$0x0] =	wrdreg $0xFFFFFFFF;
	(pc) =	sbr.abs _section_cstart, $3  }
0xc2: {  	[dreg:$0x1] =	wrdreg $0xFFFFFFFF  }
0xc3: {  	_ =	task.clear_ibuf [dreg:s7], $0x2FFFF;
	_ =	strace $0x9FFFFFFF  }
0xc4: {  	(tm) =	ssettm $0x7FFFFFFF  }
0xc5: {  	_ =	shalt  }
tec
execute0_lowered:
.L_overlay_start_1:
0x0: {  	(tag) =	ssettag $0x1  }
0x1: {  	s1 =	rddreg [dreg:$0x0];
	s2 =	srdreg.scid  }
0x2: {  	s0 =	stileid.u32;
	s3 =	rddreg [dreg:$0x2]  }
0x3: {  	s4 =	rddreg [dreg:$0x3];
	s6 =	simm.s32 $0x0;
	s5 =	smul.u32 $0x13C00, s0  }
0x4: {  	s28 =	simm.s32 $0x1;
	s29 =	simm.s32 $0x0;
	s9 =	smul.u32 $0x2780, s0  }
0x5: {  	s30 =	simm.s32 $0x0;
	s2 =	sand.u32 $0x1, s2;
	s14 =	smul.u32 $0x278, s0  }
0x6: {  	[smem:$0x7FF] =	sst s6;
	s6 =	sadd.s32 $0x2800, s1;
	s7 =	smul.u32 $0x13C000, s2  }
0x7: {  	s8 =	smul.u32 $0x27800, s2;
	s18 =	ssub.s32 $0x2, s2;
	s2 =	sshll.u32 s2, $0x4  }
0x8: {  	_ =	strace $0x8000004A;
	s11 =	sshrl.u32 s18, $0x1;
	s2 =	sor.u32 s0, s2  }
0x9: {  	s20 =	sadd.s32 $0x80, s14;
	s13 =	sadd.s32 $0x100, s14;
	s15 =	sadd.s32 $0x180, s14  }
0xa: {  	s17 =	sadd.s32 $0x200, s14;
	s10 =	sadd.s32 s5, s7;
	s7 =	sadd.s32 $0x29A00, s1  }
0xb: {  	s8 =	sadd.s32 s9, s8;
	s21 =	ssub.s32 s18, s11;
	s9 =	sadd.s32 s9, s4  }
0xc: {  	s22 =	sshll.u32 s20, $0x7;
	s23 =	sshll.u32 s13, $0x7;
	s24 =	sshll.u32 s13, $0x4  }
0xd: {  	s25 =	sshll.u32 s15, $0x7;
	s26 =	sshll.u32 s15, $0x4;
	s16 =	sshll.u32 s17, $0x7  }
0xe: {  	s31 =	sshll.u32 s17, $0x4;
	s18 =	smul.u32 $0x4F00, s2;
	s10 =	sshrl.u32 s10, $0x3  }
0xf: {  	s8 =	sshrl.u32 s8, $0x3;
	s12 =	sadd.s32 s23, s3;
	s13 =	sadd.s32 s24, s4  }
0x10: {  	v0 =	vlaneseq.u32;
	s14 =	sadd.s32 s25, s3;
	s15 =	sadd.s32 s26, s4;
	s16 =	sadd.s32 s16, s3  }
0x11: {  	v0 =	vmul.u32 $0x10, v0;
	s17 =	sadd.s32 s31, s4;
	s21 =	smax.u32 s21, $0x1;
	s23 =	simm.s32 $0x2  }
0x12: {  	s24 =	simm.s32 $0x5000;
	s25 =	simm.s32 $0x9000;
	s26 =	simm.s32 $0x80  }
0x13: {  	v1 =	vimm.f32 $0.0e+00;
	v2 =	vor.u32 $0x100, v0;
	s19 =	sadd.s32 s10, s1;
	s1 =	sadd.s32 s8, s1;
	s8 =	sadd.s32 s5, s3  }
0x14: {  	v3 =	vor.u32 $0x200, v0;
	v4 =	vor.u32 $0x300, v0;
	v5 =	vor.u32 $0x400, v0;
	s5 =	sshll.u32 s20, $0x4;
	s10 =	sadd.s32 s22, s3;
	s22 =	simm.s32 $0x100  }
0x15: {  	v6 =	vor.u32 $0x500, v0;
	v7 =	vor.u32 $0x600, v0;
	v8 =	vor.u32 $0x700, v0;
	s11 =	sadd.s32 s5, s4;
	s19 =	sadd.s32 $0x47400, s19;
	s20 =	sadd.s32 $0x3D600, s1  }
.LBB2_1:
0x16: {  	s0 =	rddreg [dreg:$0x1];
	s1 =	simm.s32 $0x0  }
0x17: {  	[tilespmem:s22], [sflag:$0x2] =	stream.linear.gather [hbm4b:s0+s1], $0x4F00, $0x38;
	[tilespmem:$0x1FB80] =	vst v63  }
0x18: {  	_ =	swait.ge [sflag:s23], $0x4F00  }
0x19: {  	[sflag:s23] =	ssyncset.done $0x0  }
0x1a: {  	s1 =	simm.s32 $0x5040;
	[sflag:s23] =	ssyncadd.s32 $0xFFFFB100  }
0x1b: {  	[tilespmem:s1+$0xFFFFFFD0] =	vst v1  }
0x1c: {  	[tilespmem:s1+$0xFFFFFFE0] =	vst v1  }
0x1d: {  	[tilespmem:s1+$0xFFFFFFF0] =	vst v1  }
0x1e: {  	[tilespmem:s1+$0x0] =	vst v1  }
0x1f: {  	[tilespmem:s1+$0x10] =	vst v1  }
0x20: {  	[tilespmem:s1+$0x20] =	vst v1  }
0x21: {  	[tilespmem:s1+$0x30] =	vst v1  }
0x22: {  	s5 =	simm.s32 $0x0;
	s2 =	simm.s32 $0x40;
	[tilespmem:s1+$0xFFFFFFC0] =	vst v1  }
.LBB2_2:
0x23: {  	p0 =	sne.s32 s2, $0x1FC0;
	[tilespmem:s5+$0x9000] =	vst v1;
	s1 =	sadd.s32 $0x80, s1  }
0x24: {  	[tilespmem:s1+$0xFFFFFFD0] =	vst v1  }
0x25: {  	[tilespmem:s1+$0xFFFFFFE0] =	vst v1  }
0x26: {  	[tilespmem:s1+$0xFFFFFFF0] =	vst v1  }
.Ltmp0:
0x27: {  	[tilespmem:s1+$0x0] =	vst v1;
	(pc) =	sbr.rel @p0 .LBB2_2-.Ltmp0, $4  }
0x28: {  	[tilespmem:s1+$0x10] =	vst v1  }
0x29: {  	[tilespmem:s1+$0x20] =	vst v1  }
0x2a: {  	[tilespmem:s1+$0x30] =	vst v1  }
0x2b: {  	s5 =	sshra.s32 s2, $0x2;
	s2 =	sadd.s32 $0x40, s2;
	[tilespmem:s1+$0xFFFFFFC0] =	vst v1  }
0x2c: {  	[tilespmem:s5+$0x9000] =	vst v1  }
0x2d: {  	[spmem:s8] =	stream.linear.scatter [tilespmem:s24], [sflag:$0x2], $0x4000, $0x38;
	[tilespmem:$0x1FB80] =	vst v63  }
0x2e: {  	_ =	swait.ge [sflag:s23], $0x4000  }
0x2f: {  	[sflag:s23] =	ssyncset.done $0x0  }
0x30: {  	[sflag:s23] =	ssyncadd.s32 $0xFFFFC000  }
0x31: {  	[spmem:s9] =	stream.linear.scatter [tilespmem:s25], [sflag:$0x2], $0x800, $0x38;
	[tilespmem:$0x1FB80] =	vst v63  }
0x32: {  	_ =	swait.ge [sflag:s23], $0x800  }
0x33: {  	[sflag:s23] =	ssyncset.done $0x0  }
0x34: {  	[sflag:s23] =	ssyncadd.s32 $0xFFFFF800  }
0x35: {  	[spmem:s10] =	stream.linear.scatter [tilespmem:s24], [sflag:$0x2], $0x4000, $0x38;
	[tilespmem:$0x1FB80] =	vst v63  }
0x36: {  	_ =	swait.ge [sflag:s23], $0x4000  }
0x37: {  	[sflag:s23] =	ssyncset.done $0x0  }
0x38: {  	[sflag:s23] =	ssyncadd.s32 $0xFFFFC000  }
0x39: {  	[spmem:s11] =	stream.linear.scatter [tilespmem:s25], [sflag:$0x2], $0x800, $0x38;
	[tilespmem:$0x1FB80] =	vst v63  }
0x3a: {  	_ =	swait.ge [sflag:s23], $0x800  }
0x3b: {  	[sflag:s23] =	ssyncset.done $0x0  }
0x3c: {  	[sflag:s23] =	ssyncadd.s32 $0xFFFFF800  }
0x3d: {  	[spmem:s12] =	stream.linear.scatter [tilespmem:s24], [sflag:$0x2], $0x4000, $0x38;
	[tilespmem:$0x1FB80] =	vst v63  }
0x3e: {  	_ =	swait.ge [sflag:s23], $0x4000  }
0x3f: {  	[sflag:s23] =	ssyncset.done $0x0  }
0x40: {  	[sflag:s23] =	ssyncadd.s32 $0xFFFFC000  }
0x41: {  	[spmem:s13] =	stream.linear.scatter [tilespmem:s25], [sflag:$0x2], $0x800, $0x38;
	[tilespmem:$0x1FB80] =	vst v63  }
0x42: {  	_ =	swait.ge [sflag:s23], $0x800  }
0x43: {  	[sflag:s23] =	ssyncset.done $0x0  }
0x44: {  	[sflag:s23] =	ssyncadd.s32 $0xFFFFF800  }
0x45: {  	[spmem:s14] =	stream.linear.scatter [tilespmem:s24], [sflag:$0x2], $0x4000, $0x38;
	[tilespmem:$0x1FB80] =	vst v63  }
0x46: {  	_ =	swait.ge [sflag:s23], $0x4000  }
0x47: {  	[sflag:s23] =	ssyncset.done $0x0  }
0x48: {  	[sflag:s23] =	ssyncadd.s32 $0xFFFFC000  }
0x49: {  	[spmem:s15] =	stream.linear.scatter [tilespmem:s25], [sflag:$0x2], $0x800, $0x38;
	[tilespmem:$0x1FB80] =	vst v63  }
0x4a: {  	_ =	swait.ge [sflag:s23], $0x800  }
0x4b: {  	[sflag:s23] =	ssyncset.done $0x0  }
0x4c: {  	[sflag:s23] =	ssyncadd.s32 $0xFFFFF800  }
0x4d: {  	[spmem:s16] =	stream.linear.scatter [tilespmem:s24], [sflag:$0x2], $0x3C00, $0x38;
	[tilespmem:$0x1FB80] =	vst v63  }
0x4e: {  	_ =	swait.ge [sflag:s23], $0x3C00  }
0x4f: {  	[sflag:s23] =	ssyncset.done $0x0  }
0x50: {  	[sflag:s23] =	ssyncadd.s32 $0xFFFFC400  }
0x51: {  	[spmem:s17] =	stream.linear.scatter [tilespmem:s25], [sflag:$0x2], $0x780, $0x38;
	[tilespmem:$0x1FB80] =	vst v63  }
0x52: {  	_ =	swait.ge [sflag:s23], $0x780  }
0x53: {  	[sflag:s23] =	ssyncset.done $0x0  }
0x54: {  	[sflag:s23] =	ssyncadd.s32 $0xFFFFF880  }
0x55: {  	s31 =	simm.s32 $0x0;
	[bflag:$0x0] =	sbarrier.arrive $0xFFFF  }
.LBB2_4:
0x56: {  	s1 =	sshll.u32 s31, $0x8  }
0x57: {  	s1 =	sadd.s32 s18, s1  }
0x58: {  	s1 =	sshrl.u32 s1, $0x3  }
0x59: {  	s1 =	sadd.s32 s7, s1  }
0x5a: {  	[tilespmem:s30], [sflag:$0x2] =	stream.linear.gather [hbm4b:s1+s30], $0x100, $0x38;
	[tilespmem:$0x1FB80] =	vst v63  }
0x5b: {  	_ =	swait.ge [sflag:s23], $0x100  }
0x5c: {  	[sflag:s23] =	ssyncset.done $0x0  }
0x5d: {  	[sflag:s23] =	ssyncadd.s32 $0xFFFFFF00  }
0x5e: {  	[tilespmem:s24], [sflag:$0x1] =	stream.indirect.gather [hbm4b:s6+s26], $0x80, s30, s26, $0xb8;
	[tilespmem:$0x1FB80] =	vst v63  }
0x5f: {  	v9 =	vld [tilespmem:$0x0]  }
0x60: {  	v10 =	vld [tilespmem:$0x80];
	_ =	sdelay $0x4  }
0x61: {  	v9 =	vshll.u32 v9, $0x1;
	v10 =	vshll.u32 v10, $0x1  }
0x62: {  	v10 =	vor.u32 $0x1, v10;
	_ =	sdelay $0x3  }
0x63: {  	v9 =	vld.idx.msk [tilespmem:v9+s22+$0x0], $0xffff  }
0x64: {  	v10 =	vld.idx.msk [tilespmem:v10+s22+$0x0], $0xffff;
	_ =	sdelay $0x4  }
0x65: {  	v9 =	vadd.f32 v10, v9;
	_ =	sdelay $0x1  }
0x66: {  	v10 =	vmul.f32 $2.000000030e-01, v9  }
0x67: {  	vm0 =	vgt.f32 v9, $0.0e+00  }
0x68: {  	v9 =	vsel vm0, v9, v10  }
0x69: {  	v9 =	vmul.f32 $1.442695020e+00, v9;
	_ =	sdelay $0x1  }
0x6a: {  	(erf) = vpow2.f32 v9;
	_ =	sdelay $0x8  }
0x6b: {  	v9 =	vpop (erf)  }
0x6c: {  	[tilespmem:v0+s25+$0x0] =	vst.idx.msk $0xffff, v9  }
0x6d: {  	v9 =	vld [tilespmem:$0x10]  }
0x6e: {  	v10 =	vld [tilespmem:$0x90];
	_ =	sdelay $0x4  }
0x6f: {  	v9 =	vshll.u32 v9, $0x1;
	v10 =	vshll.u32 v10, $0x1  }
0x70: {  	v10 =	vor.u32 $0x1, v10;
	_ =	sdelay $0x3  }
0x71: {  	v9 =	vld.idx.msk [tilespmem:v9+s22+$0x0], $0xffff  }
0x72: {  	v10 =	vld.idx.msk [tilespmem:v10+s22+$0x0], $0xffff;
	_ =	sdelay $0x4  }
0x73: {  	v9 =	vadd.f32 v10, v9;
	_ =	sdelay $0x1  }
0x74: {  	v10 =	vmul.f32 $2.000000030e-01, v9  }
0x75: {  	vm9 =	vgt.f32 v9, $0.0e+00  }
0x76: {  	v9 =	vsel vm9, v9, v10  }
0x77: {  	v9 =	vmul.f32 $1.442695020e+00, v9;
	_ =	sdelay $0x1  }
0x78: {  	(erf) = vpow2.f32 v9;
	_ =	sdelay $0x8  }
0x79: {  	v9 =	vpop (erf)  }
0x7a: {  	[tilespmem:v2+s25+$0x0] =	vst.idx.msk $0xffff, v9  }
0x7b: {  	v9 =	vld [tilespmem:$0x20]  }
0x7c: {  	v10 =	vld [tilespmem:$0xA0];
	_ =	sdelay $0x4  }
0x7d: {  	v9 =	vshll.u32 v9, $0x1;
	v10 =	vshll.u32 v10, $0x1  }
0x7e: {  	v10 =	vor.u32 $0x1, v10;
	_ =	sdelay $0x3  }
0x7f: {  	v9 =	vld.idx.msk [tilespmem:v9+s22+$0x0], $0xffff  }
0x80: {  	v10 =	vld.idx.msk [tilespmem:v10+s22+$0x0], $0xffff;
	_ =	sdelay $0x4  }
0x81: {  	v9 =	vadd.f32 v10, v9;
	_ =	sdelay $0x1  }
0x82: {  	v10 =	vmul.f32 $2.000000030e-01, v9  }
0x83: {  	vm10 =	vgt.f32 v9, $0.0e+00  }
0x84: {  	v9 =	vsel vm10, v9, v10  }
0x85: {  	v9 =	vmul.f32 $1.442695020e+00, v9;
	_ =	sdelay $0x1  }
0x86: {  	(erf) = vpow2.f32 v9;
	_ =	sdelay $0x8  }
0x87: {  	v9 =	vpop (erf)  }
0x88: {  	[tilespmem:v3+s25+$0x0] =	vst.idx.msk $0xffff, v9  }
0x89: {  	v9 =	vld [tilespmem:$0x30]  }
0x8a: {  	v10 =	vld [tilespmem:$0xB0];
	_ =	sdelay $0x4  }
0x8b: {  	v9 =	vshll.u32 v9, $0x1;
	v10 =	vshll.u32 v10, $0x1  }
0x8c: {  	v10 =	vor.u32 $0x1, v10;
	_ =	sdelay $0x3  }
0x8d: {  	v9 =	vld.idx.msk [tilespmem:v9+s22+$0x0], $0xffff  }
0x8e: {  	v10 =	vld.idx.msk [tilespmem:v10+s22+$0x0], $0xffff;
	_ =	sdelay $0x4  }
0x8f: {  	v9 =	vadd.f32 v10, v9;
	_ =	sdelay $0x1  }
0x90: {  	v10 =	vmul.f32 $2.000000030e-01, v9  }
0x91: {  	vm11 =	vgt.f32 v9, $0.0e+00  }
0x92: {  	v9 =	vsel vm11, v9, v10  }
0x93: {  	v9 =	vmul.f32 $1.442695020e+00, v9;
	_ =	sdelay $0x1  }
0x94: {  	(erf) = vpow2.f32 v9;
	_ =	sdelay $0x8  }
0x95: {  	v9 =	vpop (erf)  }
0x96: {  	[tilespmem:v4+s25+$0x0] =	vst.idx.msk $0xffff, v9  }
0x97: {  	v9 =	vld [tilespmem:$0x40]  }
0x98: {  	v10 =	vld [tilespmem:$0xC0];
	_ =	sdelay $0x4  }
0x99: {  	v9 =	vshll.u32 v9, $0x1;
	v10 =	vshll.u32 v10, $0x1  }
0x9a: {  	v10 =	vor.u32 $0x1, v10;
	_ =	sdelay $0x3  }
0x9b: {  	v9 =	vld.idx.msk [tilespmem:v9+s22+$0x0], $0xffff  }
0x9c: {  	v10 =	vld.idx.msk [tilespmem:v10+s22+$0x0], $0xffff;
	_ =	sdelay $0x4  }
0x9d: {  	v9 =	vadd.f32 v10, v9;
	_ =	sdelay $0x1  }
0x9e: {  	v10 =	vmul.f32 $2.000000030e-01, v9  }
0x9f: {  	vm12 =	vgt.f32 v9, $0.0e+00  }
0xa0: {  	v9 =	vsel vm12, v9, v10  }
0xa1: {  	v9 =	vmul.f32 $1.442695020e+00, v9;
	_ =	sdelay $0x1  }
0xa2: {  	(erf) = vpow2.f32 v9;
	_ =	sdelay $0x8  }
0xa3: {  	v9 =	vpop (erf)  }
0xa4: {  	[tilespmem:v5+s25+$0x0] =	vst.idx.msk $0xffff, v9  }
0xa5: {  	v9 =	vld [tilespmem:$0x50]  }
0xa6: {  	v10 =	vld [tilespmem:$0xD0];
	_ =	sdelay $0x4  }
0xa7: {  	v9 =	vshll.u32 v9, $0x1;
	v10 =	vshll.u32 v10, $0x1  }
0xa8: {  	v10 =	vor.u32 $0x1, v10;
	_ =	sdelay $0x3  }
0xa9: {  	v9 =	vld.idx.msk [tilespmem:v9+s22+$0x0], $0xffff  }
0xaa: {  	v10 =	vld.idx.msk [tilespmem:v10+s22+$0x0], $0xffff;
	_ =	sdelay $0x4  }
0xab: {  	v9 =	vadd.f32 v10, v9;
	_ =	sdelay $0x1  }
0xac: {  	v10 =	vmul.f32 $2.000000030e-01, v9  }
0xad: {  	vm13 =	vgt.f32 v9, $0.0e+00  }
0xae: {  	v9 =	vsel vm13, v9, v10  }
0xaf: {  	v9 =	vmul.f32 $1.442695020e+00, v9;
	_ =	sdelay $0x1  }
0xb0: {  	(erf) = vpow2.f32 v9;
	_ =	sdelay $0x8  }
0xb1: {  	v9 =	vpop (erf)  }
0xb2: {  	[tilespmem:v6+s25+$0x0] =	vst.idx.msk $0xffff, v9  }
0xb3: {  	v9 =	vld [tilespmem:$0x60]  }
0xb4: {  	v10 =	vld [tilespmem:$0xE0];
	_ =	sdelay $0x4  }
0xb5: {  	v9 =	vshll.u32 v9, $0x1;
	v10 =	vshll.u32 v10, $0x1  }
0xb6: {  	v10 =	vor.u32 $0x1, v10;
	_ =	sdelay $0x3  }
0xb7: {  	v9 =	vld.idx.msk [tilespmem:v9+s22+$0x0], $0xffff  }
0xb8: {  	v10 =	vld.idx.msk [tilespmem:v10+s22+$0x0], $0xffff;
	_ =	sdelay $0x4  }
0xb9: {  	v9 =	vadd.f32 v10, v9;
	_ =	sdelay $0x1  }
0xba: {  	v10 =	vmul.f32 $2.000000030e-01, v9  }
0xbb: {  	vm14 =	vgt.f32 v9, $0.0e+00  }
0xbc: {  	v9 =	vsel vm14, v9, v10  }
0xbd: {  	v9 =	vmul.f32 $1.442695020e+00, v9;
	_ =	sdelay $0x1  }
0xbe: {  	(erf) = vpow2.f32 v9;
	_ =	sdelay $0x8  }
0xbf: {  	v9 =	vpop (erf)  }
0xc0: {  	[tilespmem:v7+s25+$0x0] =	vst.idx.msk $0xffff, v9  }
0xc1: {  	v9 =	vld [tilespmem:$0x70]  }
0xc2: {  	v10 =	vld [tilespmem:$0xF0];
	_ =	sdelay $0x4  }
0xc3: {  	v9 =	vshll.u32 v9, $0x1;
	v10 =	vshll.u32 v10, $0x1  }
0xc4: {  	v10 =	vor.u32 $0x1, v10;
	_ =	sdelay $0x3  }
0xc5: {  	v9 =	vld.idx.msk [tilespmem:v9+s22+$0x0], $0xffff  }
0xc6: {  	v10 =	vld.idx.msk [tilespmem:v10+s22+$0x0], $0xffff;
	_ =	sdelay $0x4  }
0xc7: {  	v9 =	vadd.f32 v10, v9;
	_ =	sdelay $0x1  }
0xc8: {  	v10 =	vmul.f32 $2.000000030e-01, v9  }
0xc9: {  	vm15 =	vgt.f32 v9, $0.0e+00  }
0xca: {  	v9 =	vsel vm15, v9, v10  }
0xcb: {  	v9 =	vmul.f32 $1.442695020e+00, v9;
	_ =	sdelay $0x1  }
0xcc: {  	(erf) = vpow2.f32 v9;
	_ =	sdelay $0x8  }
0xcd: {  	v9 =	vpop (erf)  }
0xce: {  	[tilespmem:v8+s25+$0x0] =	vst.idx.msk $0xffff, v9  }
0xcf: {  	s5 =	simm.s32 $0x0;
	_ =	swait.ge [sflag:s28], $0x4000  }
0xd0: {  	v9 =	vmov s5;
	[sflag:s28] =	ssyncset.done $0x0  }
0xd1: {  	s2 =	simm.s32 $0x5040;
	[sflag:s28] =	ssyncadd.s32 $0xFFFFC000  }
0xd2: {  	v13 =	vld [tilespmem:s2+$0x30]  }
0xd3: {  	v16 =	vld [tilespmem:s2+$0x10]  }
0xd4: {  	v14 =	vld [tilespmem:s2+$0xFFFFFFC0]  }
0xd5: {  	v10 =	vld.idx.msk [tilespmem:v9+s25+$0x0], $0xffff  }
0xd6: {  	v18 =	vld [tilespmem:s2+$0xFFFFFFE0]  }
0xd7: {  	v11 =	vld [tilespmem:s2+$0x20]  }
0xd8: {  	v12 =	vld [tilespmem:s2+$0xFFFFFFD0]  }
0xd9: {  	v9 =	vld [tilespmem:s2+$0xFFFFFFF0]  }
0xda: {  	v17 =	vmul.f32 v13, v10;
	v13 =	vld [tilespmem:s2+$0x0]  }
0xdb: {  	v15 =	vmul.f32 v14, v10  }
0xdc: {  	s1 =	simm.s32 $0x1;
	s5 =	simm.s32 $0x5040;
	v14 =	vmul.f32 v18, v10;
	v16 =	vmul.f32 v16, v10  }
.LBB2_5:
0xdd: {  	p0 =	sne.s32 s1, $0x7F  }
0xde: {  	v12 =	vmul.f32 v12, v10;
	v11 =	vmul.f32 v11, v10;
	[tilespmem:s2+$0x30] =	vst v17;
	s5 =	sadd.s32 $0x80, s5;
	s0 =	smov.u32 s1;
	s1 =	sadd.s32 $0x1, s1  }
0xdf: {  	[tilespmem:s2+$0xFFFFFFC0] =	vst v15;
	v15 =	vmul.f32 v9, v10;
	v10 =	vmul.f32 v13, v10  }
0xe0: {  	s0 =	sshll.u32 s0, $0x4;
	[tilespmem:s2+$0x10] =	vst v16  }
0xe1: {  	v13 =	vmov s0;
	[tilespmem:s2+$0xFFFFFFE0] =	vst v14  }
0xe2: {  	v9 =	vld [tilespmem:s5+$0xFFFFFFF0];
	[tilespmem:s2+$0xFFFFFFF0] =	vst v15  }
0xe3: {  	v14 =	vld [tilespmem:s5+$0x30];
	[tilespmem:s2+$0x0] =	vst v10  }
0xe4: {  	v16 =	vld [tilespmem:s5+$0x10];
	[tilespmem:s2+$0x20] =	vst v11  }
0xe5: {  	v15 =	vld [tilespmem:s5+$0xFFFFFFC0];
	[tilespmem:s2+$0xFFFFFFD0] =	vst v12;
	s2 =	smov.u32 s5  }
0xe6: {  	v10 =	vld.idx.msk [tilespmem:v13+s25+$0x0], $0xffff  }
0xe7: {  	v18 =	vld [tilespmem:s5+$0xFFFFFFE0]  }
0xe8: {  	v11 =	vld [tilespmem:s5+$0x20]  }
.Ltmp1:
0xe9: {  	v12 =	vld [tilespmem:s5+$0xFFFFFFD0];
	(pc) =	sbr.rel @p0 .LBB2_5-.Ltmp1, $3  }
0xea: {  	v13 =	vld [tilespmem:s5+$0x0];
	_ =	sdelay $0x1  }
0xeb: {  	v15 =	vmul.f32 v15, v10;
	v17 =	vmul.f32 v14, v10  }
0xec: {  	v16 =	vmul.f32 v16, v10;
	v14 =	vmul.f32 v18, v10  }
0xed: {  	[tilespmem:s2+$0x30] =	vst v17  }
0xee: {  	[tilespmem:s2+$0xFFFFFFC0] =	vst v15  }
0xef: {  	v9 =	vmul.f32 v9, v10;
	[tilespmem:s2+$0x10] =	vst v16  }
0xf0: {  	v11 =	vmul.f32 v11, v10;
	[tilespmem:s2+$0xFFFFFFE0] =	vst v14  }
0xf1: {  	v13 =	vmul.f32 v13, v10;
	[tilespmem:s2+$0xFFFFFFF0] =	vst v9  }
0xf2: {  	v9 =	vmul.f32 v12, v10;
	[tilespmem:s2+$0x20] =	vst v11  }
0xf3: {  	[tilespmem:s2+$0x0] =	vst v13  }
0xf4: {  	[tilespmem:s2+$0xFFFFFFD0] =	vst v9  }
0xf5: {  	[spmem:s3] =	stream.indirect.scatter.add.f32 [tilespmem:s24], [sflag:$0x2], $0x80, s26, s26, $0xb8;
	[tilespmem:$0x1FB80] =	vst v63  }
0xf6: {  	s31 =	sadd.s32 $0x1, s31;
	_ =	swait.ge [sflag:s23], $0x4000  }
0xf7: {  	p0 =	sne.s32 s31, $0x4F;
	[sflag:s23] =	ssyncset.done $0x0  }
.Ltmp2:
0xf8: {  	[sflag:s23] =	ssyncadd.s32 $0xFFFFC000;
	(pc) =	sbr.rel @p0 .LBB2_4-.Ltmp2, $4  }
0xf9: {  	[spmem:s4] =	stream.indirect.scatter.add.f32 [tilespmem:s25], [sflag:$0x2], $0x10, s26, s26, $0xb8;
	[tilespmem:$0x1FB80] =	vst v63  }
0xfa: {  	_ =	swait.ge [sflag:s23], $0x800  }
0xfb: {  	[sflag:s23] =	ssyncset.done $0x0  }
0xfc: {  	[sflag:s23] =	ssyncadd.s32 $0xFFFFF800  }
0xfd: {  	s0 =	stileid.u32  }
0xfe: {  	s0 =	sshll.u32 s0, $0x6  }
0xff: {  	[bflag:$0x0] =	sbarrier.arrive $0xFFFF;
	s1 =	sshrl.u32 s8, $0x3;
	s0 =	sor.u32 $0x1C02, s0  }
0x100: {  	[hbm:s19], [sflag:s0] =	dma.local [spmem:s1], $0x2780  }
0x101: {  	s29 =	sadd.s32 $0x1, s29;
	_ =	swait.ge [sflag:s23], $0x2780  }
0x102: {  	p0 =	sne.s32 s29, s21;
	[sflag:s23] =	ssyncset.done $0x0  }
.Ltmp3:
0x103: {  	s31 =	sshrl.u32 s9, $0x3;
	[sflag:s23] =	ssyncadd.s32 $0xFFFFD880;
	(pc) =	sbr.rel @p0 .LBB2_1-.Ltmp3, $4  }
0x104: {  	[hbm:s20], [sflag:s0] =	dma.local [spmem:s31], $0x4F0  }
0x105: {  	_ =	swait.ge [sflag:s23], $0x4F0  }
0x106: {  	[sflag:s23] =	ssyncset.done $0x0  }
0x107: {  	[sflag:s23] =	ssyncadd.s32 $0xFFFFFB10  }
0x108: {  	_ =	sfence.sel $0x180000  }
0x109: {  	[bflag:$0x0] =	sbarrier.arrive $0xFFFF  }
0x10a: {  	_ =	strace $0x9000004A  }
0x10b: {  	s0 =	stileid.u32;
	[bflag:$0x2] =	sbarrier.arrive $0xFFFF  }
0x10c: {  	p0 =	sne.s32 s0, $0x0;
	s0 =	rddreg [dreg:$0x4]  }
0x10d: {  	s0 =	sadd.s32 @!p0 $0x100000, s0  }
0x10e: {  	[sflag:s0] =	ssyncadd.tile.s32 @!p0 $0x1;
	_ =	shalt  }
.Lfunc_end2:
_tile_overlayer_lowered:
.L_overlay_start_2:
0x10f: {  	(tag) =	ssettag $0x2  }
0x110: {  	s0 =	rddreg [dreg:$0x0];
	s2 =	stileid.u32  }
0x111: {  	s1 =	rddreg [dreg:$0x1];
	p0 =	sne.s32 s2, $0x0  }
0x112: {  	s3 =	rddreg [dreg:$0x2];
	[bflag:$0x3] =	sbarrier.arrive $0xFFFF;
	s2 =	simm.s32 @!p0 $0x1C02  }
0x113: {  	[timem:s3], [sflag:s2] =	dma.local @!p0 [hbm:s0], s1  }
0x114: {  	s0 =	simm.s32 @!p0 $0x2  }
0x115: {  	_ =	swait.ge @!p0 [sflag:s0], s1  }
0x116: {  	s1 =	ssub.s32 @!p0 $0x0, s1;
	[sflag:s0] =	ssyncset.done @!p0 $0x0  }
0x117: {  	[sflag:s0] =	ssyncadd.s32 @!p0 s1  }
0x118: {  	[bflag:$0x3] =	sbarrier.arrive $0xFFFF  }
0x119: {  	_ =	shalt  }

// kernel: kernel.15.cloned.1.call-start
scs
__scs_entry_jumppad:
0x0: {  	(pc) =	sbr.rel $0x88, $3  }
0x1: {  	(tag) =	ssettag $0x0;
	lr =	simm.s32 $0x1  }
0x2: {  	[smem:$0x3F8E] =	sst lr;
	_ =	strace $0xD0000000  }
0x3: {  	_ = 	snop  }
0x4: {  	_ = 	snop  }
0x5: {  	_ = 	snop  }
0x6: {  	_ = 	snop  }
0x7: {  	_ = 	snop  }
__scs_overlays_trampoline_lowered:
0x8: {  	[smem:$0x3F9D] =	sst s0  }
0x9: {  	[smem:$0x3F9E] =	sst s1  }
0xa: {  	[smem:$0x3F9F] =	sst s2  }
0xb: {  	[smem:$0x3FA0] =	sst s3  }
0xc: {  	[smem:$0x3FA1] =	sst s4  }
0xd: {  	[smem:$0x3FA2] =	sst s5  }
0xe: {  	[smem:$0x3FA3] =	sst s6  }
0xf: {  	[smem:$0x3FA4] =	sst s7  }
0x10: {  	[smem:$0x3FA5] =	sst s8  }
0x11: {  	[smem:$0x3FA6] =	sst s9;
	s0 =	simm.s32 @!p0 $0x0  }
0x12: {  	s1 =	sld [smem:$0x3F8C];
	s0 =	simm.s32 @p0 $0x1  }
0x13: {  	[smem:$0x3FA7] =	sst s0;
	s0 =	simm.s32 @!p1 $0x0  }
0x14: {  	s2 =	sld [smem:$0x3F8B];
	s0 =	simm.s32 @p1 $0x1  }
0x15: {  	[smem:$0x3FA8] =	sst s0;
	s0 =	simm.s32 @!p2 $0x0  }
0x16: {  	s3 =	sld [smem:$0x3FDB];
	s0 =	simm.s32 @p2 $0x1  }
0x17: {  	s4 =	simm.s32 $0x1BF5;
	[smem:$0x3FAA] =	sst s0  }
0x18: {  	s0 =	sld [smem:$0x3F8D];
	_ =	swait.ge [sflag:s4], $0x0  }
0x19: {  	s7 =	sld [smem:$0x3F8E]  }
0x1a: {  	s8 =	sadd.s32 $0xFFFFE003, lr  }
0x1b: {  	s9 =	sadd.s32 $0xFFFFFEF7, lr;
	s5 =	simm.s32 $0xFFFFFFFF;
	p2 =	slt.u32 s8, $0xFFFFF086  }
0x1c: {  	p1 =	slt.u32 s9, $0xF7A;
	s5 =	simm.s32 @!p2 $0x0  }
0x1d: {  	s5 =	simm.s32 @p1 $0x1;
	p0 =	seq.s32 s7, s2  }
0x1e: {  	s7 =	smul.u32 @!p0 $0xF7A, s2;
	p2 =	seq.s32 @!p0 s5, $0x0  }
0x1f: {  	s9 =	smul.u32 $0xF7A, s1;
	s8 =	simm.s32 @!p0 $0x1BF5;
	p2 =	por !p2, p0  }
0x20: {  	[sflag:s8] =	ssyncset.s32 @!p0 $0xFFFFF086;
	s6 =	sadd.s32 @!p0 s3, s7;
	s7 =	simm.s32 @!p0 $0x108  }
0x21: {  	s3 =	sadd.s32 s3, s9;
	s6 =	sadd.s32 @!p0 $0x88, s6;
	s7 =	simm.s32 @p2 $0x1082  }
0x22: {  	[simem:s7], [sflag:s8] =	dma.local @!p0 [hbm:s6], $0xF7A  }
0x23: {  	s9 =	sor.u32 $0xD0000000, s2;
	s6 =	simm.s32 $0x108;
	_ =	swait.ge @!p0 [sflag:s8], $0x0  }
0x24: {  	s3 =	sadd.s32 $0x88, s3;
	s6 =	simm.s32 @!p1 $0x1082;
	[sflag:s4] =	ssyncset.s32 $0xFFFFF086  }
0x25: {  	[simem:s6], [sflag:s4] =	dma.local [hbm:s3], $0xF7A  }
0x26: {  	[smem:$0x3F8E] =	sst s1;
	(tag) =	ssettag s2;
	_ =	strace s9  }
0x27: {  	s1 =	sld [smem:$0x3F9E]  }
0x28: {  	s2 =	sld [smem:$0x3F9F]  }
0x29: {  	s4 =	sld [smem:$0x3FA1]  }
0x2a: {  	p0 =	seq.s32 s5, $0x0;
	s5 =	sld [smem:$0x3FA2]  }
0x2b: {  	s6 =	sld [smem:$0x3FA3]  }
0x2c: {  	s7 =	sld [smem:$0x3FA4]  }
0x2d: {  	s3 =	simm.s32 $0x108;
	s8 =	sld [smem:$0x3FA5]  }
0x2e: {  	s3 =	simm.s32 @!p0 $0x1082;
	s9 =	sld [smem:$0x3FA6]  }
0x2f: {  	lr =	sadd.s32 s0, s3;
	s0 =	sld [smem:$0x3F9D]  }
0x30: {  	s3 =	sld [smem:$0x3FA0]  }
0x31: {  	[smem:$0x3FA9] =	sst s10  }
0x32: {  	s10 =	sld [smem:$0x3FA7];
	_ =	sdelay $0x3  }
0x33: {  	p0 =	seq.s32 s10, $0x1;
	s10 =	sld [smem:$0x3FA9];
	_ =	sdelay $0x3  }
0x34: {  	[smem:$0x3FA9] =	sst s10  }
0x35: {  	s10 =	sld [smem:$0x3FA8];
	_ =	sdelay $0x3  }
0x36: {  	p1 =	seq.s32 s10, $0x1;
	s10 =	sld [smem:$0x3FA9];
	_ =	sdelay $0x3  }
0x37: {  	[smem:$0x3FA9] =	sst s10  }
0x38: {  	s10 =	sld [smem:$0x3FAA]  }
0x39: {  	_ = 	snop;
	(pc) =	sbr.ind lr, $3  }
0x3a: {  	_ = 	snop  }
0x3b: {  	_ = 	snop  }
0x3c: {  	p2 =	seq.s32 s10, $0x1;
	s10 =	sld [smem:$0x3FA9]  }
0x3d: {  	_ =	shalt  }
0x3e: {  	_ =	shalt  }
0x3f: {  	_ =	shalt  }
0x40: {  	_ =	shalt  }
0x41: {  	_ =	shalt  }
0x42: {  	_ =	shalt  }
0x43: {  	_ =	shalt  }
0x44: {  	_ =	shalt  }
0x45: {  	_ =	shalt  }
0x46: {  	_ =	shalt  }
0x47: {  	_ =	shalt  }
0x48: {  	_ =	shalt  }
0x49: {  	_ =	shalt  }
0x4a: {  	_ =	shalt  }
0x4b: {  	_ =	shalt  }
0x4c: {  	_ =	shalt  }
0x4d: {  	_ =	shalt  }
0x4e: {  	_ =	shalt  }
0x4f: {  	_ =	shalt  }
0x50: {  	_ =	shalt  }
0x51: {  	_ =	shalt  }
0x52: {  	_ =	shalt  }
0x53: {  	_ =	shalt  }
0x54: {  	_ =	shalt  }
0x55: {  	_ =	shalt  }
0x56: {  	_ =	shalt  }
0x57: {  	_ =	shalt  }
0x58: {  	_ =	shalt  }
0x59: {  	_ =	shalt  }
0x5a: {  	_ =	shalt  }
0x5b: {  	_ =	shalt  }
0x5c: {  	_ =	shalt  }
0x5d: {  	_ =	shalt  }
0x5e: {  	_ =	shalt  }
0x5f: {  	_ =	shalt  }
0x60: {  	_ =	shalt  }
0x61: {  	_ =	shalt  }
0x62: {  	_ =	shalt  }
0x63: {  	_ =	shalt  }
0x64: {  	_ =	shalt  }
0x65: {  	_ =	shalt  }
0x66: {  	_ =	shalt  }
0x67: {  	_ =	shalt  }
0x68: {  	_ =	shalt  }
0x69: {  	_ =	shalt  }
0x6a: {  	_ =	shalt  }
0x6b: {  	_ =	shalt  }
0x6c: {  	_ =	shalt  }
0x6d: {  	_ =	shalt  }
0x6e: {  	_ =	shalt  }
0x6f: {  	_ =	shalt  }
0x70: {  	_ =	shalt  }
0x71: {  	_ =	shalt  }
0x72: {  	_ =	shalt  }
0x73: {  	_ =	shalt  }
0x74: {  	_ =	shalt  }
0x75: {  	_ =	shalt  }
0x76: {  	_ =	shalt  }
0x77: {  	_ =	shalt  }
0x78: {  	_ =	shalt  }
0x79: {  	_ =	shalt  }
0x7a: {  	_ =	shalt  }
0x7b: {  	_ =	shalt  }
0x7c: {  	_ =	shalt  }
0x7d: {  	_ =	shalt  }
0x7e: {  	_ =	shalt  }
0x7f: {  	_ =	shalt  }
0x80: {  	_ =	shalt  }
0x81: {  	_ =	shalt  }
0x82: {  	_ =	shalt  }
0x83: {  	_ =	shalt  }
0x84: {  	_ =	shalt  }
0x85: {  	_ =	shalt  }
0x86: {  	_ =	shalt  }
0x87: {  	_ =	shalt  }
.Lfunc_end0:
.L_simem_size_0:
called_computation.2_lowered:
.L_overlay_start_0:
0x88: {  	s2 =	sld [smem:$0x3FD9]  }
0x89: {  	s3 =	sld [smem:$0x3FFE];
	_ =	sdelay $0x1  }
0x8a: {  	s1 =	srdreg.scid  }
0x8b: {  	s0 =	sand.u32 $0x1, s1  }
0x8c: {  	s16 =	sshll.u32 s0, $0xA;
	s2 =	sadd.s32 s3, s2  }
0x8d: {  	s2 =	sadd.s32 s2, s16  }
0x8e: {  	[smem:$0x3FB5] =	sst s2  }
0x8f: {  	_ = 	snop  }
0x90: {  	(tm) =	ssettm $0x1  }
0x91: {  	s17 =	sld [smem:$0x3FFB];
	_ =	sdelay $0x3  }
0x92: {  	_ =	strace s17  }
0x93: {  	s2 =	sld [smem:$0x3FFC];
	_ =	sdelay $0x3  }
0x94: {  	_ =	strace s2  }
0x95: {  	s2 =	sld [smem:$0x3FFD];
	_ =	sdelay $0x3  }
0x96: {  	_ =	strace s2  }
0x97: {  	_ =	strace $0x8FFFFFFF  }
0x98: {  	s18 =	sld [smem:$0x3FDB];
	_ =	sdelay $0x1  }
0x99: {  	s19 =	simm.s32 $_scs_section_size  }
0x9a: {  	s4 =	simm.s32 $_size__tile_overlayer_lowered;
	s5 =	simm.s32 $_tile_overlayer_lowered  }
0x9b: {  	s22 =	simm.s32 $0x1BFF;
	s21 =	sshll.u32 s5, $0x1;
	s2 =	sadd.s32 s19, s18  }
0x9c: {  	s6 =	simm.s32 $0x0;
	s20 =	sshll.u32 s4, $0x1;
	s4 =	sadd.s32 s21, s2  }
0x9d: {  	[timem:s6], [sflag:s22] =	dma.local [hbm:s4], s20  }
0x9e: {  	_ =	swait.ge [sflag:s22], s20  }
0x9f: {  	s3 =	ssub.s32 $0x0, s20;
	[sflag:s22] =	ssyncset.done $0x0  }
0xa0: {  	[sflag:s22] =	ssyncadd.s32 s3;
	_ =	sdelay $0x1  }
0xa1: {  	s23 =	simm.s32 $0x1B8B  }
0xa2: {  	_ =	swait.ge [sflag:s23], $0x1  }
0xa3: {  	[sflag:s23] =	ssyncset.done $0x0  }
0xa4: {  	s25 =	simm.s32 $0x1B8E;
	s24 =	sld [smem:$0x3FFE];
	[sflag:s23] =	ssyncadd.s32 $0xFFFFFFFF  }
0xa5: {  	s26 =	simm.s32 $execute0_lowered;
	[smem:$0x3FD2] =	sst s25  }
0xa6: {  	s4 =	sshll.u32 s26, $0x1;
	_ =	strace $0x8000004C;
	[dreg:$0x1] =	wrdreg $0xFFFFFFFF  }
0xa7: {  	s28 =	simm.s32 $_size_execute0_lowered;
	s2 =	sadd.s32 s2, s4;
	[dreg:$0x0] =	wrdreg $0x0  }
0xa8: {  	s4 =	sshll.u32 s28, $0x1;
	[dreg:$0x2] =	wrdreg s2  }
0xa9: {  	[dreg:$0x3] =	wrdreg s4  }
0xaa: {  	[dreg:$0x4] =	wrdreg $0xC0  }
0xab: {  	_ =	task [dreg:s6], $0x5FFFF  }
0xac: {  	[dreg:$0x1] =	wrdreg $0xFFFFFFFF  }
0xad: {  	[dreg:$0x0] =	wrdreg $0x60  }
0xae: {  	[dreg:$0x2] =	wrdreg s24  }
0xaf: {  	[dreg:$0x3] =	wrdreg $0x9  }
0xb0: {  	_ =	task.clear_ibuf [dreg:s6], $0x4FFFF;
	_ =	strace $0x9000004C  }
0xb1: {  	s29 =	simm.s32 $0x9;
	_ =	strace $0x8000004E  }
0xb2: {  	_ =	swait.ge [sflag:s29], $0x1  }
0xb3: {  	[sflag:s29] =	ssyncadd.s32 $0xFFFFFFFF  }
0xb4: {  	_ =	strace $0x9000004E  }
0xb5: {  	_ =	sfence  }
0xb6: {  	s30 =	sld [smem:$0x0];
	_ =	sdelay $0x2  }
0xb7: {  	s31 =	sshll.u32 s1, $0xD;
	s1 =	sshrl.u32 s1, $0x2  }
0xb8: {  	s3 =	sand.u32 $0x4000, s31;
	s1 =	sadd.s32 s1, s30  }
0xb9: {  	s0 =	sor.u32 s3, s0;
	s1 =	sshll.u32 s1, $0x11  }
0xba: {  	s0 =	sor.u32 s1, s0  }
0xbb: {  	s0 =	sadd.s32 $0x8F2B, s0  }
0xbc: {  	[sflag:s0] =	ssyncadd.remote.s32 $0x1  }
0xbd: {  	_ =	sfence.sel $0xFFFF  }
0xbe: {  	[dreg:$0x0] =	wrdreg $0xFFFFFFFF;
	(pc) =	sbr.abs _section_cstart, $3  }
0xbf: {  	[dreg:$0x1] =	wrdreg $0xFFFFFFFF  }
0xc0: {  	_ =	task.clear_ibuf [dreg:s6], $0x2FFFF;
	_ =	strace $0x9FFFFFFF  }
0xc1: {  	(tm) =	ssettm $0x7FFFFFFF  }
tec
execute0_lowered:
.L_overlay_start_1:
0x0: {  	(tag) =	ssettag $0x1  }
0x1: {  	s0 =	srdreg.scid;
	s4 =	rddreg [dreg:$0x0]  }
0x2: {  	s1 =	stileid.u32;
	s2 =	simm.s32 $0x0;
	s10 =	simm.s32 $0xC80  }
0x3: {  	s11 =	simm.s32 $0x80;
	s12 =	simm.s32 $0x1900;
	s13 =	simm.s32 $0x5900  }
0x4: {  	s14 =	simm.s32 $0x1;
	s15 =	simm.s32 $0x2;
	s3 =	sand.u32 $0x1, s0  }
0x5: {  	s16 =	simm.s32 $0x0;
	s0 =	rddreg [dreg:$0x1];
	s5 =	sshll.u32 s3, $0x4  }
0x6: {  	[smem:$0x7FF] =	sst s2;
	s6 =	ssub.s32 $0x2, s3;
	s7 =	sor.u32 s1, s5  }
0x7: {  	_ =	strace $0x8000004D;
	s8 =	sshrl.u32 s6, $0x1;
	s5 =	smul.u32 $0x190, s7  }
0x8: {  	s3 =	sadd.s32 $0x2800, s4;
	s8 =	ssub.s32 s6, s8;
	s7 =	smul.u32 $0x19, s7  }
0x9: {  	s8 =	smax.u32 s8, $0x1;
	s9 =	sadd.s32 s5, s4;
	s4 =	sadd.s32 $0x9C800, s4  }
0xa: {  	s5 =	sadd.s32 $0x99600, s9;
	s6 =	sadd.s32 $0x96400, s9;
	s9 =	simm.s32 $0x3  }
.LBB2_1:
0xb: {  	[tilespmem:s2], [sflag:$0x3] =	stream.linear.gather [hbm4b:s5+s2], $0xC80, $0x38;
	[tilespmem:$0x9900] =	vst v63  }
0xc: {  	_ =	swait.ge [sflag:s9], $0xC80  }
0xd: {  	[sflag:s9] =	ssyncset.done $0x0  }
0xe: {  	[sflag:s9] =	ssyncadd.s32 $0xFFFFF380  }
0xf: {  	[tilespmem:s10], [sflag:$0x3] =	stream.linear.gather [hbm4b:s6+s2], $0xC80, $0x38;
	[tilespmem:$0x9900] =	vst v63  }
0x10: {  	_ =	swait.ge [sflag:s9], $0xC80  }
0x11: {  	[sflag:s9] =	ssyncset.done $0x0  }
0x12: {  	s17 =	simm.s32 $0x0;
	[sflag:s9] =	ssyncadd.s32 $0xFFFFF380  }
.LBB2_2:
0x13: {  	s18 =	sshll.u32 s17, $0x7  }
0x14: {  	[tilespmem:s12], [sflag:$0x1] =	stream.indirect.gather [hbm4b:s3+s11], $0x80, s18, s11, $0xb8;
	[tilespmem:$0x9900] =	vst v63  }
0x15: {  	s18 =	sadd.s32 $0xC80, s18  }
0x16: {  	[tilespmem:s13], [sflag:$0x2] =	stream.indirect.gather [hbm4b:s3+s11], $0x80, s18, s11, $0xb8;
	[tilespmem:$0x9900] =	vst v63  }
0x17: {  	_ =	swait.ge [sflag:s14], $0x4000  }
0x18: {  	[sflag:s14] =	ssyncset.done $0x0  }
0x19: {  	[sflag:s14] =	ssyncadd.s32 $0xFFFFC000  }
0x1a: {  	_ =	swait.ge [sflag:s15], $0x4000  }
0x1b: {  	[sflag:s15] =	ssyncset.done $0x0  }
0x1c: {  	s18 =	simm.s32 $0x0;
	[sflag:s15] =	ssyncadd.s32 $0xFFFFC000  }
0x1d: {  	v7 =	vld [tilespmem:s18+$0x5900]  }
0x1e: {  	v11 =	vld [tilespmem:s18+$0x5910]  }
0x1f: {  	v5 =	vld [tilespmem:s18+$0x5920]  }
0x20: {  	v4 =	vld [tilespmem:s18+$0x5930]  }
0x21: {  	v3 =	vld [tilespmem:s18+$0x5940]  }
0x22: {  	v2 =	vld [tilespmem:s18+$0x5950]  }
0x23: {  	v1 =	vld [tilespmem:s18+$0x5960]  }
0x24: {  	v0 =	vld [tilespmem:s18+$0x5970]  }
0x25: {  	v12 =	vld [tilespmem:s18+$0x1900]  }
0x26: {  	v13 =	vld [tilespmem:s18+$0x1910]  }
0x27: {  	v10 =	vld [tilespmem:s18+$0x1920]  }
0x28: {  	v9 =	vld [tilespmem:s18+$0x1930]  }
0x29: {  	v8 =	vld [tilespmem:s18+$0x1940]  }
0x2a: {  	v6 =	vld [tilespmem:s18+$0x1950];
	v12 =	vmul.f32 v7, v12  }
0x2b: {  	s19 =	simm.s32 $0x200;
	v11 =	vmul.f32 v11, v13;
	v7 =	vld [tilespmem:s18+$0x1960]  }
.LBB2_3:
0x2c: {  	s20 =	sshra.s32 s19, $0x2;
	p0 =	sne.s32 s19, $0xFE00;
	[tilespmem:s18+$0x1900] =	vst v12;
	v5 =	vmul.f32 v5, v10;
	v10 =	vld [tilespmem:s18+$0x1970]  }
0x2d: {  	v12 =	vld [tilespmem:s20+$0x5900];
	[tilespmem:s18+$0x1910] =	vst v11;
	v4 =	vmul.f32 v4, v9  }
0x2e: {  	v11 =	vld [tilespmem:s20+$0x5910];
	[tilespmem:s18+$0x1920] =	vst v5;
	v3 =	vmul.f32 v3, v8  }
0x2f: {  	v5 =	vld [tilespmem:s20+$0x5920];
	[tilespmem:s18+$0x1930] =	vst v4;
	v2 =	vmul.f32 v2, v6  }
0x30: {  	v4 =	vld [tilespmem:s20+$0x5930];
	[tilespmem:s18+$0x1940] =	vst v3;
	v1 =	vmul.f32 v1, v7  }
0x31: {  	v3 =	vld [tilespmem:s20+$0x5940];
	[tilespmem:s18+$0x1950] =	vst v2;
	v0 =	vmul.f32 v0, v10  }
0x32: {  	v2 =	vld [tilespmem:s20+$0x5950];
	[tilespmem:s18+$0x1960] =	vst v1  }
0x33: {  	v1 =	vld [tilespmem:s20+$0x5960];
	[tilespmem:s18+$0x1970] =	vst v0;
	s18 =	smov.u32 s20  }
0x34: {  	v0 =	vld [tilespmem:s18+$0x5970]  }
0x35: {  	v6 =	vld [tilespmem:s18+$0x1900]  }
0x36: {  	v7 =	vld [tilespmem:s18+$0x1910]  }
.Ltmp0:
0x37: {  	v10 =	vld [tilespmem:s18+$0x1920];
	(pc) =	sbr.rel @p0 .LBB2_3-.Ltmp0, $4  }
0x38: {  	v9 =	vld [tilespmem:s18+$0x1930]  }
0x39: {  	v8 =	vld [tilespmem:s18+$0x1940]  }
0x3a: {  	v12 =	vmul.f32 v12, v6;
	v6 =	vld [tilespmem:s18+$0x1950]  }
0x3b: {  	s19 =	sadd.s32 $0x200, s19;
	v11 =	vmul.f32 v11, v7;
	v7 =	vld [tilespmem:s18+$0x1960]  }
0x3c: {  	[tilespmem:s18+$0x1900] =	vst v12;
	v5 =	vmul.f32 v5, v10;
	v63 =	vld [tilespmem:s18+$0x1970]  }
0x3d: {  	[tilespmem:s18+$0x1910] =	vst v11;
	v4 =	vmul.f32 v4, v9  }
0x3e: {  	[tilespmem:s18+$0x1920] =	vst v5;
	v3 =	vmul.f32 v3, v8  }
0x3f: {  	[tilespmem:s18+$0x1930] =	vst v4;
	v2 =	vmul.f32 v2, v6  }
0x40: {  	[tilespmem:s18+$0x1940] =	vst v3;
	v1 =	vmul.f32 v1, v7  }
0x41: {  	s19 =	sadd.s32 s7, s17;
	s17 =	sadd.s32 $0x1, s17;
	[tilespmem:s18+$0x1950] =	vst v2;
	v0 =	vmul.f32 v0, v63  }
0x42: {  	s19 =	sshll.u32 s19, $0xB;
	p0 =	sne.s32 s17, $0x19;
	[tilespmem:s18+$0x1960] =	vst v1  }
.Ltmp1:
0x43: {  	s31 =	sadd.s32 s4, s19;
	[tilespmem:s18+$0x1970] =	vst v0;
	(pc) =	sbr.rel @p0 .LBB2_2-.Ltmp1, $4  }
0x44: {  	[hbm4b:s31+s2] =	stream.linear.scatter [tilespmem:s12], [sflag:$0x3], $0x4000, $0x38;
	[tilespmem:$0x9900] =	vst v63  }
0x45: {  	_ =	swait.ge [sflag:s9], $0x4000  }
0x46: {  	[sflag:s9] =	ssyncset.done $0x0  }
0x47: {  	[sflag:s9] =	ssyncadd.s32 $0xFFFFC000  }
0x48: {  	s16 =	sadd.s32 $0x1, s16  }
0x49: {  	p0 =	sne.s32 s16, s8  }
.Ltmp2:
0x4a: {  	_ = 	snop;
	(pc) =	sbr.rel @p0 .LBB2_1-.Ltmp2, $1  }
0x4b: {  	_ =	sdelay $0x3  }
0x4c: {  	_ =	sfence.sel $0x180000  }
0x4d: {  	[bflag:$0x0] =	sbarrier.arrive $0xFFFF  }
0x4e: {  	p0 =	sne.s32 s1, $0x0;
	_ =	strace $0x9000004D  }
0x4f: {  	s0 =	sadd.s32 @!p0 $0x100000, s0;
	[bflag:$0x2] =	sbarrier.arrive $0xFFFF  }
0x50: {  	[sflag:s0] =	ssyncadd.tile.s32 @!p0 $0x1;
	_ =	shalt  }
.Lfunc_end2:
_tile_overlayer_lowered:
.L_overlay_start_2:
0x51: {  	(tag) =	ssettag $0x2  }
0x52: {  	s0 =	rddreg [dreg:$0x0];
	s2 =	stileid.u32  }
0x53: {  	s1 =	rddreg [dreg:$0x1];
	p0 =	sne.s32 s2, $0x0  }
0x54: {  	s3 =	rddreg [dreg:$0x2];
	[bflag:$0x3] =	sbarrier.arrive $0xFFFF;
	s2 =	simm.s32 @!p0 $0x1C03  }
0x55: {  	[timem:s3], [sflag:s2] =	dma.local @!p0 [hbm:s0], s1  }
0x56: {  	s0 =	simm.s32 @!p0 $0x3  }
0x57: {  	_ =	swait.ge @!p0 [sflag:s0], s1  }
0x58: {  	s1 =	ssub.s32 @!p0 $0x0, s1;
	[sflag:s0] =	ssyncset.done @!p0 $0x0  }
0x59: {  	[sflag:s0] =	ssyncadd.s32 @!p0 s1  }
0x5a: {  	[bflag:$0x3] =	sbarrier.arrive $0xFFFF  }
0x5b: {  	_ =	shalt  }

// kernel: kernel.9.cloned.1.call-start
scs
__scs_entry_jumppad:
0x0: {  	(pc) =	sbr.rel $0x88, $3  }
0x1: {  	(tag) =	ssettag $0x0;
	lr =	simm.s32 $0x1  }
0x2: {  	[smem:$0x3F8E] =	sst lr;
	_ =	strace $0xD0000000  }
0x3: {  	_ = 	snop  }
0x4: {  	_ = 	snop  }
0x5: {  	_ = 	snop  }
0x6: {  	_ = 	snop  }
0x7: {  	_ = 	snop  }
__scs_overlays_trampoline_lowered:
0x8: {  	[smem:$0x3F9D] =	sst s0  }
0x9: {  	[smem:$0x3F9E] =	sst s1  }
0xa: {  	[smem:$0x3F9F] =	sst s2  }
0xb: {  	[smem:$0x3FA0] =	sst s3  }
0xc: {  	[smem:$0x3FA1] =	sst s4  }
0xd: {  	[smem:$0x3FA2] =	sst s5  }
0xe: {  	[smem:$0x3FA3] =	sst s6  }
0xf: {  	[smem:$0x3FA4] =	sst s7  }
0x10: {  	[smem:$0x3FA5] =	sst s8  }
0x11: {  	[smem:$0x3FA6] =	sst s9;
	s0 =	simm.s32 @!p0 $0x0  }
0x12: {  	s1 =	sld [smem:$0x3F8C];
	s0 =	simm.s32 @p0 $0x1  }
0x13: {  	[smem:$0x3FA7] =	sst s0;
	s0 =	simm.s32 @!p1 $0x0  }
0x14: {  	s2 =	sld [smem:$0x3F8B];
	s0 =	simm.s32 @p1 $0x1  }
0x15: {  	[smem:$0x3FA8] =	sst s0;
	s0 =	simm.s32 @!p2 $0x0  }
0x16: {  	s3 =	sld [smem:$0x3FDB];
	s0 =	simm.s32 @p2 $0x1  }
0x17: {  	s4 =	simm.s32 $0x1BF5;
	[smem:$0x3FAA] =	sst s0  }
0x18: {  	s0 =	sld [smem:$0x3F8D];
	_ =	swait.ge [sflag:s4], $0x0  }
0x19: {  	s7 =	sld [smem:$0x3F8E]  }
0x1a: {  	s8 =	sadd.s32 $0xFFFFE003, lr  }
0x1b: {  	s9 =	sadd.s32 $0xFFFFFEF7, lr;
	s5 =	simm.s32 $0xFFFFFFFF;
	p2 =	slt.u32 s8, $0xFFFFF086  }
0x1c: {  	p1 =	slt.u32 s9, $0xF7A;
	s5 =	simm.s32 @!p2 $0x0  }
0x1d: {  	s5 =	simm.s32 @p1 $0x1;
	p0 =	seq.s32 s7, s2  }
0x1e: {  	s7 =	smul.u32 @!p0 $0xF7A, s2;
	p2 =	seq.s32 @!p0 s5, $0x0  }
0x1f: {  	s9 =	smul.u32 $0xF7A, s1;
	s8 =	simm.s32 @!p0 $0x1BF5;
	p2 =	por !p2, p0  }
0x20: {  	[sflag:s8] =	ssyncset.s32 @!p0 $0xFFFFF086;
	s6 =	sadd.s32 @!p0 s3, s7;
	s7 =	simm.s32 @!p0 $0x108  }
0x21: {  	s3 =	sadd.s32 s3, s9;
	s6 =	sadd.s32 @!p0 $0x88, s6;
	s7 =	simm.s32 @p2 $0x1082  }
0x22: {  	[simem:s7], [sflag:s8] =	dma.local @!p0 [hbm:s6], $0xF7A  }
0x23: {  	s9 =	sor.u32 $0xD0000000, s2;
	s6 =	simm.s32 $0x108;
	_ =	swait.ge @!p0 [sflag:s8], $0x0  }
0x24: {  	s3 =	sadd.s32 $0x88, s3;
	s6 =	simm.s32 @!p1 $0x1082;
	[sflag:s4] =	ssyncset.s32 $0xFFFFF086  }
0x25: {  	[simem:s6], [sflag:s4] =	dma.local [hbm:s3], $0xF7A  }
0x26: {  	[smem:$0x3F8E] =	sst s1;
	(tag) =	ssettag s2;
	_ =	strace s9  }
0x27: {  	s1 =	sld [smem:$0x3F9E]  }
0x28: {  	s2 =	sld [smem:$0x3F9F]  }
0x29: {  	s4 =	sld [smem:$0x3FA1]  }
0x2a: {  	p0 =	seq.s32 s5, $0x0;
	s5 =	sld [smem:$0x3FA2]  }
0x2b: {  	s6 =	sld [smem:$0x3FA3]  }
0x2c: {  	s7 =	sld [smem:$0x3FA4]  }
0x2d: {  	s3 =	simm.s32 $0x108;
	s8 =	sld [smem:$0x3FA5]  }
0x2e: {  	s3 =	simm.s32 @!p0 $0x1082;
	s9 =	sld [smem:$0x3FA6]  }
0x2f: {  	lr =	sadd.s32 s0, s3;
	s0 =	sld [smem:$0x3F9D]  }
0x30: {  	s3 =	sld [smem:$0x3FA0]  }
0x31: {  	[smem:$0x3FA9] =	sst s10  }
0x32: {  	s10 =	sld [smem:$0x3FA7];
	_ =	sdelay $0x3  }
0x33: {  	p0 =	seq.s32 s10, $0x1;
	s10 =	sld [smem:$0x3FA9];
	_ =	sdelay $0x3  }
0x34: {  	[smem:$0x3FA9] =	sst s10  }
0x35: {  	s10 =	sld [smem:$0x3FA8];
	_ =	sdelay $0x3  }
0x36: {  	p1 =	seq.s32 s10, $0x1;
	s10 =	sld [smem:$0x3FA9];
	_ =	sdelay $0x3  }
0x37: {  	[smem:$0x3FA9] =	sst s10  }
0x38: {  	s10 =	sld [smem:$0x3FAA]  }
0x39: {  	_ = 	snop;
	(pc) =	sbr.ind lr, $3  }
0x3a: {  	_ = 	snop  }
0x3b: {  	_ = 	snop  }
0x3c: {  	p2 =	seq.s32 s10, $0x1;
	s10 =	sld [smem:$0x3FA9]  }
0x3d: {  	_ =	shalt  }
0x3e: {  	_ =	shalt  }
0x3f: {  	_ =	shalt  }
0x40: {  	_ =	shalt  }
0x41: {  	_ =	shalt  }
0x42: {  	_ =	shalt  }
0x43: {  	_ =	shalt  }
0x44: {  	_ =	shalt  }
0x45: {  	_ =	shalt  }
0x46: {  	_ =	shalt  }
0x47: {  	_ =	shalt  }
0x48: {  	_ =	shalt  }
0x49: {  	_ =	shalt  }
0x4a: {  	_ =	shalt  }
0x4b: {  	_ =	shalt  }
0x4c: {  	_ =	shalt  }
0x4d: {  	_ =	shalt  }
0x4e: {  	_ =	shalt  }
0x4f: {  	_ =	shalt  }
0x50: {  	_ =	shalt  }
0x51: {  	_ =	shalt  }
0x52: {  	_ =	shalt  }
0x53: {  	_ =	shalt  }
0x54: {  	_ =	shalt  }
0x55: {  	_ =	shalt  }
0x56: {  	_ =	shalt  }
0x57: {  	_ =	shalt  }
0x58: {  	_ =	shalt  }
0x59: {  	_ =	shalt  }
0x5a: {  	_ =	shalt  }
0x5b: {  	_ =	shalt  }
0x5c: {  	_ =	shalt  }
0x5d: {  	_ =	shalt  }
0x5e: {  	_ =	shalt  }
0x5f: {  	_ =	shalt  }
0x60: {  	_ =	shalt  }
0x61: {  	_ =	shalt  }
0x62: {  	_ =	shalt  }
0x63: {  	_ =	shalt  }
0x64: {  	_ =	shalt  }
0x65: {  	_ =	shalt  }
0x66: {  	_ =	shalt  }
0x67: {  	_ =	shalt  }
0x68: {  	_ =	shalt  }
0x69: {  	_ =	shalt  }
0x6a: {  	_ =	shalt  }
0x6b: {  	_ =	shalt  }
0x6c: {  	_ =	shalt  }
0x6d: {  	_ =	shalt  }
0x6e: {  	_ =	shalt  }
0x6f: {  	_ =	shalt  }
0x70: {  	_ =	shalt  }
0x71: {  	_ =	shalt  }
0x72: {  	_ =	shalt  }
0x73: {  	_ =	shalt  }
0x74: {  	_ =	shalt  }
0x75: {  	_ =	shalt  }
0x76: {  	_ =	shalt  }
0x77: {  	_ =	shalt  }
0x78: {  	_ =	shalt  }
0x79: {  	_ =	shalt  }
0x7a: {  	_ =	shalt  }
0x7b: {  	_ =	shalt  }
0x7c: {  	_ =	shalt  }
0x7d: {  	_ =	shalt  }
0x7e: {  	_ =	shalt  }
0x7f: {  	_ =	shalt  }
0x80: {  	_ =	shalt  }
0x81: {  	_ =	shalt  }
0x82: {  	_ =	shalt  }
0x83: {  	_ =	shalt  }
0x84: {  	_ =	shalt  }
0x85: {  	_ =	shalt  }
0x86: {  	_ =	shalt  }
0x87: {  	_ =	shalt  }
.Lfunc_end0:
.L_simem_size_0:
called_computation_lowered:
.L_overlay_start_0:
0x88: {  	s2 =	sld [smem:$0x3FD9]  }
0x89: {  	s3 =	sld [smem:$0x3FFE];
	_ =	sdelay $0x1  }
0x8a: {  	s1 =	srdreg.scid  }
0x8b: {  	s0 =	sand.u32 $0x1, s1  }
0x8c: {  	s17 =	sshll.u32 s0, $0xA;
	s2 =	sadd.s32 s3, s2  }
0x8d: {  	s2 =	sadd.s32 s2, s17  }
0x8e: {  	[smem:$0x3FB5] =	sst s2  }
0x8f: {  	_ = 	snop  }
0x90: {  	s2 =	sld [smem:$0x3FD0];
	(tm) =	ssettm $0x1  }
0x91: {  	s18 =	sld [smem:$0x3FFB];
	_ =	sdelay $0x3  }
0x92: {  	_ =	strace s18  }
0x93: {  	s3 =	sld [smem:$0x3FFC];
	_ =	sdelay $0x3  }
0x94: {  	_ =	strace s3  }
0x95: {  	s3 =	sld [smem:$0x3FFD];
	_ =	sdelay $0x3  }
0x96: {  	_ =	strace s3  }
0x97: {  	_ =	strace $0x8FFFFFFF  }
0x98: {  	s19 =	sld [smem:$0x3FDB];
	_ =	sdelay $0x1  }
0x99: {  	s4 =	simm.s32 $_scs_section_size  }
0x9a: {  	s5 =	simm.s32 $_size__tile_overlayer_lowered;
	s6 =	simm.s32 $_tile_overlayer_lowered  }
0x9b: {  	s22 =	simm.s32 $0x1BFF;
	s21 =	sshll.u32 s6, $0x1;
	s3 =	sadd.s32 s4, s19  }
0x9c: {  	s7 =	simm.s32 $0x0;
	s20 =	sshll.u32 s5, $0x1;
	s5 =	sadd.s32 s21, s3  }
0x9d: {  	[timem:s7], [sflag:s22] =	dma.local [hbm:s5], s20  }
0x9e: {  	_ =	swait.ge [sflag:s22], s20  }
0x9f: {  	s4 =	ssub.s32 $0x0, s20;
	[sflag:s22] =	ssyncset.done $0x0  }
0xa0: {  	[sflag:s22] =	ssyncadd.s32 s4;
	_ =	sdelay $0x1  }
0xa1: {  	s23 =	simm.s32 $0x1B8B  }
0xa2: {  	_ =	swait.ge [sflag:s23], $0x1  }
0xa3: {  	[sflag:s23] =	ssyncset.done $0x0  }
0xa4: {  	s25 =	simm.s32 $0x1B8E;
	s24 =	sld [smem:$0x3FFE];
	[sflag:s23] =	ssyncadd.s32 $0xFFFFFFFF  }
0xa5: {  	s26 =	simm.s32 $execute0_lowered;
	[smem:$0x3FD2] =	sst s25  }
0xa6: {  	s5 =	sshll.u32 s26, $0x1;
	_ =	strace $0x80000046;
	[dreg:$0x1] =	wrdreg $0xFFFFFFFF  }
0xa7: {  	s28 =	simm.s32 $_size_execute0_lowered;
	s3 =	sadd.s32 s3, s5;
	[dreg:$0x0] =	wrdreg $0x0  }
0xa8: {  	s5 =	sshll.u32 s28, $0x1;
	[dreg:$0x2] =	wrdreg s3  }
0xa9: {  	[dreg:$0x3] =	wrdreg s5  }
0xaa: {  	[dreg:$0x4] =	wrdreg $0xC0  }
0xab: {  	_ =	task [dreg:s7], $0x5FFFF  }
0xac: {  	[dreg:$0x1] =	wrdreg $0xFFFFFFFF  }
0xad: {  	[dreg:$0x0] =	wrdreg $0x60  }
0xae: {  	[dreg:$0x2] =	wrdreg s24  }
0xaf: {  	[dreg:$0x3] =	wrdreg s2  }
0xb0: {  	[dreg:$0x4] =	wrdreg $0x98000  }
0xb1: {  	[dreg:$0x5] =	wrdreg $0x1D4000  }
0xb2: {  	[dreg:$0x6] =	wrdreg $0x9  }
0xb3: {  	_ =	task.clear_ibuf [dreg:s7], $0x7FFFF;
	_ =	strace $0x90000046  }
0xb4: {  	s29 =	simm.s32 $0x9;
	_ =	strace $0x80000048  }
0xb5: {  	_ =	swait.ge [sflag:s29], $0x1  }
0xb6: {  	[sflag:s29] =	ssyncadd.s32 $0xFFFFFFFF  }
0xb7: {  	_ =	strace $0x90000048  }
0xb8: {  	_ =	sfence  }
0xb9: {  	s30 =	sld [smem:$0x0];
	_ =	sdelay $0x2  }
0xba: {  	s31 =	sshll.u32 s1, $0xD;
	s1 =	sshrl.u32 s1, $0x2  }
0xbb: {  	s3 =	sand.u32 $0x4000, s31;
	s1 =	sadd.s32 s1, s30  }
0xbc: {  	s0 =	sor.u32 s3, s0;
	s1 =	sshll.u32 s1, $0x11  }
0xbd: {  	s0 =	sor.u32 s1, s0  }
0xbe: {  	s0 =	sadd.s32 $0x8F2B, s0  }
0xbf: {  	[sflag:s0] =	ssyncadd.remote.s32 $0x1  }
0xc0: {  	_ =	sfence.sel $0xFFFF  }
0xc1: {  	[dreg:$0x0] =	wrdreg $0xFFFFFFFF;
	(pc) =	sbr.abs _section_cstart, $3  }
0xc2: {  	[dreg:$0x1] =	wrdreg $0xFFFFFFFF  }
0xc3: {  	_ =	task.clear_ibuf [dreg:s7], $0x2FFFF;
	_ =	strace $0x9FFFFFFF  }
0xc4: {  	(tm) =	ssettm $0x7FFFFFFF  }
0xc5: {  	_ =	shalt  }
tec
execute0_lowered:
.L_overlay_start_1:
0x0: {  	(tag) =	ssettag $0x1  }
0x1: {  	s1 =	rddreg [dreg:$0x0];
	s2 =	srdreg.scid  }
0x2: {  	s0 =	stileid.u32;
	s3 =	rddreg [dreg:$0x2]  }
0x3: {  	s4 =	rddreg [dreg:$0x3];
	s6 =	simm.s32 $0x0;
	s5 =	smul.u32 $0x13C00, s0  }
0x4: {  	s28 =	simm.s32 $0x1;
	s29 =	simm.s32 $0x0;
	s9 =	smul.u32 $0x2780, s0  }
0x5: {  	s30 =	simm.s32 $0x0;
	s2 =	sand.u32 $0x1, s2;
	s14 =	smul.u32 $0x278, s0  }
0x6: {  	[smem:$0x7FF] =	sst s6;
	s6 =	sadd.s32 $0x2800, s1;
	s7 =	smul.u32 $0x13C000, s2  }
0x7: {  	s8 =	smul.u32 $0x27800, s2;
	s18 =	ssub.s32 $0x2, s2;
	s2 =	sshll.u32 s2, $0x4  }
0x8: {  	_ =	strace $0x80000047;
	s11 =	sshrl.u32 s18, $0x1;
	s2 =	sor.u32 s0, s2  }
0x9: {  	s20 =	sadd.s32 $0x80, s14;
	s13 =	sadd.s32 $0x100, s14;
	s15 =	sadd.s32 $0x180, s14  }
0xa: {  	s17 =	sadd.s32 $0x200, s14;
	s10 =	sadd.s32 s5, s7;
	s7 =	sadd.s32 $0x29A00, s1  }
0xb: {  	s8 =	sadd.s32 s9, s8;
	s21 =	ssub.s32 s18, s11;
	s9 =	sadd.s32 s9, s4  }
0xc: {  	s22 =	sshll.u32 s20, $0x7;
	s23 =	sshll.u32 s13, $0x7;
	s24 =	sshll.u32 s13, $0x4  }
0xd: {  	s25 =	sshll.u32 s15, $0x7;
	s26 =	sshll.u32 s15, $0x4;
	s16 =	sshll.u32 s17, $0x7  }
0xe: {  	s31 =	sshll.u32 s17, $0x4;
	s18 =	smul.u32 $0x4F00, s2;
	s10 =	sshrl.u32 s10, $0x3  }
0xf: {  	s8 =	sshrl.u32 s8, $0x3;
	s12 =	sadd.s32 s23, s3;
	s13 =	sadd.s32 s24, s4  }
0x10: {  	v0 =	vlaneseq.u32;
	s14 =	sadd.s32 s25, s3;
	s15 =	sadd.s32 s26, s4;
	s16 =	sadd.s32 s16, s3  }
0x11: {  	v0 =	vmul.u32 $0x10, v0;
	s17 =	sadd.s32 s31, s4;
	s21 =	smax.u32 s21, $0x1;
	s23 =	simm.s32 $0x2  }
0x12: {  	s24 =	simm.s32 $0x5000;
	s25 =	simm.s32 $0x9000;
	s26 =	simm.s32 $0x80  }
0x13: {  	v1 =	vimm.f32 $0.0e+00;
	v2 =	vor.u32 $0x100, v0;
	s19 =	sadd.s32 s10, s1;
	s1 =	sadd.s32 s8, s1;
	s8 =	sadd.s32 s5, s3  }
0x14: {  	v3 =	vor.u32 $0x200, v0;
	v4 =	vor.u32 $0x300, v0;
	v5 =	vor.u32 $0x400, v0;
	s5 =	sshll.u32 s20, $0x4;
	s10 =	sadd.s32 s22, s3;
	s22 =	simm.s32 $0x100  }
0x15: {  	v6 =	vor.u32 $0x500, v0;
	v7 =	vor.u32 $0x600, v0;
	v8 =	vor.u32 $0x700, v0;
	s11 =	sadd.s32 s5, s4;
	s19 =	sadd.s32 $0x47400, s19;
	s20 =	sadd.s32 $0x3D600, s1  }
.LBB2_1:
0x16: {  	s0 =	rddreg [dreg:$0x1];
	s1 =	simm.s32 $0x0  }
0x17: {  	[tilespmem:s22], [sflag:$0x2] =	stream.linear.gather [hbm4b:s0+s1], $0x4F00, $0x38;
	[tilespmem:$0x1FB80] =	vst v63  }
0x18: {  	_ =	swait.ge [sflag:s23], $0x4F00  }
0x19: {  	[sflag:s23] =	ssyncset.done $0x0  }
0x1a: {  	s1 =	simm.s32 $0x5040;
	[sflag:s23] =	ssyncadd.s32 $0xFFFFB100  }
0x1b: {  	[tilespmem:s1+$0xFFFFFFD0] =	vst v1  }
0x1c: {  	[tilespmem:s1+$0xFFFFFFE0] =	vst v1  }
0x1d: {  	[tilespmem:s1+$0xFFFFFFF0] =	vst v1  }
0x1e: {  	[tilespmem:s1+$0x0] =	vst v1  }
0x1f: {  	[tilespmem:s1+$0x10] =	vst v1  }
0x20: {  	[tilespmem:s1+$0x20] =	vst v1  }
0x21: {  	[tilespmem:s1+$0x30] =	vst v1  }
0x22: {  	s5 =	simm.s32 $0x0;
	s2 =	simm.s32 $0x40;
	[tilespmem:s1+$0xFFFFFFC0] =	vst v1  }
.LBB2_2:
0x23: {  	p0 =	sne.s32 s2, $0x1FC0;
	[tilespmem:s5+$0x9000] =	vst v1;
	s1 =	sadd.s32 $0x80, s1  }
0x24: {  	[tilespmem:s1+$0xFFFFFFD0] =	vst v1  }
0x25: {  	[tilespmem:s1+$0xFFFFFFE0] =	vst v1  }
0x26: {  	[tilespmem:s1+$0xFFFFFFF0] =	vst v1  }
.Ltmp0:
0x27: {  	[tilespmem:s1+$0x0] =	vst v1;
	(pc) =	sbr.rel @p0 .LBB2_2-.Ltmp0, $4  }
0x28: {  	[tilespmem:s1+$0x10] =	vst v1  }
0x29: {  	[tilespmem:s1+$0x20] =	vst v1  }
0x2a: {  	[tilespmem:s1+$0x30] =	vst v1  }
0x2b: {  	s5 =	sshra.s32 s2, $0x2;
	s2 =	sadd.s32 $0x40, s2;
	[tilespmem:s1+$0xFFFFFFC0] =	vst v1  }
0x2c: {  	[tilespmem:s5+$0x9000] =	vst v1  }
0x2d: {  	[spmem:s8] =	stream.linear.scatter [tilespmem:s24], [sflag:$0x2], $0x4000, $0x38;
	[tilespmem:$0x1FB80] =	vst v63  }
0x2e: {  	_ =	swait.ge [sflag:s23], $0x4000  }
0x2f: {  	[sflag:s23] =	ssyncset.done $0x0  }
0x30: {  	[sflag:s23] =	ssyncadd.s32 $0xFFFFC000  }
0x31: {  	[spmem:s9] =	stream.linear.scatter [tilespmem:s25], [sflag:$0x2], $0x800, $0x38;
	[tilespmem:$0x1FB80] =	vst v63  }
0x32: {  	_ =	swait.ge [sflag:s23], $0x800  }
0x33: {  	[sflag:s23] =	ssyncset.done $0x0  }
0x34: {  	[sflag:s23] =	ssyncadd.s32 $0xFFFFF800  }
0x35: {  	[spmem:s10] =	stream.linear.scatter [tilespmem:s24], [sflag:$0x2], $0x4000, $0x38;
	[tilespmem:$0x1FB80] =	vst v63  }
0x36: {  	_ =	swait.ge [sflag:s23], $0x4000  }
0x37: {  	[sflag:s23] =	ssyncset.done $0x0  }
0x38: {  	[sflag:s23] =	ssyncadd.s32 $0xFFFFC000  }
0x39: {  	[spmem:s11] =	stream.linear.scatter [tilespmem:s25], [sflag:$0x2], $0x800, $0x38;
	[tilespmem:$0x1FB80] =	vst v63  }
0x3a: {  	_ =	swait.ge [sflag:s23], $0x800  }
0x3b: {  	[sflag:s23] =	ssyncset.done $0x0  }
0x3c: {  	[sflag:s23] =	ssyncadd.s32 $0xFFFFF800  }
0x3d: {  	[spmem:s12] =	stream.linear.scatter [tilespmem:s24], [sflag:$0x2], $0x4000, $0x38;
	[tilespmem:$0x1FB80] =	vst v63  }
0x3e: {  	_ =	swait.ge [sflag:s23], $0x4000  }
0x3f: {  	[sflag:s23] =	ssyncset.done $0x0  }
0x40: {  	[sflag:s23] =	ssyncadd.s32 $0xFFFFC000  }
0x41: {  	[spmem:s13] =	stream.linear.scatter [tilespmem:s25], [sflag:$0x2], $0x800, $0x38;
	[tilespmem:$0x1FB80] =	vst v63  }
0x42: {  	_ =	swait.ge [sflag:s23], $0x800  }
0x43: {  	[sflag:s23] =	ssyncset.done $0x0  }
0x44: {  	[sflag:s23] =	ssyncadd.s32 $0xFFFFF800  }
0x45: {  	[spmem:s14] =	stream.linear.scatter [tilespmem:s24], [sflag:$0x2], $0x4000, $0x38;
	[tilespmem:$0x1FB80] =	vst v63  }
0x46: {  	_ =	swait.ge [sflag:s23], $0x4000  }
0x47: {  	[sflag:s23] =	ssyncset.done $0x0  }
0x48: {  	[sflag:s23] =	ssyncadd.s32 $0xFFFFC000  }
0x49: {  	[spmem:s15] =	stream.linear.scatter [tilespmem:s25], [sflag:$0x2], $0x800, $0x38;
	[tilespmem:$0x1FB80] =	vst v63  }
0x4a: {  	_ =	swait.ge [sflag:s23], $0x800  }
0x4b: {  	[sflag:s23] =	ssyncset.done $0x0  }
0x4c: {  	[sflag:s23] =	ssyncadd.s32 $0xFFFFF800  }
0x4d: {  	[spmem:s16] =	stream.linear.scatter [tilespmem:s24], [sflag:$0x2], $0x3C00, $0x38;
	[tilespmem:$0x1FB80] =	vst v63  }
0x4e: {  	_ =	swait.ge [sflag:s23], $0x3C00  }
0x4f: {  	[sflag:s23] =	ssyncset.done $0x0  }
0x50: {  	[sflag:s23] =	ssyncadd.s32 $0xFFFFC400  }
0x51: {  	[spmem:s17] =	stream.linear.scatter [tilespmem:s25], [sflag:$0x2], $0x780, $0x38;
	[tilespmem:$0x1FB80] =	vst v63  }
0x52: {  	_ =	swait.ge [sflag:s23], $0x780  }
0x53: {  	[sflag:s23] =	ssyncset.done $0x0  }
0x54: {  	[sflag:s23] =	ssyncadd.s32 $0xFFFFF880  }
0x55: {  	s31 =	simm.s32 $0x0;
	[bflag:$0x0] =	sbarrier.arrive $0xFFFF  }
.LBB2_4:
0x56: {  	s1 =	sshll.u32 s31, $0x8  }
0x57: {  	s1 =	sadd.s32 s18, s1  }
0x58: {  	s1 =	sshrl.u32 s1, $0x3  }
0x59: {  	s1 =	sadd.s32 s7, s1  }
0x5a: {  	[tilespmem:s30], [sflag:$0x2] =	stream.linear.gather [hbm4b:s1+s30], $0x100, $0x38;
	[tilespmem:$0x1FB80] =	vst v63  }
0x5b: {  	_ =	swait.ge [sflag:s23], $0x100  }
0x5c: {  	[sflag:s23] =	ssyncset.done $0x0  }
0x5d: {  	[sflag:s23] =	ssyncadd.s32 $0xFFFFFF00  }
0x5e: {  	[tilespmem:s24], [sflag:$0x1] =	stream.indirect.gather [hbm4b:s6+s26], $0x80, s30, s26, $0xb8;
	[tilespmem:$0x1FB80] =	vst v63  }
0x5f: {  	v9 =	vld [tilespmem:$0x0]  }
0x60: {  	v10 =	vld [tilespmem:$0x80];
	_ =	sdelay $0x4  }
0x61: {  	v9 =	vshll.u32 v9, $0x1;
	v10 =	vshll.u32 v10, $0x1  }
0x62: {  	v10 =	vor.u32 $0x1, v10;
	_ =	sdelay $0x3  }
0x63: {  	v9 =	vld.idx.msk [tilespmem:v9+s22+$0x0], $0xffff  }
0x64: {  	v10 =	vld.idx.msk [tilespmem:v10+s22+$0x0], $0xffff;
	_ =	sdelay $0x4  }
0x65: {  	v9 =	vadd.f32 v10, v9;
	_ =	sdelay $0x1  }
0x66: {  	v10 =	vmul.f32 $2.000000030e-01, v9  }
0x67: {  	vm0 =	vgt.f32 v9, $0.0e+00  }
0x68: {  	v9 =	vsel vm0, v9, v10  }
0x69: {  	v9 =	vmul.f32 $1.442695020e+00, v9;
	_ =	sdelay $0x1  }
0x6a: {  	(erf) = vpow2.f32 v9;
	_ =	sdelay $0x8  }
0x6b: {  	v9 =	vpop (erf)  }
0x6c: {  	[tilespmem:v0+s25+$0x0] =	vst.idx.msk $0xffff, v9  }
0x6d: {  	v9 =	vld [tilespmem:$0x10]  }
0x6e: {  	v10 =	vld [tilespmem:$0x90];
	_ =	sdelay $0x4  }
0x6f: {  	v9 =	vshll.u32 v9, $0x1;
	v10 =	vshll.u32 v10, $0x1  }
0x70: {  	v10 =	vor.u32 $0x1, v10;
	_ =	sdelay $0x3  }
0x71: {  	v9 =	vld.idx.msk [tilespmem:v9+s22+$0x0], $0xffff  }
0x72: {  	v10 =	vld.idx.msk [tilespmem:v10+s22+$0x0], $0xffff;
	_ =	sdelay $0x4  }
0x73: {  	v9 =	vadd.f32 v10, v9;
	_ =	sdelay $0x1  }
0x74: {  	v10 =	vmul.f32 $2.000000030e-01, v9  }
0x75: {  	vm9 =	vgt.f32 v9, $0.0e+00  }
0x76: {  	v9 =	vsel vm9, v9, v10  }
0x77: {  	v9 =	vmul.f32 $1.442695020e+00, v9;
	_ =	sdelay $0x1  }
0x78: {  	(erf) = vpow2.f32 v9;
	_ =	sdelay $0x8  }
0x79: {  	v9 =	vpop (erf)  }
0x7a: {  	[tilespmem:v2+s25+$0x0] =	vst.idx.msk $0xffff, v9  }
0x7b: {  	v9 =	vld [tilespmem:$0x20]  }
0x7c: {  	v10 =	vld [tilespmem:$0xA0];
	_ =	sdelay $0x4  }
0x7d: {  	v9 =	vshll.u32 v9, $0x1;
	v10 =	vshll.u32 v10, $0x1  }
0x7e: {  	v10 =	vor.u32 $0x1, v10;
	_ =	sdelay $0x3  }
0x7f: {  	v9 =	vld.idx.msk [tilespmem:v9+s22+$0x0], $0xffff  }
0x80: {  	v10 =	vld.idx.msk [tilespmem:v10+s22+$0x0], $0xffff;
	_ =	sdelay $0x4  }
0x81: {  	v9 =	vadd.f32 v10, v9;
	_ =	sdelay $0x1  }
0x82: {  	v10 =	vmul.f32 $2.000000030e-01, v9  }
0x83: {  	vm10 =	vgt.f32 v9, $0.0e+00  }
0x84: {  	v9 =	vsel vm10, v9, v10  }
0x85: {  	v9 =	vmul.f32 $1.442695020e+00, v9;
	_ =	sdelay $0x1  }
0x86: {  	(erf) = vpow2.f32 v9;
	_ =	sdelay $0x8  }
0x87: {  	v9 =	vpop (erf)  }
0x88: {  	[tilespmem:v3+s25+$0x0] =	vst.idx.msk $0xffff, v9  }
0x89: {  	v9 =	vld [tilespmem:$0x30]  }
0x8a: {  	v10 =	vld [tilespmem:$0xB0];
	_ =	sdelay $0x4  }
0x8b: {  	v9 =	vshll.u32 v9, $0x1;
	v10 =	vshll.u32 v10, $0x1  }
0x8c: {  	v10 =	vor.u32 $0x1, v10;
	_ =	sdelay $0x3  }
0x8d: {  	v9 =	vld.idx.msk [tilespmem:v9+s22+$0x0], $0xffff  }
0x8e: {  	v10 =	vld.idx.msk [tilespmem:v10+s22+$0x0], $0xffff;
	_ =	sdelay $0x4  }
0x8f: {  	v9 =	vadd.f32 v10, v9;
	_ =	sdelay $0x1  }
0x90: {  	v10 =	vmul.f32 $2.000000030e-01, v9  }
0x91: {  	vm11 =	vgt.f32 v9, $0.0e+00  }
0x92: {  	v9 =	vsel vm11, v9, v10  }
0x93: {  	v9 =	vmul.f32 $1.442695020e+00, v9;
	_ =	sdelay $0x1  }
0x94: {  	(erf) = vpow2.f32 v9;
	_ =	sdelay $0x8  }
0x95: {  	v9 =	vpop (erf)  }
0x96: {  	[tilespmem:v4+s25+$0x0] =	vst.idx.msk $0xffff, v9  }
0x97: {  	v9 =	vld [tilespmem:$0x40]  }
0x98: {  	v10 =	vld [tilespmem:$0xC0];
	_ =	sdelay $0x4  }
0x99: {  	v9 =	vshll.u32 v9, $0x1;
	v10 =	vshll.u32 v10, $0x1  }
0x9a: {  	v10 =	vor.u32 $0x1, v10;
	_ =	sdelay $0x3  }
0x9b: {  	v9 =	vld.idx.msk [tilespmem:v9+s22+$0x0], $0xffff  }
0x9c: {  	v10 =	vld.idx.msk [tilespmem:v10+s22+$0x0], $0xffff;
	_ =	sdelay $0x4  }
0x9d: {  	v9 =	vadd.f32 v10, v9;
	_ =	sdelay $0x1  }
0x9e: {  	v10 =	vmul.f32 $2.000000030e-01, v9  }
0x9f: {  	vm12 =	vgt.f32 v9, $0.0e+00  }
0xa0: {  	v9 =	vsel vm12, v9, v10  }
0xa1: {  	v9 =	vmul.f32 $1.442695020e+00, v9;
	_ =	sdelay $0x1  }
0xa2: {  	(erf) = vpow2.f32 v9;
	_ =	sdelay $0x8  }
0xa3: {  	v9 =	vpop (erf)  }
0xa4: {  	[tilespmem:v5+s25+$0x0] =	vst.idx.msk $0xffff, v9  }
0xa5: {  	v9 =	vld [tilespmem:$0x50]  }
0xa6: {  	v10 =	vld [tilespmem:$0xD0];
	_ =	sdelay $0x4  }
0xa7: {  	v9 =	vshll.u32 v9, $0x1;
	v10 =	vshll.u32 v10, $0x1  }
0xa8: {  	v10 =	vor.u32 $0x1, v10;
	_ =	sdelay $0x3  }
0xa9: {  	v9 =	vld.idx.msk [tilespmem:v9+s22+$0x0], $0xffff  }
0xaa: {  	v10 =	vld.idx.msk [tilespmem:v10+s22+$0x0], $0xffff;
	_ =	sdelay $0x4  }
0xab: {  	v9 =	vadd.f32 v10, v9;
	_ =	sdelay $0x1  }
0xac: {  	v10 =	vmul.f32 $2.000000030e-01, v9  }
0xad: {  	vm13 =	vgt.f32 v9, $0.0e+00  }
0xae: {  	v9 =	vsel vm13, v9, v10  }
0xaf: {  	v9 =	vmul.f32 $1.442695020e+00, v9;
	_ =	sdelay $0x1  }
0xb0: {  	(erf) = vpow2.f32 v9;
	_ =	sdelay $0x8  }
0xb1: {  	v9 =	vpop (erf)  }
0xb2: {  	[tilespmem:v6+s25+$0x0] =	vst.idx.msk $0xffff, v9  }
0xb3: {  	v9 =	vld [tilespmem:$0x60]  }
0xb4: {  	v10 =	vld [tilespmem:$0xE0];
	_ =	sdelay $0x4  }
0xb5: {  	v9 =	vshll.u32 v9, $0x1;
	v10 =	vshll.u32 v10, $0x1  }
0xb6: {  	v10 =	vor.u32 $0x1, v10;
	_ =	sdelay $0x3  }
0xb7: {  	v9 =	vld.idx.msk [tilespmem:v9+s22+$0x0], $0xffff  }
0xb8: {  	v10 =	vld.idx.msk [tilespmem:v10+s22+$0x0], $0xffff;
	_ =	sdelay $0x4  }
0xb9: {  	v9 =	vadd.f32 v10, v9;
	_ =	sdelay $0x1  }
0xba: {  	v10 =	vmul.f32 $2.000000030e-01, v9  }
0xbb: {  	vm14 =	vgt.f32 v9, $0.0e+00  }
0xbc: {  	v9 =	vsel vm14, v9, v10  }
0xbd: {  	v9 =	vmul.f32 $1.442695020e+00, v9;
	_ =	sdelay $0x1  }
0xbe: {  	(erf) = vpow2.f32 v9;
	_ =	sdelay $0x8  }
0xbf: {  	v9 =	vpop (erf)  }
0xc0: {  	[tilespmem:v7+s25+$0x0] =	vst.idx.msk $0xffff, v9  }
0xc1: {  	v9 =	vld [tilespmem:$0x70]  }
0xc2: {  	v10 =	vld [tilespmem:$0xF0];
	_ =	sdelay $0x4  }
0xc3: {  	v9 =	vshll.u32 v9, $0x1;
	v10 =	vshll.u32 v10, $0x1  }
0xc4: {  	v10 =	vor.u32 $0x1, v10;
	_ =	sdelay $0x3  }
0xc5: {  	v9 =	vld.idx.msk [tilespmem:v9+s22+$0x0], $0xffff  }
0xc6: {  	v10 =	vld.idx.msk [tilespmem:v10+s22+$0x0], $0xffff;
	_ =	sdelay $0x4  }
0xc7: {  	v9 =	vadd.f32 v10, v9;
	_ =	sdelay $0x1  }
0xc8: {  	v10 =	vmul.f32 $2.000000030e-01, v9  }
0xc9: {  	vm15 =	vgt.f32 v9, $0.0e+00  }
0xca: {  	v9 =	vsel vm15, v9, v10  }
0xcb: {  	v9 =	vmul.f32 $1.442695020e+00, v9;
	_ =	sdelay $0x1  }
0xcc: {  	(erf) = vpow2.f32 v9;
	_ =	sdelay $0x8  }
0xcd: {  	v9 =	vpop (erf)  }
0xce: {  	[tilespmem:v8+s25+$0x0] =	vst.idx.msk $0xffff, v9  }
0xcf: {  	s5 =	simm.s32 $0x0;
	_ =	swait.ge [sflag:s28], $0x4000  }
0xd0: {  	v9 =	vmov s5;
	[sflag:s28] =	ssyncset.done $0x0  }
0xd1: {  	s2 =	simm.s32 $0x5040;
	[sflag:s28] =	ssyncadd.s32 $0xFFFFC000  }
0xd2: {  	v13 =	vld [tilespmem:s2+$0x30]  }
0xd3: {  	v16 =	vld [tilespmem:s2+$0x10]  }
0xd4: {  	v14 =	vld [tilespmem:s2+$0xFFFFFFC0]  }
0xd5: {  	v10 =	vld.idx.msk [tilespmem:v9+s25+$0x0], $0xffff  }
0xd6: {  	v18 =	vld [tilespmem:s2+$0xFFFFFFE0]  }
0xd7: {  	v11 =	vld [tilespmem:s2+$0x20]  }
0xd8: {  	v12 =	vld [tilespmem:s2+$0xFFFFFFD0]  }
0xd9: {  	v9 =	vld [tilespmem:s2+$0xFFFFFFF0]  }
0xda: {  	v17 =	vmul.f32 v13, v10;
	v13 =	vld [tilespmem:s2+$0x0]  }
0xdb: {  	v15 =	vmul.f32 v14, v10  }
0xdc: {  	s1 =	simm.s32 $0x1;
	s5 =	simm.s32 $0x5040;
	v14 =	vmul.f32 v18, v10;
	v16 =	vmul.f32 v16, v10  }
.LBB2_5:
0xdd: {  	p0 =	sne.s32 s1, $0x7F  }
0xde: {  	v12 =	vmul.f32 v12, v10;
	v11 =	vmul.f32 v11, v10;
	[tilespmem:s2+$0x30] =	vst v17;
	s5 =	sadd.s32 $0x80, s5;
	s0 =	smov.u32 s1;
	s1 =	sadd.s32 $0x1, s1  }
0xdf: {  	[tilespmem:s2+$0xFFFFFFC0] =	vst v15;
	v15 =	vmul.f32 v9, v10;
	v10 =	vmul.f32 v13, v10  }
0xe0: {  	s0 =	sshll.u32 s0, $0x4;
	[tilespmem:s2+$0x10] =	vst v16  }
0xe1: {  	v13 =	vmov s0;
	[tilespmem:s2+$0xFFFFFFE0] =	vst v14  }
0xe2: {  	v9 =	vld [tilespmem:s5+$0xFFFFFFF0];
	[tilespmem:s2+$0xFFFFFFF0] =	vst v15  }
0xe3: {  	v14 =	vld [tilespmem:s5+$0x30];
	[tilespmem:s2+$0x0] =	vst v10  }
0xe4: {  	v16 =	vld [tilespmem:s5+$0x10];
	[tilespmem:s2+$0x20] =	vst v11  }
0xe5: {  	v15 =	vld [tilespmem:s5+$0xFFFFFFC0];
	[tilespmem:s2+$0xFFFFFFD0] =	vst v12;
	s2 =	smov.u32 s5  }
0xe6: {  	v10 =	vld.idx.msk [tilespmem:v13+s25+$0x0], $0xffff  }
0xe7: {  	v18 =	vld [tilespmem:s5+$0xFFFFFFE0]  }
0xe8: {  	v11 =	vld [tilespmem:s5+$0x20]  }
.Ltmp1:
0xe9: {  	v12 =	vld [tilespmem:s5+$0xFFFFFFD0];
	(pc) =	sbr.rel @p0 .LBB2_5-.Ltmp1, $3  }
0xea: {  	v13 =	vld [tilespmem:s5+$0x0];
	_ =	sdelay $0x1  }
0xeb: {  	v15 =	vmul.f32 v15, v10;
	v17 =	vmul.f32 v14, v10  }
0xec: {  	v16 =	vmul.f32 v16, v10;
	v14 =	vmul.f32 v18, v10  }
0xed: {  	[tilespmem:s2+$0x30] =	vst v17  }
0xee: {  	[tilespmem:s2+$0xFFFFFFC0] =	vst v15  }
0xef: {  	v9 =	vmul.f32 v9, v10;
	[tilespmem:s2+$0x10] =	vst v16  }
0xf0: {  	v11 =	vmul.f32 v11, v10;
	[tilespmem:s2+$0xFFFFFFE0] =	vst v14  }
0xf1: {  	v13 =	vmul.f32 v13, v10;
	[tilespmem:s2+$0xFFFFFFF0] =	vst v9  }
0xf2: {  	v9 =	vmul.f32 v12, v10;
	[tilespmem:s2+$0x20] =	vst v11  }
0xf3: {  	[tilespmem:s2+$0x0] =	vst v13  }
0xf4: {  	[tilespmem:s2+$0xFFFFFFD0] =	vst v9  }
0xf5: {  	[spmem:s3] =	stream.indirect.scatter.add.f32 [tilespmem:s24], [sflag:$0x2], $0x80, s26, s26, $0xb8;
	[tilespmem:$0x1FB80] =	vst v63  }
0xf6: {  	s31 =	sadd.s32 $0x1, s31;
	_ =	swait.ge [sflag:s23], $0x4000  }
0xf7: {  	p0 =	sne.s32 s31, $0x4F;
	[sflag:s23] =	ssyncset.done $0x0  }
.Ltmp2:
0xf8: {  	[sflag:s23] =	ssyncadd.s32 $0xFFFFC000;
	(pc) =	sbr.rel @p0 .LBB2_4-.Ltmp2, $4  }
0xf9: {  	[spmem:s4] =	stream.indirect.scatter.add.f32 [tilespmem:s25], [sflag:$0x2], $0x10, s26, s26, $0xb8;
	[tilespmem:$0x1FB80] =	vst v63  }
0xfa: {  	_ =	swait.ge [sflag:s23], $0x800  }
0xfb: {  	[sflag:s23] =	ssyncset.done $0x0  }
0xfc: {  	[sflag:s23] =	ssyncadd.s32 $0xFFFFF800  }
0xfd: {  	s0 =	stileid.u32  }
0xfe: {  	s0 =	sshll.u32 s0, $0x6  }
0xff: {  	[bflag:$0x0] =	sbarrier.arrive $0xFFFF;
	s1 =	sshrl.u32 s8, $0x3;
	s0 =	sor.u32 $0x1C02, s0  }
0x100: {  	[hbm:s19], [sflag:s0] =	dma.local [spmem:s1], $0x2780  }
0x101: {  	s29 =	sadd.s32 $0x1, s29;
	_ =	swait.ge [sflag:s23], $0x2780  }
0x102: {  	p0 =	sne.s32 s29, s21;
	[sflag:s23] =	ssyncset.done $0x0  }
.Ltmp3:
0x103: {  	s31 =	sshrl.u32 s9, $0x3;
	[sflag:s23] =	ssyncadd.s32 $0xFFFFD880;
	(pc) =	sbr.rel @p0 .LBB2_1-.Ltmp3, $4  }
0x104: {  	[hbm:s20], [sflag:s0] =	dma.local [spmem:s31], $0x4F0  }
0x105: {  	_ =	swait.ge [sflag:s23], $0x4F0  }
0x106: {  	[sflag:s23] =	ssyncset.done $0x0  }
0x107: {  	[sflag:s23] =	ssyncadd.s32 $0xFFFFFB10  }
0x108: {  	_ =	sfence.sel $0x180000  }
0x109: {  	[bflag:$0x0] =	sbarrier.arrive $0xFFFF  }
0x10a: {  	_ =	strace $0x90000047  }
0x10b: {  	s0 =	stileid.u32;
	[bflag:$0x2] =	sbarrier.arrive $0xFFFF  }
0x10c: {  	p0 =	sne.s32 s0, $0x0;
	s0 =	rddreg [dreg:$0x4]  }
0x10d: {  	s0 =	sadd.s32 @!p0 $0x100000, s0  }
0x10e: {  	[sflag:s0] =	ssyncadd.tile.s32 @!p0 $0x1;
	_ =	shalt  }
.Lfunc_end2:
_tile_overlayer_lowered:
.L_overlay_start_2:
0x10f: {  	(tag) =	ssettag $0x2  }
0x110: {  	s0 =	rddreg [dreg:$0x0];
	s2 =	stileid.u32  }
0x111: {  	s1 =	rddreg [dreg:$0x1];
	p0 =	sne.s32 s2, $0x0  }
0x112: {  	s3 =	rddreg [dreg:$0x2];
	[bflag:$0x3] =	sbarrier.arrive $0xFFFF;
	s2 =	simm.s32 @!p0 $0x1C02  }
0x113: {  	[timem:s3], [sflag:s2] =	dma.local @!p0 [hbm:s0], s1  }
0x114: {  	s0 =	simm.s32 @!p0 $0x2  }
0x115: {  	_ =	swait.ge @!p0 [sflag:s0], s1  }
0x116: {  	s1 =	ssub.s32 @!p0 $0x0, s1;
	[sflag:s0] =	ssyncset.done @!p0 $0x0  }
0x117: {  	[sflag:s0] =	ssyncadd.s32 @!p0 s1  }
0x118: {  	[bflag:$0x3] =	sbarrier.arrive $0xFFFF  }
0x119: {  	_ =	shalt  }

</sc_bundles>
